<compile_context>
chip_gen: v7x
topology: tpu7x:2x2x1
jax: 0.10.2.dev20260603
libtpu: 0.0.44.dev20260713+nightly
codegen_flags: <defaults>
</compile_context>

<pallas_src>
import functools

import jax
import jax.numpy as jnp
from jax import lax
from jax.experimental import pallas as pl
from jax.experimental.pallas import tpu as pltpu
from jax.experimental.pallas import tpu_sc as plsc

_NC = 2
_NS = 16
_NW = _NC * _NS
_L = 16
_CH = 64


def _floor_f32(v):
    t = v.astype(jnp.int32).astype(jnp.float32)
    return jnp.where(v < t, t - 1.0, t)


def _plane_lookup_sc(table, xs, ys, res, C, B):
    b_per_w = B // _NW
    n_chunks = b_per_w // _CH
    assert n_chunks % 2 == 0
    fres = float(res)
    nseg = C // _L

    mesh = plsc.VectorSubcoreMesh(
        core_axis_name="c", subcore_axis_name="s",
        num_cores=_NC, num_subcores=_NS)

    @functools.partial(
        pl.kernel,
        out_type=jax.ShapeDtypeStruct((B, C), jnp.float32),
        mesh=mesh,
        scratch_types=dict(
            xs_v=pltpu.VMEM((B // _NW,), jnp.float32),
            ys_v=pltpu.VMEM((B // _NW,), jnp.float32),
            idx0=pltpu.VMEM((4, _CH), jnp.int32),
            idx1=pltpu.VMEM((4, _CH), jnp.int32),
            w0=pltpu.VMEM((4, _CH + _L), jnp.float32),
            w1=pltpu.VMEM((4, _CH + _L), jnp.float32),
            rows0=pltpu.VMEM((4, _CH, C), jnp.float32),
            rows1=pltpu.VMEM((4, _CH, C), jnp.float32),
            out0=pltpu.VMEM((_CH, C), jnp.float32),
            out1=pltpu.VMEM((_CH, C), jnp.float32),
            gsem0=pltpu.SemaphoreType.DMA,
            gsem1=pltpu.SemaphoreType.DMA,
            osem0=pltpu.SemaphoreType.DMA,
            osem1=pltpu.SemaphoreType.DMA,
        ),
    )
    def body(table_hbm, xs_hbm, ys_hbm, out_hbm, *, xs_v, ys_v,
             idx0, idx1, w0, w1, rows0, rows1, out0, out1,
             gsem0, gsem1, osem0, osem1):
        wid = lax.axis_index("s") * _NC + lax.axis_index("c")
        tile_base = wid * b_per_w
        idx = (idx0, idx1)
        wgt = (w0, w1)
        rows = (rows0, rows1)
        outb = (out0, out1)
        gsem = (gsem0, gsem1)
        osem = (osem0, osem1)

        pltpu.sync_copy(xs_hbm.at[pl.ds(tile_base, b_per_w)], xs_v)
        pltpu.sync_copy(ys_hbm.at[pl.ds(tile_base, b_per_w)], ys_v)

        def prep_and_fire(k, b):
            for i in range(_CH // _L):
                sl = pl.ds(i * _L, _L)
                cl = pl.ds(k * _CH + i * _L, _L)
                px = xs_v[cl] * fres - 0.5
                py = ys_v[cl] * fres - 0.5
                x0f = _floor_f32(px)
                y0f = _floor_f32(py)
                wx = px - x0f
                wy = py - y0f
                x0 = jnp.maximum(jnp.minimum(x0f.astype(jnp.int32), res - 1), 0)
                y0 = jnp.maximum(jnp.minimum(y0f.astype(jnp.int32), res - 1), 0)
                x1 = jnp.minimum(x0 + 1, res - 1)
                y1 = jnp.minimum(y0 + 1, res - 1)
                yb0 = y0 * res
                yb1 = y1 * res
                idx[b][0, sl] = yb0 + x0
                idx[b][1, sl] = yb0 + x1
                idx[b][2, sl] = yb1 + x0
                idx[b][3, sl] = yb1 + x1
                omwx = 1.0 - wx
                omwy = 1.0 - wy
                wgt[b][0, sl] = omwy * omwx
                wgt[b][1, sl] = omwy * wx
                wgt[b][2, sl] = wy * omwx
                wgt[b][3, sl] = wy * wx
            for n in range(4):
                pltpu.async_copy(table_hbm.at[idx[b].at[n]], rows[b].at[n],
                                 gsem[b])

        def drain_gathers(b):
            for n in range(4):
                pltpu.make_async_copy(table_hbm.at[idx[b].at[n]],
                                      rows[b].at[n], gsem[b]).wait()

        def wait_out(b):
            pltpu.make_async_copy(outb[b], out_hbm.at[pl.ds(tile_base, _CH)],
                                  osem[b]).wait()

        def blend_and_store(k, b):
            rb = rows[b]
            ob = outb[b]
            wb = wgt[b]

            def blend_body(p, carry):
                a0 = wb[0, pl.ds(p, _L)][0]
                a1 = wb[1, pl.ds(p, _L)][0]
                a2 = wb[2, pl.ds(p, _L)][0]
                a3 = wb[3, pl.ds(p, _L)][0]
                for j in range(nseg):
                    cs = pl.ds(j * _L, _L)
                    ob[p, cs] = (a0 * rb[0, p, cs] + a1 * rb[1, p, cs]
                                 + a2 * rb[2, p, cs] + a3 * rb[3, p, cs])
                return carry

            lax.fori_loop(0, _CH, blend_body, 0)
            base = tile_base + k * _CH
            pltpu.async_copy(ob, out_hbm.at[pl.ds(base, _CH)], osem[b])

        prep_and_fire(0, 0)

        def pair_body(g, carry):
            for b in range(2):
                k = 2 * g + b

                @pl.when(k + 1 < n_chunks)
                def _():
                    prep_and_fire(k + 1, b ^ 1)

                drain_gathers(b)

                @pl.when(k >= 2)
                def _():
                    wait_out(b)

                blend_and_store(k, b)
            return carry

        lax.fori_loop(0, n_chunks // 2, pair_body, 0)
        wait_out(0)
        wait_out(1)

    return body(table, xs, ys)


def kernel(x, mat):
    C = mat.shape[1]
    res = mat.shape[2]
    B = x.shape[0]
    table = jnp.transpose(mat[0], (1, 2, 0)).reshape(res * res, C)
    xs = x[:, 0]
    ys = x[:, 1]
    return _plane_lookup_sc(table, xs, ys, res, C, B)

# --- scband reference (transcript-rebuilt; emitter-appended) ---
"""Pipeline reference for scband-plane-encoding-90220083020079 (READ-ONLY COPY).

The authoritative reference and input builder live on the scoring server;
editing this copy changes nothing except your own understanding.
"""

import jax, jax.numpy as jnp
import numpy as np

FEATURE_SIZE = 128
RES = 512
LEVEL = 8
B = 524288


def setup_inputs(seed: int = 0) -> dict:
    key = jax.random.key(seed)
    k1, k2 = jax.random.split(key)
    x = jax.random.uniform(k1, (B, 2), dtype=jnp.float32)
    # learned parameter: feature plane, shape (1, C, res, res), init 0.1*randn
    mat = 0.1 * jax.random.normal(k2, (1, FEATURE_SIZE, RES, RES), dtype=jnp.float32)
    return {"x": x, "mat": mat}


def _fetch_2d(x, mat):
    # bilinear sample of feature plane mat (1, C, res, res) at positions x in [0,1]^2
    # returns C x B (as in the torch fetch_2d; forward transposes to B x C)
    m = mat[0]  # (C, res, res)
    res = m.shape[1]
    px = x[:, 0] * res - 0.5
    py = x[:, 1] * res - 0.5
    x0 = jnp.floor(px)
    y0 = jnp.floor(py)
    wx = px - x0
    wy = py - y0
    x0i = jnp.clip(x0.astype(jnp.int32), 0, res - 1)
    x1i = jnp.clip(x0i + 1, 0, res - 1)
    y0i = jnp.clip(y0.astype(jnp.int32), 0, res - 1)
    y1i = jnp.clip(y0i + 1, 0, res - 1)
    # gathers: (C, B) each
    f00 = m[:, y0i, x0i]
    f01 = m[:, y0i, x1i]
    f10 = m[:, y1i, x0i]
    f11 = m[:, y1i, x1i]
    w00 = (1.0 - wy) * (1.0 - wx)
    w01 = (1.0 - wy) * wx
    w10 = wy * (1.0 - wx)
    w11 = wy * wx
    f = f00 * w00[None, :] + f01 * w01[None, :] + f10 * w10[None, :] + f11 * w11[None, :]
    return f  # (C, B)


def reference(x, mat):
    # forward(x, r=None): f = fetch_2d(x, self.mat).T -> (B, C)
    return _fetch_2d(x, mat).T

if __name__ == "__main__":
    import jax
    _d = setup_inputs()
    print(jax.jit(kernel)(*tuple(_d.values())))

</pallas_src>

<mosaic_0001>
#map = affine_map<(d0, d1) -> (0, 0)>
#map1 = affine_map<(d0, d1) -> (0)>
module attributes {stable_mosaic.version = 14 : i64} {
  func.func @body(%arg0: i32, %arg1: i32, %arg2: memref<262144x128xf32, #tpu.memory_space<hbm>>, %arg3: memref<524288xf32, #tpu.memory_space<hbm>>, %arg4: memref<524288xf32, #tpu.memory_space<hbm>>, %arg5: memref<524288x128xf32, #tpu.memory_space<hbm>>, %arg6: memref<!tpu.dma_semaphore, #tpu.memory_space<semaphore_mem>>, %arg7: memref<!tpu.dma_semaphore, #tpu.memory_space<semaphore_mem>>, %arg8: memref<4x64xi32, #tpu.memory_space<vmem>>, %arg9: memref<4x64xi32, #tpu.memory_space<vmem>>, %arg10: memref<!tpu.dma_semaphore, #tpu.memory_space<semaphore_mem>>, %arg11: memref<!tpu.dma_semaphore, #tpu.memory_space<semaphore_mem>>, %arg12: memref<64x128xf32, #tpu.memory_space<vmem>>, %arg13: memref<64x128xf32, #tpu.memory_space<vmem>>, %arg14: memref<4x64x128xf32, #tpu.memory_space<vmem>>, %arg15: memref<4x64x128xf32, #tpu.memory_space<vmem>>, %arg16: memref<4x80xf32, #tpu.memory_space<vmem>>, %arg17: memref<4x80xf32, #tpu.memory_space<vmem>>, %arg18: memref<16384xf32, #tpu.memory_space<vmem>>, %arg19: memref<16384xf32, #tpu.memory_space<vmem>>) attributes {dimension_semantics = [#tpu.dimension_semantics<core_parallel>, #tpu.dimension_semantics<subcore_parallel>], iteration_bounds = array<i64: 2, 16>, scalar_prefetch = 0 : i64, scratch_operands = 14 : i64, tpu.core_type = #tpu.core_type<sc_vector_subcore>, window_params = [{transform_indices = #map}, {transform_indices = #map1}, {transform_indices = #map1}, {transform_indices = #map}]} {
    %mul3A = arith.constant 2 : i32
    %mul3A_0 = arith.muli %arg1, %mul3A : i32
    %add3A = arith.addi %mul3A_0, %arg0 : i32
    %mul3A_1 = arith.constant 16384 : i32
    %mul3A_2 = arith.muli %add3A, %mul3A_1 : i32
    "tpu.region"() ({
      %run_scoped3A = tpu.sem_alloc : memref<!tpu.dma_semaphore, #tpu.memory_space<semaphore_mem>>
      %dma_start3A_566 = tpu.memref_slice %arg3[%mul3A_2] : memref<524288xf32, #tpu.memory_space<hbm>> -> memref<16384xf32, #tpu.memory_space<hbm>>
      %dma_start3A_567 = tpu.memref_slice %arg3[%mul3A_2] : memref<524288xf32, #tpu.memory_space<hbm>> -> memref<16384xf32, #tpu.memory_space<hbm>>
      tpu.enqueue_dma source(%dma_start3A_567 : memref<16384xf32, #tpu.memory_space<hbm>>) target(%arg18 : memref<16384xf32, #tpu.memory_space<vmem>>) target_semaphore(%run_scoped3A : memref<!tpu.dma_semaphore, #tpu.memory_space<semaphore_mem>>)
      %dma_wait3A_568 = tpu.memref_slice %arg3[%mul3A_2] : memref<524288xf32, #tpu.memory_space<hbm>> -> memref<16384xf32, #tpu.memory_space<hbm>>
      %dma_wait3A_569 = tpu.memref_slice %arg3[%mul3A_2] : memref<524288xf32, #tpu.memory_space<hbm>> -> memref<16384xf32, #tpu.memory_space<hbm>>
      tpu.wait_dma2 semaphore(%run_scoped3A : memref<!tpu.dma_semaphore, #tpu.memory_space<semaphore_mem>>) src(%dma_wait3A_569 : memref<16384xf32, #tpu.memory_space<hbm>>) dst(%arg18 : memref<16384xf32, #tpu.memory_space<vmem>>)
      tpu.yield
    }) : () -> ()
    "tpu.region"() ({
      %run_scoped3A = tpu.sem_alloc : memref<!tpu.dma_semaphore, #tpu.memory_space<semaphore_mem>>
      %dma_start3A_566 = tpu.memref_slice %arg4[%mul3A_2] : memref<524288xf32, #tpu.memory_space<hbm>> -> memref<16384xf32, #tpu.memory_space<hbm>>
      %dma_start3A_567 = tpu.memref_slice %arg4[%mul3A_2] : memref<524288xf32, #tpu.memory_space<hbm>> -> memref<16384xf32, #tpu.memory_space<hbm>>
      tpu.enqueue_dma source(%dma_start3A_567 : memref<16384xf32, #tpu.memory_space<hbm>>) target(%arg19 : memref<16384xf32, #tpu.memory_space<vmem>>) target_semaphore(%run_scoped3A : memref<!tpu.dma_semaphore, #tpu.memory_space<semaphore_mem>>)
      %dma_wait3A_568 = tpu.memref_slice %arg4[%mul3A_2] : memref<524288xf32, #tpu.memory_space<hbm>> -> memref<16384xf32, #tpu.memory_space<hbm>>
      %dma_wait3A_569 = tpu.memref_slice %arg4[%mul3A_2] : memref<524288xf32, #tpu.memory_space<hbm>> -> memref<16384xf32, #tpu.memory_space<hbm>>
      tpu.wait_dma2 semaphore(%run_scoped3A : memref<!tpu.dma_semaphore, #tpu.memory_space<semaphore_mem>>) src(%dma_wait3A_569 : memref<16384xf32, #tpu.memory_space<hbm>>) dst(%arg19 : memref<16384xf32, #tpu.memory_space<vmem>>)
      tpu.yield
    }) : () -> ()
    %get3A = arith.constant 0 : index
    %get3A_3 = tpu.vector_load %arg18[%get3A] {strides = array<i32>} : memref<16384xf32, #tpu.memory_space<vmem>>, vector<16xf32>,
    %get3A_4 = vector.shape_cast %get3A_3 : vector<16xf32> to vector<16xf32>
    %mul3A_5 = arith.constant 5.120000e+02 : f32
    %mul3A_6 = vector.broadcast %mul3A_5 : f32 to vector<16xf32>
    %mul3A_7 = arith.mulf %get3A_4, %mul3A_6 : vector<16xf32>
    %sub3A = arith.constant 5.000000e-01 : f32
    %sub3A_8 = vector.broadcast %sub3A : f32 to vector<16xf32>
    %sub3A_9 = arith.subf %mul3A_7, %sub3A_8 : vector<16xf32>
    %get3A_10 = arith.constant 0 : index
    %get3A_11 = tpu.vector_load %arg19[%get3A_10] {strides = array<i32>} : memref<16384xf32, #tpu.memory_space<vmem>>, vector<16xf32>,
    %get3A_12 = vector.shape_cast %get3A_11 : vector<16xf32> to vector<16xf32>
    %mul3A_13 = arith.constant 5.120000e+02 : f32
    %mul3A_14 = vector.broadcast %mul3A_13 : f32 to vector<16xf32>
    %mul3A_15 = arith.mulf %get3A_12, %mul3A_14 : vector<16xf32>
    %sub3A_16 = arith.constant 5.000000e-01 : f32
    %sub3A_17 = vector.broadcast %sub3A_16 : f32 to vector<16xf32>
    %sub3A_18 = arith.subf %mul3A_15, %sub3A_17 : vector<16xf32>
    %convert_element_type3A = arith.fptosi %sub3A_9 : vector<16xf32> to vector<16xi32>
    %convert_element_type3A_19 = arith.sitofp %convert_element_type3A : vector<16xi32> to vector<16xf32>
    %lt3A = arith.cmpf olt, %sub3A_9, %convert_element_type3A_19 : vector<16xf32>
    %sub3A_20 = arith.constant 1.000000e+00 : f32
    %sub3A_21 = vector.broadcast %sub3A_20 : f32 to vector<16xf32>
    %sub3A_22 = arith.subf %convert_element_type3A_19, %sub3A_21 : vector<16xf32>
    %select_n3A = arith.select %lt3A, %sub3A_22, %convert_element_type3A_19 : vector<16xi1>, vector<16xf32>
    %convert_element_type3A_23 = arith.fptosi %sub3A_18 : vector<16xf32> to vector<16xi32>
    %convert_element_type3A_24 = arith.sitofp %convert_element_type3A_23 : vector<16xi32> to vector<16xf32>
    %lt3A_25 = arith.cmpf olt, %sub3A_18, %convert_element_type3A_24 : vector<16xf32>
    %sub3A_26 = arith.constant 1.000000e+00 : f32
    %sub3A_27 = vector.broadcast %sub3A_26 : f32 to vector<16xf32>
    %sub3A_28 = arith.subf %convert_element_type3A_24, %sub3A_27 : vector<16xf32>
    %select_n3A_29 = arith.select %lt3A_25, %sub3A_28, %convert_element_type3A_24 : vector<16xi1>, vector<16xf32>
    %sub3A_30 = arith.subf %sub3A_9, %select_n3A : vector<16xf32>
    %sub3A_31 = arith.subf %sub3A_18, %select_n3A_29 : vector<16xf32>
    %convert_element_type3A_32 = arith.fptosi %select_n3A : vector<16xf32> to vector<16xi32>
    %min3A = arith.constant 511 : i32
    %min3A_33 = vector.broadcast %min3A : i32 to vector<16xi32>
    %min3A_34 = arith.minsi %convert_element_type3A_32, %min3A_33 : vector<16xi32>
    %max3A = arith.constant 0 : i32
    %max3A_35 = vector.broadcast %max3A : i32 to vector<16xi32>
    %max3A_36 = arith.maxsi %min3A_34, %max3A_35 : vector<16xi32>
    %convert_element_type3A_37 = arith.fptosi %select_n3A_29 : vector<16xf32> to vector<16xi32>
    %min3A_38 = arith.constant 511 : i32
    %min3A_39 = vector.broadcast %min3A_38 : i32 to vector<16xi32>
    %min3A_40 = arith.minsi %convert_element_type3A_37, %min3A_39 : vector<16xi32>
    %max3A_41 = arith.constant 0 : i32
    %max3A_42 = vector.broadcast %max3A_41 : i32 to vector<16xi32>
    %max3A_43 = arith.maxsi %min3A_40, %max3A_42 : vector<16xi32>
    %add3A_44 = arith.constant 1 : i32
    %add3A_45 = vector.broadcast %add3A_44 : i32 to vector<16xi32>
    %add3A_46 = arith.addi %max3A_36, %add3A_45 : vector<16xi32>
    %min3A_47 = arith.constant 511 : i32
    %min3A_48 = vector.broadcast %min3A_47 : i32 to vector<16xi32>
    %min3A_49 = arith.minsi %add3A_46, %min3A_48 : vector<16xi32>
    %add3A_50 = arith.constant 1 : i32
    %add3A_51 = vector.broadcast %add3A_50 : i32 to vector<16xi32>
    %add3A_52 = arith.addi %max3A_43, %add3A_51 : vector<16xi32>
    %min3A_53 = arith.constant 511 : i32
    %min3A_54 = vector.broadcast %min3A_53 : i32 to vector<16xi32>
    %min3A_55 = arith.minsi %add3A_52, %min3A_54 : vector<16xi32>
    %mul3A_56 = arith.constant 512 : i32
    %mul3A_57 = vector.broadcast %mul3A_56 : i32 to vector<16xi32>
    %mul3A_58 = arith.muli %max3A_43, %mul3A_57 : vector<16xi32>
    %mul3A_59 = arith.constant 512 : i32
    %mul3A_60 = vector.broadcast %mul3A_59 : i32 to vector<16xi32>
    %mul3A_61 = arith.muli %min3A_55, %mul3A_60 : vector<16xi32>
    %add3A_62 = arith.addi %mul3A_58, %max3A_36 : vector<16xi32>
    %swap3A = arith.constant 0 : i32
    %swap3A_63 = arith.index_cast %swap3A : i32 to index
    %swap3A_64 = arith.constant 0 : index
    %swap3A_65 = tpu.vector_load %arg8[%swap3A_63, %swap3A_64] {strides = array<i32>} : memref<4x64xi32, #tpu.memory_space<vmem>>, vector<1x16xi32>,
    %swap3A_66 = vector.shape_cast %swap3A_65 : vector<1x16xi32> to vector<16xi32>
    %swap3A_67 = vector.shape_cast %add3A_62 : vector<16xi32> to vector<1x16xi32>
    tpu.vector_store %arg8[%swap3A_63, %swap3A_64], %swap3A_67 {strides = array<i32>} : memref<4x64xi32, #tpu.memory_space<vmem>>, vector<1x16xi32>,
    %add3A_68 = arith.addi %mul3A_58, %min3A_49 : vector<16xi32>
    %swap3A_69 = arith.constant 1 : i32
    %swap3A_70 = arith.index_cast %swap3A_69 : i32 to index
    %swap3A_71 = arith.constant 0 : index
    %swap3A_72 = tpu.vector_load %arg8[%swap3A_70, %swap3A_71] {strides = array<i32>} : memref<4x64xi32, #tpu.memory_space<vmem>>, vector<1x16xi32>,
    %swap3A_73 = vector.shape_cast %swap3A_72 : vector<1x16xi32> to vector<16xi32>
    %swap3A_74 = vector.shape_cast %add3A_68 : vector<16xi32> to vector<1x16xi32>
    tpu.vector_store %arg8[%swap3A_70, %swap3A_71], %swap3A_74 {strides = array<i32>} : memref<4x64xi32, #tpu.memory_space<vmem>>, vector<1x16xi32>,
    %add3A_75 = arith.addi %mul3A_61, %max3A_36 : vector<16xi32>
    %swap3A_76 = arith.constant 2 : i32
    %swap3A_77 = arith.index_cast %swap3A_76 : i32 to index
    %swap3A_78 = arith.constant 0 : index
    %swap3A_79 = tpu.vector_load %arg8[%swap3A_77, %swap3A_78] {strides = array<i32>} : memref<4x64xi32, #tpu.memory_space<vmem>>, vector<1x16xi32>,
    %swap3A_80 = vector.shape_cast %swap3A_79 : vector<1x16xi32> to vector<16xi32>
    %swap3A_81 = vector.shape_cast %add3A_75 : vector<16xi32> to vector<1x16xi32>
    tpu.vector_store %arg8[%swap3A_77, %swap3A_78], %swap3A_81 {strides = array<i32>} : memref<4x64xi32, #tpu.memory_space<vmem>>, vector<1x16xi32>,
    %add3A_82 = arith.addi %mul3A_61, %min3A_49 : vector<16xi32>
    %swap3A_83 = arith.constant 3 : i32
    %swap3A_84 = arith.index_cast %swap3A_83 : i32 to index
    %swap3A_85 = arith.constant 0 : index
    %swap3A_86 = tpu.vector_load %arg8[%swap3A_84, %swap3A_85] {strides = array<i32>} : memref<4x64xi32, #tpu.memory_space<vmem>>, vector<1x16xi32>,
    %swap3A_87 = vector.shape_cast %swap3A_86 : vector<1x16xi32> to vector<16xi32>
    %swap3A_88 = vector.shape_cast %add3A_82 : vector<16xi32> to vector<1x16xi32>
    tpu.vector_store %arg8[%swap3A_84, %swap3A_85], %swap3A_88 {strides = array<i32>} : memref<4x64xi32, #tpu.memory_space<vmem>>, vector<1x16xi32>,
    %sub3A_89 = arith.constant 1.000000e+00 : f32
    %sub3A_90 = vector.broadcast %sub3A_89 : f32 to vector<16xf32>
    %sub3A_91 = arith.subf %sub3A_90, %sub3A_30 : vector<16xf32>
    %sub3A_92 = arith.constant 1.000000e+00 : f32
    %sub3A_93 = vector.broadcast %sub3A_92 : f32 to vector<16xf32>
    %sub3A_94 = arith.subf %sub3A_93, %sub3A_31 : vector<16xf32>
    %mul3A_95 = arith.mulf %sub3A_94, %sub3A_91 : vector<16xf32>
    %swap3A_96 = arith.constant 0 : i32
    %swap3A_97 = arith.index_cast %swap3A_96 : i32 to index
    %swap3A_98 = arith.constant 0 : index
    %swap3A_99 = tpu.vector_load %arg16[%swap3A_97, %swap3A_98] {strides = array<i32>} : memref<4x80xf32, #tpu.memory_space<vmem>>, vector<1x16xf32>,
    %swap3A_100 = vector.shape_cast %swap3A_99 : vector<1x16xf32> to vector<16xf32>
    %swap3A_101 = vector.shape_cast %mul3A_95 : vector<16xf32> to vector<1x16xf32>
    tpu.vector_store %arg16[%swap3A_97, %swap3A_98], %swap3A_101 {strides = array<i32>} : memref<4x80xf32, #tpu.memory_space<vmem>>, vector<1x16xf32>,
    %mul3A_102 = arith.mulf %sub3A_94, %sub3A_30 : vector<16xf32>
    %swap3A_103 = arith.constant 1 : i32
    %swap3A_104 = arith.index_cast %swap3A_103 : i32 to index
    %swap3A_105 = arith.constant 0 : index
    %swap3A_106 = tpu.vector_load %arg16[%swap3A_104, %swap3A_105] {strides = array<i32>} : memref<4x80xf32, #tpu.memory_space<vmem>>, vector<1x16xf32>,
    %swap3A_107 = vector.shape_cast %swap3A_106 : vector<1x16xf32> to vector<16xf32>
    %swap3A_108 = vector.shape_cast %mul3A_102 : vector<16xf32> to vector<1x16xf32>
    tpu.vector_store %arg16[%swap3A_104, %swap3A_105], %swap3A_108 {strides = array<i32>} : memref<4x80xf32, #tpu.memory_space<vmem>>, vector<1x16xf32>,
    %mul3A_109 = arith.mulf %sub3A_31, %sub3A_91 : vector<16xf32>
    %swap3A_110 = arith.constant 2 : i32
    %swap3A_111 = arith.index_cast %swap3A_110 : i32 to index
    %swap3A_112 = arith.constant 0 : index
    %swap3A_113 = tpu.vector_load %arg16[%swap3A_111, %swap3A_112] {strides = array<i32>} : memref<4x80xf32, #tpu.memory_space<vmem>>, vector<1x16xf32>,
    %swap3A_114 = vector.shape_cast %swap3A_113 : vector<1x16xf32> to vector<16xf32>
    %swap3A_115 = vector.shape_cast %mul3A_109 : vector<16xf32> to vector<1x16xf32>
    tpu.vector_store %arg16[%swap3A_111, %swap3A_112], %swap3A_115 {strides = array<i32>} : memref<4x80xf32, #tpu.memory_space<vmem>>, vector<1x16xf32>,
    %mul3A_116 = arith.mulf %sub3A_31, %sub3A_30 : vector<16xf32>
    %swap3A_117 = arith.constant 3 : i32
    %swap3A_118 = arith.index_cast %swap3A_117 : i32 to index
    %swap3A_119 = arith.constant 0 : index
    %swap3A_120 = tpu.vector_load %arg16[%swap3A_118, %swap3A_119] {strides = array<i32>} : memref<4x80xf32, #tpu.memory_space<vmem>>, vector<1x16xf32>,
    %swap3A_121 = vector.shape_cast %swap3A_120 : vector<1x16xf32> to vector<16xf32>
    %swap3A_122 = vector.shape_cast %mul3A_116 : vector<16xf32> to vector<1x16xf32>
    tpu.vector_store %arg16[%swap3A_118, %swap3A_119], %swap3A_122 {strides = array<i32>} : memref<4x80xf32, #tpu.memory_space<vmem>>, vector<1x16xf32>,
    %get3A_123 = arith.constant 16 : index
    %get3A_124 = tpu.vector_load %arg18[%get3A_123] {strides = array<i32>} : memref<16384xf32, #tpu.memory_space<vmem>>, vector<16xf32>,
    %get3A_125 = vector.shape_cast %get3A_124 : vector<16xf32> to vector<16xf32>
    %mul3A_126 = arith.constant 5.120000e+02 : f32
    %mul3A_127 = vector.broadcast %mul3A_126 : f32 to vector<16xf32>
    %mul3A_128 = arith.mulf %get3A_125, %mul3A_127 : vector<16xf32>
    %sub3A_129 = arith.constant 5.000000e-01 : f32
    %sub3A_130 = vector.broadcast %sub3A_129 : f32 to vector<16xf32>
    %sub3A_131 = arith.subf %mul3A_128, %sub3A_130 : vector<16xf32>
    %get3A_132 = arith.constant 16 : index
    %get3A_133 = tpu.vector_load %arg19[%get3A_132] {strides = array<i32>} : memref<16384xf32, #tpu.memory_space<vmem>>, vector<16xf32>,
    %get3A_134 = vector.shape_cast %get3A_133 : vector<16xf32> to vector<16xf32>
    %mul3A_135 = arith.constant 5.120000e+02 : f32
    %mul3A_136 = vector.broadcast %mul3A_135 : f32 to vector<16xf32>
    %mul3A_137 = arith.mulf %get3A_134, %mul3A_136 : vector<16xf32>
    %sub3A_138 = arith.constant 5.000000e-01 : f32
    %sub3A_139 = vector.broadcast %sub3A_138 : f32 to vector<16xf32>
    %sub3A_140 = arith.subf %mul3A_137, %sub3A_139 : vector<16xf32>
    %convert_element_type3A_141 = arith.fptosi %sub3A_131 : vector<16xf32> to vector<16xi32>
    %convert_element_type3A_142 = arith.sitofp %convert_element_type3A_141 : vector<16xi32> to vector<16xf32>
    %lt3A_143 = arith.cmpf olt, %sub3A_131, %convert_element_type3A_142 : vector<16xf32>
    %sub3A_144 = arith.constant 1.000000e+00 : f32
    %sub3A_145 = vector.broadcast %sub3A_144 : f32 to vector<16xf32>
    %sub3A_146 = arith.subf %convert_element_type3A_142, %sub3A_145 : vector<16xf32>
    %select_n3A_147 = arith.select %lt3A_143, %sub3A_146, %convert_element_type3A_142 : vector<16xi1>, vector<16xf32>
    %convert_element_type3A_148 = arith.fptosi %sub3A_140 : vector<16xf32> to vector<16xi32>
    %convert_element_type3A_149 = arith.sitofp %convert_element_type3A_148 : vector<16xi32> to vector<16xf32>
    %lt3A_150 = arith.cmpf olt, %sub3A_140, %convert_element_type3A_149 : vector<16xf32>
    %sub3A_151 = arith.constant 1.000000e+00 : f32
    %sub3A_152 = vector.broadcast %sub3A_151 : f32 to vector<16xf32>
    %sub3A_153 = arith.subf %convert_element_type3A_149, %sub3A_152 : vector<16xf32>
    %select_n3A_154 = arith.select %lt3A_150, %sub3A_153, %convert_element_type3A_149 : vector<16xi1>, vector<16xf32>
    %sub3A_155 = arith.subf %sub3A_131, %select_n3A_147 : vector<16xf32>
    %sub3A_156 = arith.subf %sub3A_140, %select_n3A_154 : vector<16xf32>
    %convert_element_type3A_157 = arith.fptosi %select_n3A_147 : vector<16xf32> to vector<16xi32>
    %min3A_158 = arith.constant 511 : i32
    %min3A_159 = vector.broadcast %min3A_158 : i32 to vector<16xi32>
    %min3A_160 = arith.minsi %convert_element_type3A_157, %min3A_159 : vector<16xi32>
    %max3A_161 = arith.constant 0 : i32
    %max3A_162 = vector.broadcast %max3A_161 : i32 to vector<16xi32>
    %max3A_163 = arith.maxsi %min3A_160, %max3A_162 : vector<16xi32>
    %convert_element_type3A_164 = arith.fptosi %select_n3A_154 : vector<16xf32> to vector<16xi32>
    %min3A_165 = arith.constant 511 : i32
    %min3A_166 = vector.broadcast %min3A_165 : i32 to vector<16xi32>
    %min3A_167 = arith.minsi %convert_element_type3A_164, %min3A_166 : vector<16xi32>
    %max3A_168 = arith.constant 0 : i32
    %max3A_169 = vector.broadcast %max3A_168 : i32 to vector<16xi32>
    %max3A_170 = arith.maxsi %min3A_167, %max3A_169 : vector<16xi32>
    %add3A_171 = arith.constant 1 : i32
    %add3A_172 = vector.broadcast %add3A_171 : i32 to vector<16xi32>
    %add3A_173 = arith.addi %max3A_163, %add3A_172 : vector<16xi32>
    %min3A_174 = arith.constant 511 : i32
    %min3A_175 = vector.broadcast %min3A_174 : i32 to vector<16xi32>
    %min3A_176 = arith.minsi %add3A_173, %min3A_175 : vector<16xi32>
    %add3A_177 = arith.constant 1 : i32
    %add3A_178 = vector.broadcast %add3A_177 : i32 to vector<16xi32>
    %add3A_179 = arith.addi %max3A_170, %add3A_178 : vector<16xi32>
    %min3A_180 = arith.constant 511 : i32
    %min3A_181 = vector.broadcast %min3A_180 : i32 to vector<16xi32>
    %min3A_182 = arith.minsi %add3A_179, %min3A_181 : vector<16xi32>
    %mul3A_183 = arith.constant 512 : i32
    %mul3A_184 = vector.broadcast %mul3A_183 : i32 to vector<16xi32>
    %mul3A_185 = arith.muli %max3A_170, %mul3A_184 : vector<16xi32>
    %mul3A_186 = arith.constant 512 : i32
    %mul3A_187 = vector.broadcast %mul3A_186 : i32 to vector<16xi32>
    %mul3A_188 = arith.muli %min3A_182, %mul3A_187 : vector<16xi32>
    %add3A_189 = arith.addi %mul3A_185, %max3A_163 : vector<16xi32>
    %swap3A_190 = arith.constant 0 : i32
    %swap3A_191 = arith.index_cast %swap3A_190 : i32 to index
    %swap3A_192 = arith.constant 16 : index
    %swap3A_193 = tpu.vector_load %arg8[%swap3A_191, %swap3A_192] {strides = array<i32>} : memref<4x64xi32, #tpu.memory_space<vmem>>, vector<1x16xi32>,
    %swap3A_194 = vector.shape_cast %swap3A_193 : vector<1x16xi32> to vector<16xi32>
    %swap3A_195 = vector.shape_cast %add3A_189 : vector<16xi32> to vector<1x16xi32>
    tpu.vector_store %arg8[%swap3A_191, %swap3A_192], %swap3A_195 {strides = array<i32>} : memref<4x64xi32, #tpu.memory_space<vmem>>, vector<1x16xi32>,
    %add3A_196 = arith.addi %mul3A_185, %min3A_176 : vector<16xi32>
    %swap3A_197 = arith.constant 1 : i32
    %swap3A_198 = arith.index_cast %swap3A_197 : i32 to index
    %swap3A_199 = arith.constant 16 : index
    %swap3A_200 = tpu.vector_load %arg8[%swap3A_198, %swap3A_199] {strides = array<i32>} : memref<4x64xi32, #tpu.memory_space<vmem>>, vector<1x16xi32>,
    %swap3A_201 = vector.shape_cast %swap3A_200 : vector<1x16xi32> to vector<16xi32>
    %swap3A_202 = vector.shape_cast %add3A_196 : vector<16xi32> to vector<1x16xi32>
    tpu.vector_store %arg8[%swap3A_198, %swap3A_199], %swap3A_202 {strides = array<i32>} : memref<4x64xi32, #tpu.memory_space<vmem>>, vector<1x16xi32>,
    %add3A_203 = arith.addi %mul3A_188, %max3A_163 : vector<16xi32>
    %swap3A_204 = arith.constant 2 : i32
    %swap3A_205 = arith.index_cast %swap3A_204 : i32 to index
    %swap3A_206 = arith.constant 16 : index
    %swap3A_207 = tpu.vector_load %arg8[%swap3A_205, %swap3A_206] {strides = array<i32>} : memref<4x64xi32, #tpu.memory_space<vmem>>, vector<1x16xi32>,
    %swap3A_208 = vector.shape_cast %swap3A_207 : vector<1x16xi32> to vector<16xi32>
    %swap3A_209 = vector.shape_cast %add3A_203 : vector<16xi32> to vector<1x16xi32>
    tpu.vector_store %arg8[%swap3A_205, %swap3A_206], %swap3A_209 {strides = array<i32>} : memref<4x64xi32, #tpu.memory_space<vmem>>, vector<1x16xi32>,
    %add3A_210 = arith.addi %mul3A_188, %min3A_176 : vector<16xi32>
    %swap3A_211 = arith.constant 3 : i32
    %swap3A_212 = arith.index_cast %swap3A_211 : i32 to index
    %swap3A_213 = arith.constant 16 : index
    %swap3A_214 = tpu.vector_load %arg8[%swap3A_212, %swap3A_213] {strides = array<i32>} : memref<4x64xi32, #tpu.memory_space<vmem>>, vector<1x16xi32>,
    %swap3A_215 = vector.shape_cast %swap3A_214 : vector<1x16xi32> to vector<16xi32>
    %swap3A_216 = vector.shape_cast %add3A_210 : vector<16xi32> to vector<1x16xi32>
    tpu.vector_store %arg8[%swap3A_212, %swap3A_213], %swap3A_216 {strides = array<i32>} : memref<4x64xi32, #tpu.memory_space<vmem>>, vector<1x16xi32>,
    %sub3A_217 = arith.constant 1.000000e+00 : f32
    %sub3A_218 = vector.broadcast %sub3A_217 : f32 to vector<16xf32>
    %sub3A_219 = arith.subf %sub3A_218, %sub3A_155 : vector<16xf32>
    %sub3A_220 = arith.constant 1.000000e+00 : f32
    %sub3A_221 = vector.broadcast %sub3A_220 : f32 to vector<16xf32>
    %sub3A_222 = arith.subf %sub3A_221, %sub3A_156 : vector<16xf32>
    %mul3A_223 = arith.mulf %sub3A_222, %sub3A_219 : vector<16xf32>
    %swap3A_224 = arith.constant 0 : i32
    %swap3A_225 = arith.index_cast %swap3A_224 : i32 to index
    %swap3A_226 = arith.constant 16 : index
    %swap3A_227 = tpu.vector_load %arg16[%swap3A_225, %swap3A_226] {strides = array<i32>} : memref<4x80xf32, #tpu.memory_space<vmem>>, vector<1x16xf32>,
    %swap3A_228 = vector.shape_cast %swap3A_227 : vector<1x16xf32> to vector<16xf32>
    %swap3A_229 = vector.shape_cast %mul3A_223 : vector<16xf32> to vector<1x16xf32>
    tpu.vector_store %arg16[%swap3A_225, %swap3A_226], %swap3A_229 {strides = array<i32>} : memref<4x80xf32, #tpu.memory_space<vmem>>, vector<1x16xf32>,
    %mul3A_230 = arith.mulf %sub3A_222, %sub3A_155 : vector<16xf32>
    %swap3A_231 = arith.constant 1 : i32
    %swap3A_232 = arith.index_cast %swap3A_231 : i32 to index
    %swap3A_233 = arith.constant 16 : index
    %swap3A_234 = tpu.vector_load %arg16[%swap3A_232, %swap3A_233] {strides = array<i32>} : memref<4x80xf32, #tpu.memory_space<vmem>>, vector<1x16xf32>,
    %swap3A_235 = vector.shape_cast %swap3A_234 : vector<1x16xf32> to vector<16xf32>
    %swap3A_236 = vector.shape_cast %mul3A_230 : vector<16xf32> to vector<1x16xf32>
    tpu.vector_store %arg16[%swap3A_232, %swap3A_233], %swap3A_236 {strides = array<i32>} : memref<4x80xf32, #tpu.memory_space<vmem>>, vector<1x16xf32>,
    %mul3A_237 = arith.mulf %sub3A_156, %sub3A_219 : vector<16xf32>
    %swap3A_238 = arith.constant 2 : i32
    %swap3A_239 = arith.index_cast %swap3A_238 : i32 to index
    %swap3A_240 = arith.constant 16 : index
    %swap3A_241 = tpu.vector_load %arg16[%swap3A_239, %swap3A_240] {strides = array<i32>} : memref<4x80xf32, #tpu.memory_space<vmem>>, vector<1x16xf32>,
    %swap3A_242 = vector.shape_cast %swap3A_241 : vector<1x16xf32> to vector<16xf32>
    %swap3A_243 = vector.shape_cast %mul3A_237 : vector<16xf32> to vector<1x16xf32>
    tpu.vector_store %arg16[%swap3A_239, %swap3A_240], %swap3A_243 {strides = array<i32>} : memref<4x80xf32, #tpu.memory_space<vmem>>, vector<1x16xf32>,
    %mul3A_244 = arith.mulf %sub3A_156, %sub3A_155 : vector<16xf32>
    %swap3A_245 = arith.constant 3 : i32
    %swap3A_246 = arith.index_cast %swap3A_245 : i32 to index
    %swap3A_247 = arith.constant 16 : index
    %swap3A_248 = tpu.vector_load %arg16[%swap3A_246, %swap3A_247] {strides = array<i32>} : memref<4x80xf32, #tpu.memory_space<vmem>>, vector<1x16xf32>,
    %swap3A_249 = vector.shape_cast %swap3A_248 : vector<1x16xf32> to vector<16xf32>
    %swap3A_250 = vector.shape_cast %mul3A_244 : vector<16xf32> to vector<1x16xf32>
    tpu.vector_store %arg16[%swap3A_246, %swap3A_247], %swap3A_250 {strides = array<i32>} : memref<4x80xf32, #tpu.memory_space<vmem>>, vector<1x16xf32>,
    %get3A_251 = arith.constant 32 : index
    %get3A_252 = tpu.vector_load %arg18[%get3A_251] {strides = array<i32>} : memref<16384xf32, #tpu.memory_space<vmem>>, vector<16xf32>,
    %get3A_253 = vector.shape_cast %get3A_252 : vector<16xf32> to vector<16xf32>
    %mul3A_254 = arith.constant 5.120000e+02 : f32
    %mul3A_255 = vector.broadcast %mul3A_254 : f32 to vector<16xf32>
    %mul3A_256 = arith.mulf %get3A_253, %mul3A_255 : vector<16xf32>
    %sub3A_257 = arith.constant 5.000000e-01 : f32
    %sub3A_258 = vector.broadcast %sub3A_257 : f32 to vector<16xf32>
    %sub3A_259 = arith.subf %mul3A_256, %sub3A_258 : vector<16xf32>
    %get3A_260 = arith.constant 32 : index
    %get3A_261 = tpu.vector_load %arg19[%get3A_260] {strides = array<i32>} : memref<16384xf32, #tpu.memory_space<vmem>>, vector<16xf32>,
    %get3A_262 = vector.shape_cast %get3A_261 : vector<16xf32> to vector<16xf32>
    %mul3A_263 = arith.constant 5.120000e+02 : f32
    %mul3A_264 = vector.broadcast %mul3A_263 : f32 to vector<16xf32>
    %mul3A_265 = arith.mulf %get3A_262, %mul3A_264 : vector<16xf32>
    %sub3A_266 = arith.constant 5.000000e-01 : f32
    %sub3A_267 = vector.broadcast %sub3A_266 : f32 to vector<16xf32>
    %sub3A_268 = arith.subf %mul3A_265, %sub3A_267 : vector<16xf32>
    %convert_element_type3A_269 = arith.fptosi %sub3A_259 : vector<16xf32> to vector<16xi32>
    %convert_element_type3A_270 = arith.sitofp %convert_element_type3A_269 : vector<16xi32> to vector<16xf32>
    %lt3A_271 = arith.cmpf olt, %sub3A_259, %convert_element_type3A_270 : vector<16xf32>
    %sub3A_272 = arith.constant 1.000000e+00 : f32
    %sub3A_273 = vector.broadcast %sub3A_272 : f32 to vector<16xf32>
    %sub3A_274 = arith.subf %convert_element_type3A_270, %sub3A_273 : vector<16xf32>
    %select_n3A_275 = arith.select %lt3A_271, %sub3A_274, %convert_element_type3A_270 : vector<16xi1>, vector<16xf32>
    %convert_element_type3A_276 = arith.fptosi %sub3A_268 : vector<16xf32> to vector<16xi32>
    %convert_element_type3A_277 = arith.sitofp %convert_element_type3A_276 : vector<16xi32> to vector<16xf32>
    %lt3A_278 = arith.cmpf olt, %sub3A_268, %convert_element_type3A_277 : vector<16xf32>
    %sub3A_279 = arith.constant 1.000000e+00 : f32
    %sub3A_280 = vector.broadcast %sub3A_279 : f32 to vector<16xf32>
    %sub3A_281 = arith.subf %convert_element_type3A_277, %sub3A_280 : vector<16xf32>
    %select_n3A_282 = arith.select %lt3A_278, %sub3A_281, %convert_element_type3A_277 : vector<16xi1>, vector<16xf32>
    %sub3A_283 = arith.subf %sub3A_259, %select_n3A_275 : vector<16xf32>
    %sub3A_284 = arith.subf %sub3A_268, %select_n3A_282 : vector<16xf32>
    %convert_element_type3A_285 = arith.fptosi %select_n3A_275 : vector<16xf32> to vector<16xi32>
    %min3A_286 = arith.constant 511 : i32
    %min3A_287 = vector.broadcast %min3A_286 : i32 to vector<16xi32>
    %min3A_288 = arith.minsi %convert_element_type3A_285, %min3A_287 : vector<16xi32>
    %max3A_289 = arith.constant 0 : i32
    %max3A_290 = vector.broadcast %max3A_289 : i32 to vector<16xi32>
    %max3A_291 = arith.maxsi %min3A_288, %max3A_290 : vector<16xi32>
    %convert_element_type3A_292 = arith.fptosi %select_n3A_282 : vector<16xf32> to vector<16xi32>
    %min3A_293 = arith.constant 511 : i32
    %min3A_294 = vector.broadcast %min3A_293 : i32 to vector<16xi32>
    %min3A_295 = arith.minsi %convert_element_type3A_292, %min3A_294 : vector<16xi32>
    %max3A_296 = arith.constant 0 : i32
    %max3A_297 = vector.broadcast %max3A_296 : i32 to vector<16xi32>
    %max3A_298 = arith.maxsi %min3A_295, %max3A_297 : vector<16xi32>
    %add3A_299 = arith.constant 1 : i32
    %add3A_300 = vector.broadcast %add3A_299 : i32 to vector<16xi32>
    %add3A_301 = arith.addi %max3A_291, %add3A_300 : vector<16xi32>
    %min3A_302 = arith.constant 511 : i32
    %min3A_303 = vector.broadcast %min3A_302 : i32 to vector<16xi32>
    %min3A_304 = arith.minsi %add3A_301, %min3A_303 : vector<16xi32>
    %add3A_305 = arith.constant 1 : i32
    %add3A_306 = vector.broadcast %add3A_305 : i32 to vector<16xi32>
    %add3A_307 = arith.addi %max3A_298, %add3A_306 : vector<16xi32>
    %min3A_308 = arith.constant 511 : i32
    %min3A_309 = vector.broadcast %min3A_308 : i32 to vector<16xi32>
    %min3A_310 = arith.minsi %add3A_307, %min3A_309 : vector<16xi32>
    %mul3A_311 = arith.constant 512 : i32
    %mul3A_312 = vector.broadcast %mul3A_311 : i32 to vector<16xi32>
    %mul3A_313 = arith.muli %max3A_298, %mul3A_312 : vector<16xi32>
    %mul3A_314 = arith.constant 512 : i32
    %mul3A_315 = vector.broadcast %mul3A_314 : i32 to vector<16xi32>
    %mul3A_316 = arith.muli %min3A_310, %mul3A_315 : vector<16xi32>
    %add3A_317 = arith.addi %mul3A_313, %max3A_291 : vector<16xi32>
    %swap3A_318 = arith.constant 0 : i32
    %swap3A_319 = arith.index_cast %swap3A_318 : i32 to index
    %swap3A_320 = arith.constant 32 : index
    %swap3A_321 = tpu.vector_load %arg8[%swap3A_319, %swap3A_320] {strides = array<i32>} : memref<4x64xi32, #tpu.memory_space<vmem>>, vector<1x16xi32>,
    %swap3A_322 = vector.shape_cast %swap3A_321 : vector<1x16xi32> to vector<16xi32>
    %swap3A_323 = vector.shape_cast %add3A_317 : vector<16xi32> to vector<1x16xi32>
    tpu.vector_store %arg8[%swap3A_319, %swap3A_320], %swap3A_323 {strides = array<i32>} : memref<4x64xi32, #tpu.memory_space<vmem>>, vector<1x16xi32>,
    %add3A_324 = arith.addi %mul3A_313, %min3A_304 : vector<16xi32>
    %swap3A_325 = arith.constant 1 : i32
    %swap3A_326 = arith.index_cast %swap3A_325 : i32 to index
    %swap3A_327 = arith.constant 32 : index
    %swap3A_328 = tpu.vector_load %arg8[%swap3A_326, %swap3A_327] {strides = array<i32>} : memref<4x64xi32, #tpu.memory_space<vmem>>, vector<1x16xi32>,
    %swap3A_329 = vector.shape_cast %swap3A_328 : vector<1x16xi32> to vector<16xi32>
    %swap3A_330 = vector.shape_cast %add3A_324 : vector<16xi32> to vector<1x16xi32>
    tpu.vector_store %arg8[%swap3A_326, %swap3A_327], %swap3A_330 {strides = array<i32>} : memref<4x64xi32, #tpu.memory_space<vmem>>, vector<1x16xi32>,
    %add3A_331 = arith.addi %mul3A_316, %max3A_291 : vector<16xi32>
    %swap3A_332 = arith.constant 2 : i32
    %swap3A_333 = arith.index_cast %swap3A_332 : i32 to index
    %swap3A_334 = arith.constant 32 : index
    %swap3A_335 = tpu.vector_load %arg8[%swap3A_333, %swap3A_334] {strides = array<i32>} : memref<4x64xi32, #tpu.memory_space<vmem>>, vector<1x16xi32>,
    %swap3A_336 = vector.shape_cast %swap3A_335 : vector<1x16xi32> to vector<16xi32>
    %swap3A_337 = vector.shape_cast %add3A_331 : vector<16xi32> to vector<1x16xi32>
    tpu.vector_store %arg8[%swap3A_333, %swap3A_334], %swap3A_337 {strides = array<i32>} : memref<4x64xi32, #tpu.memory_space<vmem>>, vector<1x16xi32>,
    %add3A_338 = arith.addi %mul3A_316, %min3A_304 : vector<16xi32>
    %swap3A_339 = arith.constant 3 : i32
    %swap3A_340 = arith.index_cast %swap3A_339 : i32 to index
    %swap3A_341 = arith.constant 32 : index
    %swap3A_342 = tpu.vector_load %arg8[%swap3A_340, %swap3A_341] {strides = array<i32>} : memref<4x64xi32, #tpu.memory_space<vmem>>, vector<1x16xi32>,
    %swap3A_343 = vector.shape_cast %swap3A_342 : vector<1x16xi32> to vector<16xi32>
    %swap3A_344 = vector.shape_cast %add3A_338 : vector<16xi32> to vector<1x16xi32>
    tpu.vector_store %arg8[%swap3A_340, %swap3A_341], %swap3A_344 {strides = array<i32>} : memref<4x64xi32, #tpu.memory_space<vmem>>, vector<1x16xi32>,
    %sub3A_345 = arith.constant 1.000000e+00 : f32
    %sub3A_346 = vector.broadcast %sub3A_345 : f32 to vector<16xf32>
    %sub3A_347 = arith.subf %sub3A_346, %sub3A_283 : vector<16xf32>
    %sub3A_348 = arith.constant 1.000000e+00 : f32
    %sub3A_349 = vector.broadcast %sub3A_348 : f32 to vector<16xf32>
    %sub3A_350 = arith.subf %sub3A_349, %sub3A_284 : vector<16xf32>
    %mul3A_351 = arith.mulf %sub3A_350, %sub3A_347 : vector<16xf32>
    %swap3A_352 = arith.constant 0 : i32
    %swap3A_353 = arith.index_cast %swap3A_352 : i32 to index
    %swap3A_354 = arith.constant 32 : index
    %swap3A_355 = tpu.vector_load %arg16[%swap3A_353, %swap3A_354] {strides = array<i32>} : memref<4x80xf32, #tpu.memory_space<vmem>>, vector<1x16xf32>,
    %swap3A_356 = vector.shape_cast %swap3A_355 : vector<1x16xf32> to vector<16xf32>
    %swap3A_357 = vector.shape_cast %mul3A_351 : vector<16xf32> to vector<1x16xf32>
    tpu.vector_store %arg16[%swap3A_353, %swap3A_354], %swap3A_357 {strides = array<i32>} : memref<4x80xf32, #tpu.memory_space<vmem>>, vector<1x16xf32>,
    %mul3A_358 = arith.mulf %sub3A_350, %sub3A_283 : vector<16xf32>
    %swap3A_359 = arith.constant 1 : i32
    %swap3A_360 = arith.index_cast %swap3A_359 : i32 to index
    %swap3A_361 = arith.constant 32 : index
    %swap3A_362 = tpu.vector_load %arg16[%swap3A_360, %swap3A_361] {strides = array<i32>} : memref<4x80xf32, #tpu.memory_space<vmem>>, vector<1x16xf32>,
    %swap3A_363 = vector.shape_cast %swap3A_362 : vector<1x16xf32> to vector<16xf32>
    %swap3A_364 = vector.shape_cast %mul3A_358 : vector<16xf32> to vector<1x16xf32>
    tpu.vector_store %arg16[%swap3A_360, %swap3A_361], %swap3A_364 {strides = array<i32>} : memref<4x80xf32, #tpu.memory_space<vmem>>, vector<1x16xf32>,
    %mul3A_365 = arith.mulf %sub3A_284, %sub3A_347 : vector<16xf32>
    %swap3A_366 = arith.constant 2 : i32
    %swap3A_367 = arith.index_cast %swap3A_366 : i32 to index
    %swap3A_368 = arith.constant 32 : index
    %swap3A_369 = tpu.vector_load %arg16[%swap3A_367, %swap3A_368] {strides = array<i32>} : memref<4x80xf32, #tpu.memory_space<vmem>>, vector<1x16xf32>,
    %swap3A_370 = vector.shape_cast %swap3A_369 : vector<1x16xf32> to vector<16xf32>
    %swap3A_371 = vector.shape_cast %mul3A_365 : vector<16xf32> to vector<1x16xf32>
    tpu.vector_store %arg16[%swap3A_367, %swap3A_368], %swap3A_371 {strides = array<i32>} : memref<4x80xf32, #tpu.memory_space<vmem>>, vector<1x16xf32>,
    %mul3A_372 = arith.mulf %sub3A_284, %sub3A_283 : vector<16xf32>
    %swap3A_373 = arith.constant 3 : i32
    %swap3A_374 = arith.index_cast %swap3A_373 : i32 to index
    %swap3A_375 = arith.constant 32 : index
    %swap3A_376 = tpu.vector_load %arg16[%swap3A_374, %swap3A_375] {strides = array<i32>} : memref<4x80xf32, #tpu.memory_space<vmem>>, vector<1x16xf32>,
    %swap3A_377 = vector.shape_cast %swap3A_376 : vector<1x16xf32> to vector<16xf32>
    %swap3A_378 = vector.shape_cast %mul3A_372 : vector<16xf32> to vector<1x16xf32>
    tpu.vector_store %arg16[%swap3A_374, %swap3A_375], %swap3A_378 {strides = array<i32>} : memref<4x80xf32, #tpu.memory_space<vmem>>, vector<1x16xf32>,
    %get3A_379 = arith.constant 48 : index
    %get3A_380 = tpu.vector_load %arg18[%get3A_379] {strides = array<i32>} : memref<16384xf32, #tpu.memory_space<vmem>>, vector<16xf32>,
    %get3A_381 = vector.shape_cast %get3A_380 : vector<16xf32> to vector<16xf32>
    %mul3A_382 = arith.constant 5.120000e+02 : f32
    %mul3A_383 = vector.broadcast %mul3A_382 : f32 to vector<16xf32>
    %mul3A_384 = arith.mulf %get3A_381, %mul3A_383 : vector<16xf32>
    %sub3A_385 = arith.constant 5.000000e-01 : f32
    %sub3A_386 = vector.broadcast %sub3A_385 : f32 to vector<16xf32>
    %sub3A_387 = arith.subf %mul3A_384, %sub3A_386 : vector<16xf32>
    %get3A_388 = arith.constant 48 : index
    %get3A_389 = tpu.vector_load %arg19[%get3A_388] {strides = array<i32>} : memref<16384xf32, #tpu.memory_space<vmem>>, vector<16xf32>,
    %get3A_390 = vector.shape_cast %get3A_389 : vector<16xf32> to vector<16xf32>
    %mul3A_391 = arith.constant 5.120000e+02 : f32
    %mul3A_392 = vector.broadcast %mul3A_391 : f32 to vector<16xf32>
    %mul3A_393 = arith.mulf %get3A_390, %mul3A_392 : vector<16xf32>
    %sub3A_394 = arith.constant 5.000000e-01 : f32
    %sub3A_395 = vector.broadcast %sub3A_394 : f32 to vector<16xf32>
    %sub3A_396 = arith.subf %mul3A_393, %sub3A_395 : vector<16xf32>
    %convert_element_type3A_397 = arith.fptosi %sub3A_387 : vector<16xf32> to vector<16xi32>
    %convert_element_type3A_398 = arith.sitofp %convert_element_type3A_397 : vector<16xi32> to vector<16xf32>
    %lt3A_399 = arith.cmpf olt, %sub3A_387, %convert_element_type3A_398 : vector<16xf32>
    %sub3A_400 = arith.constant 1.000000e+00 : f32
    %sub3A_401 = vector.broadcast %sub3A_400 : f32 to vector<16xf32>
    %sub3A_402 = arith.subf %convert_element_type3A_398, %sub3A_401 : vector<16xf32>
    %select_n3A_403 = arith.select %lt3A_399, %sub3A_402, %convert_element_type3A_398 : vector<16xi1>, vector<16xf32>
    %convert_element_type3A_404 = arith.fptosi %sub3A_396 : vector<16xf32> to vector<16xi32>
    %convert_element_type3A_405 = arith.sitofp %convert_element_type3A_404 : vector<16xi32> to vector<16xf32>
    %lt3A_406 = arith.cmpf olt, %sub3A_396, %convert_element_type3A_405 : vector<16xf32>
    %sub3A_407 = arith.constant 1.000000e+00 : f32
    %sub3A_408 = vector.broadcast %sub3A_407 : f32 to vector<16xf32>
    %sub3A_409 = arith.subf %convert_element_type3A_405, %sub3A_408 : vector<16xf32>
    %select_n3A_410 = arith.select %lt3A_406, %sub3A_409, %convert_element_type3A_405 : vector<16xi1>, vector<16xf32>
    %sub3A_411 = arith.subf %sub3A_387, %select_n3A_403 : vector<16xf32>
    %sub3A_412 = arith.subf %sub3A_396, %select_n3A_410 : vector<16xf32>
    %convert_element_type3A_413 = arith.fptosi %select_n3A_403 : vector<16xf32> to vector<16xi32>
    %min3A_414 = arith.constant 511 : i32
    %min3A_415 = vector.broadcast %min3A_414 : i32 to vector<16xi32>
    %min3A_416 = arith.minsi %convert_element_type3A_413, %min3A_415 : vector<16xi32>
    %max3A_417 = arith.constant 0 : i32
    %max3A_418 = vector.broadcast %max3A_417 : i32 to vector<16xi32>
    %max3A_419 = arith.maxsi %min3A_416, %max3A_418 : vector<16xi32>
    %convert_element_type3A_420 = arith.fptosi %select_n3A_410 : vector<16xf32> to vector<16xi32>
    %min3A_421 = arith.constant 511 : i32
    %min3A_422 = vector.broadcast %min3A_421 : i32 to vector<16xi32>
    %min3A_423 = arith.minsi %convert_element_type3A_420, %min3A_422 : vector<16xi32>
    %max3A_424 = arith.constant 0 : i32
    %max3A_425 = vector.broadcast %max3A_424 : i32 to vector<16xi32>
    %max3A_426 = arith.maxsi %min3A_423, %max3A_425 : vector<16xi32>
    %add3A_427 = arith.constant 1 : i32
    %add3A_428 = vector.broadcast %add3A_427 : i32 to vector<16xi32>
    %add3A_429 = arith.addi %max3A_419, %add3A_428 : vector<16xi32>
    %min3A_430 = arith.constant 511 : i32
    %min3A_431 = vector.broadcast %min3A_430 : i32 to vector<16xi32>
    %min3A_432 = arith.minsi %add3A_429, %min3A_431 : vector<16xi32>
    %add3A_433 = arith.constant 1 : i32
    %add3A_434 = vector.broadcast %add3A_433 : i32 to vector<16xi32>
    %add3A_435 = arith.addi %max3A_426, %add3A_434 : vector<16xi32>
    %min3A_436 = arith.constant 511 : i32
    %min3A_437 = vector.broadcast %min3A_436 : i32 to vector<16xi32>
    %min3A_438 = arith.minsi %add3A_435, %min3A_437 : vector<16xi32>
    %mul3A_439 = arith.constant 512 : i32
    %mul3A_440 = vector.broadcast %mul3A_439 : i32 to vector<16xi32>
    %mul3A_441 = arith.muli %max3A_426, %mul3A_440 : vector<16xi32>
    %mul3A_442 = arith.constant 512 : i32
    %mul3A_443 = vector.broadcast %mul3A_442 : i32 to vector<16xi32>
    %mul3A_444 = arith.muli %min3A_438, %mul3A_443 : vector<16xi32>
    %add3A_445 = arith.addi %mul3A_441, %max3A_419 : vector<16xi32>
    %swap3A_446 = arith.constant 0 : i32
    %swap3A_447 = arith.index_cast %swap3A_446 : i32 to index
    %swap3A_448 = arith.constant 48 : index
    %swap3A_449 = tpu.vector_load %arg8[%swap3A_447, %swap3A_448] {strides = array<i32>} : memref<4x64xi32, #tpu.memory_space<vmem>>, vector<1x16xi32>,
    %swap3A_450 = vector.shape_cast %swap3A_449 : vector<1x16xi32> to vector<16xi32>
    %swap3A_451 = vector.shape_cast %add3A_445 : vector<16xi32> to vector<1x16xi32>
    tpu.vector_store %arg8[%swap3A_447, %swap3A_448], %swap3A_451 {strides = array<i32>} : memref<4x64xi32, #tpu.memory_space<vmem>>, vector<1x16xi32>,
    %add3A_452 = arith.addi %mul3A_441, %min3A_432 : vector<16xi32>
    %swap3A_453 = arith.constant 1 : i32
    %swap3A_454 = arith.index_cast %swap3A_453 : i32 to index
    %swap3A_455 = arith.constant 48 : index
    %swap3A_456 = tpu.vector_load %arg8[%swap3A_454, %swap3A_455] {strides = array<i32>} : memref<4x64xi32, #tpu.memory_space<vmem>>, vector<1x16xi32>,
    %swap3A_457 = vector.shape_cast %swap3A_456 : vector<1x16xi32> to vector<16xi32>
    %swap3A_458 = vector.shape_cast %add3A_452 : vector<16xi32> to vector<1x16xi32>
    tpu.vector_store %arg8[%swap3A_454, %swap3A_455], %swap3A_458 {strides = array<i32>} : memref<4x64xi32, #tpu.memory_space<vmem>>, vector<1x16xi32>,
    %add3A_459 = arith.addi %mul3A_444, %max3A_419 : vector<16xi32>
    %swap3A_460 = arith.constant 2 : i32
    %swap3A_461 = arith.index_cast %swap3A_460 : i32 to index
    %swap3A_462 = arith.constant 48 : index
    %swap3A_463 = tpu.vector_load %arg8[%swap3A_461, %swap3A_462] {strides = array<i32>} : memref<4x64xi32, #tpu.memory_space<vmem>>, vector<1x16xi32>,
    %swap3A_464 = vector.shape_cast %swap3A_463 : vector<1x16xi32> to vector<16xi32>
    %swap3A_465 = vector.shape_cast %add3A_459 : vector<16xi32> to vector<1x16xi32>
    tpu.vector_store %arg8[%swap3A_461, %swap3A_462], %swap3A_465 {strides = array<i32>} : memref<4x64xi32, #tpu.memory_space<vmem>>, vector<1x16xi32>,
    %add3A_466 = arith.addi %mul3A_444, %min3A_432 : vector<16xi32>
    %swap3A_467 = arith.constant 3 : i32
    %swap3A_468 = arith.index_cast %swap3A_467 : i32 to index
    %swap3A_469 = arith.constant 48 : index
    %swap3A_470 = tpu.vector_load %arg8[%swap3A_468, %swap3A_469] {strides = array<i32>} : memref<4x64xi32, #tpu.memory_space<vmem>>, vector<1x16xi32>,
    %swap3A_471 = vector.shape_cast %swap3A_470 : vector<1x16xi32> to vector<16xi32>
    %swap3A_472 = vector.shape_cast %add3A_466 : vector<16xi32> to vector<1x16xi32>
    tpu.vector_store %arg8[%swap3A_468, %swap3A_469], %swap3A_472 {strides = array<i32>} : memref<4x64xi32, #tpu.memory_space<vmem>>, vector<1x16xi32>,
    %sub3A_473 = arith.constant 1.000000e+00 : f32
    %sub3A_474 = vector.broadcast %sub3A_473 : f32 to vector<16xf32>
    %sub3A_475 = arith.subf %sub3A_474, %sub3A_411 : vector<16xf32>
    %sub3A_476 = arith.constant 1.000000e+00 : f32
    %sub3A_477 = vector.broadcast %sub3A_476 : f32 to vector<16xf32>
    %sub3A_478 = arith.subf %sub3A_477, %sub3A_412 : vector<16xf32>
    %mul3A_479 = arith.mulf %sub3A_478, %sub3A_475 : vector<16xf32>
    %swap3A_480 = arith.constant 0 : i32
    %swap3A_481 = arith.index_cast %swap3A_480 : i32 to index
    %swap3A_482 = arith.constant 48 : index
    %swap3A_483 = tpu.vector_load %arg16[%swap3A_481, %swap3A_482] {strides = array<i32>} : memref<4x80xf32, #tpu.memory_space<vmem>>, vector<1x16xf32>,
    %swap3A_484 = vector.shape_cast %swap3A_483 : vector<1x16xf32> to vector<16xf32>
    %swap3A_485 = vector.shape_cast %mul3A_479 : vector<16xf32> to vector<1x16xf32>
    tpu.vector_store %arg16[%swap3A_481, %swap3A_482], %swap3A_485 {strides = array<i32>} : memref<4x80xf32, #tpu.memory_space<vmem>>, vector<1x16xf32>,
    %mul3A_486 = arith.mulf %sub3A_478, %sub3A_411 : vector<16xf32>
    %swap3A_487 = arith.constant 1 : i32
    %swap3A_488 = arith.index_cast %swap3A_487 : i32 to index
    %swap3A_489 = arith.constant 48 : index
    %swap3A_490 = tpu.vector_load %arg16[%swap3A_488, %swap3A_489] {strides = array<i32>} : memref<4x80xf32, #tpu.memory_space<vmem>>, vector<1x16xf32>,
    %swap3A_491 = vector.shape_cast %swap3A_490 : vector<1x16xf32> to vector<16xf32>
    %swap3A_492 = vector.shape_cast %mul3A_486 : vector<16xf32> to vector<1x16xf32>
    tpu.vector_store %arg16[%swap3A_488, %swap3A_489], %swap3A_492 {strides = array<i32>} : memref<4x80xf32, #tpu.memory_space<vmem>>, vector<1x16xf32>,
    %mul3A_493 = arith.mulf %sub3A_412, %sub3A_475 : vector<16xf32>
    %swap3A_494 = arith.constant 2 : i32
    %swap3A_495 = arith.index_cast %swap3A_494 : i32 to index
    %swap3A_496 = arith.constant 48 : index
    %swap3A_497 = tpu.vector_load %arg16[%swap3A_495, %swap3A_496] {strides = array<i32>} : memref<4x80xf32, #tpu.memory_space<vmem>>, vector<1x16xf32>,
    %swap3A_498 = vector.shape_cast %swap3A_497 : vector<1x16xf32> to vector<16xf32>
    %swap3A_499 = vector.shape_cast %mul3A_493 : vector<16xf32> to vector<1x16xf32>
    tpu.vector_store %arg16[%swap3A_495, %swap3A_496], %swap3A_499 {strides = array<i32>} : memref<4x80xf32, #tpu.memory_space<vmem>>, vector<1x16xf32>,
    %mul3A_500 = arith.mulf %sub3A_412, %sub3A_411 : vector<16xf32>
    %swap3A_501 = arith.constant 3 : i32
    %swap3A_502 = arith.index_cast %swap3A_501 : i32 to index
    %swap3A_503 = arith.constant 48 : index
    %swap3A_504 = tpu.vector_load %arg16[%swap3A_502, %swap3A_503] {strides = array<i32>} : memref<4x80xf32, #tpu.memory_space<vmem>>, vector<1x16xf32>,
    %swap3A_505 = vector.shape_cast %swap3A_504 : vector<1x16xf32> to vector<16xf32>
    %swap3A_506 = vector.shape_cast %mul3A_500 : vector<16xf32> to vector<1x16xf32>
    tpu.vector_store %arg16[%swap3A_502, %swap3A_503], %swap3A_506 {strides = array<i32>} : memref<4x80xf32, #tpu.memory_space<vmem>>, vector<1x16xf32>,
    %dma_start3A = arith.constant 0 : i32
    %dma_start3A_507 = arith.constant 0 : i32
    %dma_start3A_508 = arith.constant 0 : i32
    %dma_start3A_509 = arith.constant 0 : i32
    %dma_start3A_510 = tpu.memref_slice %arg14[%dma_start3A_507, %dma_start3A_508, %dma_start3A_509] : memref<4x64x128xf32, #tpu.memory_space<vmem>> -> memref<1x64x128xf32, #tpu.memory_space<vmem>>
    %dma_start3A_511 = tpu.memref_squeeze %dma_start3A_510 : memref<1x64x128xf32, #tpu.memory_space<vmem>> -> memref<64x128xf32, #tpu.memory_space<vmem>>
    %dma_start3A_512 = arith.constant 0 : i32
    %dma_start3A_513 = tpu.memref_slice %arg8[%dma_start3A, %dma_start3A_512] : memref<4x64xi32, #tpu.memory_space<vmem>> -> memref<1x64xi32, #tpu.memory_space<vmem>>
    %dma_start3A_514 = tpu.memref_squeeze %dma_start3A_513 : memref<1x64xi32, #tpu.memory_space<vmem>> -> memref<64xi32, #tpu.memory_space<vmem>>
    %dma_start3A_515 = arith.constant 0 : i32
    %dma_start3A_516 = arith.constant 0 : i32
    %dma_start3A_517 = tpu.memref_slice %arg2[%dma_start3A_515, %dma_start3A_516] : memref<262144x128xf32, #tpu.memory_space<hbm>> -> memref<262144x128xf32, #tpu.memory_space<hbm>>
    tpu.enqueue_indirect_dma source(%dma_start3A_517 : memref<262144x128xf32, #tpu.memory_space<hbm>>) target(%dma_start3A_511 : memref<64x128xf32, #tpu.memory_space<vmem>>) offsets(%dma_start3A_514 : memref<64xi32, #tpu.memory_space<vmem>>) semaphore(%arg6 : memref<!tpu.dma_semaphore, #tpu.memory_space<semaphore_mem>>)
    %dma_start3A_518 = arith.constant 1 : i32
    %dma_start3A_519 = arith.constant 1 : i32
    %dma_start3A_520 = arith.constant 0 : i32
    %dma_start3A_521 = arith.constant 0 : i32
    %dma_start3A_522 = tpu.memref_slice %arg14[%dma_start3A_519, %dma_start3A_520, %dma_start3A_521] : memref<4x64x128xf32, #tpu.memory_space<vmem>> -> memref<1x64x128xf32, #tpu.memory_space<vmem>>
    %dma_start3A_523 = tpu.memref_squeeze %dma_start3A_522 : memref<1x64x128xf32, #tpu.memory_space<vmem>> -> memref<64x128xf32, #tpu.memory_space<vmem>>
    %dma_start3A_524 = arith.constant 0 : i32
    %dma_start3A_525 = tpu.memref_slice %arg8[%dma_start3A_518, %dma_start3A_524] : memref<4x64xi32, #tpu.memory_space<vmem>> -> memref<1x64xi32, #tpu.memory_space<vmem>>
    %dma_start3A_526 = tpu.memref_squeeze %dma_start3A_525 : memref<1x64xi32, #tpu.memory_space<vmem>> -> memref<64xi32, #tpu.memory_space<vmem>>
    %dma_start3A_527 = arith.constant 0 : i32
    %dma_start3A_528 = arith.constant 0 : i32
    %dma_start3A_529 = tpu.memref_slice %arg2[%dma_start3A_527, %dma_start3A_528] : memref<262144x128xf32, #tpu.memory_space<hbm>> -> memref<262144x128xf32, #tpu.memory_space<hbm>>
    tpu.enqueue_indirect_dma source(%dma_start3A_529 : memref<262144x128xf32, #tpu.memory_space<hbm>>) target(%dma_start3A_523 : memref<64x128xf32, #tpu.memory_space<vmem>>) offsets(%dma_start3A_526 : memref<64xi32, #tpu.memory_space<vmem>>) semaphore(%arg6 : memref<!tpu.dma_semaphore, #tpu.memory_space<semaphore_mem>>)
    %dma_start3A_530 = arith.constant 2 : i32
    %dma_start3A_531 = arith.constant 2 : i32
    %dma_start3A_532 = arith.constant 0 : i32
    %dma_start3A_533 = arith.constant 0 : i32
    %dma_start3A_534 = tpu.memref_slice %arg14[%dma_start3A_531, %dma_start3A_532, %dma_start3A_533] : memref<4x64x128xf32, #tpu.memory_space<vmem>> -> memref<1x64x128xf32, #tpu.memory_space<vmem>>
    %dma_start3A_535 = tpu.memref_squeeze %dma_start3A_534 : memref<1x64x128xf32, #tpu.memory_space<vmem>> -> memref<64x128xf32, #tpu.memory_space<vmem>>
    %dma_start3A_536 = arith.constant 0 : i32
    %dma_start3A_537 = tpu.memref_slice %arg8[%dma_start3A_530, %dma_start3A_536] : memref<4x64xi32, #tpu.memory_space<vmem>> -> memref<1x64xi32, #tpu.memory_space<vmem>>
    %dma_start3A_538 = tpu.memref_squeeze %dma_start3A_537 : memref<1x64xi32, #tpu.memory_space<vmem>> -> memref<64xi32, #tpu.memory_space<vmem>>
    %dma_start3A_539 = arith.constant 0 : i32
    %dma_start3A_540 = arith.constant 0 : i32
    %dma_start3A_541 = tpu.memref_slice %arg2[%dma_start3A_539, %dma_start3A_540] : memref<262144x128xf32, #tpu.memory_space<hbm>> -> memref<262144x128xf32, #tpu.memory_space<hbm>>
    tpu.enqueue_indirect_dma source(%dma_start3A_541 : memref<262144x128xf32, #tpu.memory_space<hbm>>) target(%dma_start3A_535 : memref<64x128xf32, #tpu.memory_space<vmem>>) offsets(%dma_start3A_538 : memref<64xi32, #tpu.memory_space<vmem>>) semaphore(%arg6 : memref<!tpu.dma_semaphore, #tpu.memory_space<semaphore_mem>>)
    %dma_start3A_542 = arith.constant 3 : i32
    %dma_start3A_543 = arith.constant 3 : i32
    %dma_start3A_544 = arith.constant 0 : i32
    %dma_start3A_545 = arith.constant 0 : i32
    %dma_start3A_546 = tpu.memref_slice %arg14[%dma_start3A_543, %dma_start3A_544, %dma_start3A_545] : memref<4x64x128xf32, #tpu.memory_space<vmem>> -> memref<1x64x128xf32, #tpu.memory_space<vmem>>
    %dma_start3A_547 = tpu.memref_squeeze %dma_start3A_546 : memref<1x64x128xf32, #tpu.memory_space<vmem>> -> memref<64x128xf32, #tpu.memory_space<vmem>>
    %dma_start3A_548 = arith.constant 0 : i32
    %dma_start3A_549 = tpu.memref_slice %arg8[%dma_start3A_542, %dma_start3A_548] : memref<4x64xi32, #tpu.memory_space<vmem>> -> memref<1x64xi32, #tpu.memory_space<vmem>>
    %dma_start3A_550 = tpu.memref_squeeze %dma_start3A_549 : memref<1x64xi32, #tpu.memory_space<vmem>> -> memref<64xi32, #tpu.memory_space<vmem>>
    %dma_start3A_551 = arith.constant 0 : i32
    %dma_start3A_552 = arith.constant 0 : i32
    %dma_start3A_553 = tpu.memref_slice %arg2[%dma_start3A_551, %dma_start3A_552] : memref<262144x128xf32, #tpu.memory_space<hbm>> -> memref<262144x128xf32, #tpu.memory_space<hbm>>
    tpu.enqueue_indirect_dma source(%dma_start3A_553 : memref<262144x128xf32, #tpu.memory_space<hbm>>) target(%dma_start3A_547 : memref<64x128xf32, #tpu.memory_space<vmem>>) offsets(%dma_start3A_550 : memref<64xi32, #tpu.memory_space<vmem>>) semaphore(%arg6 : memref<!tpu.dma_semaphore, #tpu.memory_space<semaphore_mem>>)
    %scan3A = arith.constant 0 : i32
    %scan3A_554 = arith.constant 0 : i32
    %scan3A_555 = arith.constant 128 : i32
    %scan3A_556 = arith.addi %scan3A_554, %scan3A_555 : i32
    %scan3A_557 = arith.constant 1 : i32
    scf.for %scan3A_566 = %scan3A_554 to %scan3A_556 step %scan3A_557  : i32 {
      %mul3A_567 = arith.constant 2 : i32
      %mul3A_568 = arith.muli %mul3A_567, %scan3A_566 : i32
      %add3A_569 = arith.constant 0 : i32
      %add3A_570 = arith.addi %mul3A_568, %add3A_569 : i32
      %add3A_571 = arith.constant 1 : i32
      %add3A_572 = arith.addi %add3A_570, %add3A_571 : i32
      %lt3A_573 = arith.constant 256 : i32
      %lt3A_574 = arith.cmpi slt, %add3A_572, %lt3A_573 : i32
      %convert_element_type3A_575 = arith.extui %lt3A_574 : i1 to i32
      %cond3A = arith.constant 0 : i32
      %cond3A_576 = arith.cmpi ne, %convert_element_type3A_575, %cond3A : i32
      scf.if %cond3A_576 {
        %add3A_719 = arith.constant 1 : i32
        %add3A_720 = arith.addi %add3A_570, %add3A_719 : i32
        %mul3A_721 = arith.constant 64 : i32
        %mul3A_722 = arith.muli %add3A_720, %mul3A_721 : i32
        %add3A_723 = arith.constant 0 : i32
        %add3A_724 = arith.addi %mul3A_722, %add3A_723 : i32
        %get3A_725 = arith.index_cast %add3A_724 : i32 to index
        %get3A_726 = tpu.vector_load %arg18[%get3A_725] {strides = array<i32>} : memref<16384xf32, #tpu.memory_space<vmem>>, vector<16xf32>,
        %get3A_727 = vector.shape_cast %get3A_726 : vector<16xf32> to vector<16xf32>
        %mul3A_728 = arith.constant 5.120000e+02 : f32
        %mul3A_729 = vector.broadcast %mul3A_728 : f32 to vector<16xf32>
        %mul3A_730 = arith.mulf %get3A_727, %mul3A_729 : vector<16xf32>
        %sub3A_731 = arith.constant 5.000000e-01 : f32
        %sub3A_732 = vector.broadcast %sub3A_731 : f32 to vector<16xf32>
        %sub3A_733 = arith.subf %mul3A_730, %sub3A_732 : vector<16xf32>
        %get3A_734 = arith.index_cast %add3A_724 : i32 to index
        %get3A_735 = tpu.vector_load %arg19[%get3A_734] {strides = array<i32>} : memref<16384xf32, #tpu.memory_space<vmem>>, vector<16xf32>,
        %get3A_736 = vector.shape_cast %get3A_735 : vector<16xf32> to vector<16xf32>
        %mul3A_737 = arith.constant 5.120000e+02 : f32
        %mul3A_738 = vector.broadcast %mul3A_737 : f32 to vector<16xf32>
        %mul3A_739 = arith.mulf %get3A_736, %mul3A_738 : vector<16xf32>
        %sub3A_740 = arith.constant 5.000000e-01 : f32
        %sub3A_741 = vector.broadcast %sub3A_740 : f32 to vector<16xf32>
        %sub3A_742 = arith.subf %mul3A_739, %sub3A_741 : vector<16xf32>
        %convert_element_type3A_743 = arith.fptosi %sub3A_733 : vector<16xf32> to vector<16xi32>
        %convert_element_type3A_744 = arith.sitofp %convert_element_type3A_743 : vector<16xi32> to vector<16xf32>
        %lt3A_745 = arith.cmpf olt, %sub3A_733, %convert_element_type3A_744 : vector<16xf32>
        %sub3A_746 = arith.constant 1.000000e+00 : f32
        %sub3A_747 = vector.broadcast %sub3A_746 : f32 to vector<16xf32>
        %sub3A_748 = arith.subf %convert_element_type3A_744, %sub3A_747 : vector<16xf32>
        %select_n3A_749 = arith.select %lt3A_745, %sub3A_748, %convert_element_type3A_744 : vector<16xi1>, vector<16xf32>
        %convert_element_type3A_750 = arith.fptosi %sub3A_742 : vector<16xf32> to vector<16xi32>
        %convert_element_type3A_751 = arith.sitofp %convert_element_type3A_750 : vector<16xi32> to vector<16xf32>
        %lt3A_752 = arith.cmpf olt, %sub3A_742, %convert_element_type3A_751 : vector<16xf32>
        %sub3A_753 = arith.constant 1.000000e+00 : f32
        %sub3A_754 = vector.broadcast %sub3A_753 : f32 to vector<16xf32>
        %sub3A_755 = arith.subf %convert_element_type3A_751, %sub3A_754 : vector<16xf32>
        %select_n3A_756 = arith.select %lt3A_752, %sub3A_755, %convert_element_type3A_751 : vector<16xi1>, vector<16xf32>
        %sub3A_757 = arith.subf %sub3A_733, %select_n3A_749 : vector<16xf32>
        %sub3A_758 = arith.subf %sub3A_742, %select_n3A_756 : vector<16xf32>
        %convert_element_type3A_759 = arith.fptosi %select_n3A_749 : vector<16xf32> to vector<16xi32>
        %min3A_760 = arith.constant 511 : i32
        %min3A_761 = vector.broadcast %min3A_760 : i32 to vector<16xi32>
        %min3A_762 = arith.minsi %convert_element_type3A_759, %min3A_761 : vector<16xi32>
        %max3A_763 = arith.constant 0 : i32
        %max3A_764 = vector.broadcast %max3A_763 : i32 to vector<16xi32>
        %max3A_765 = arith.maxsi %min3A_762, %max3A_764 : vector<16xi32>
        %convert_element_type3A_766 = arith.fptosi %select_n3A_756 : vector<16xf32> to vector<16xi32>
        %min3A_767 = arith.constant 511 : i32
        %min3A_768 = vector.broadcast %min3A_767 : i32 to vector<16xi32>
        %min3A_769 = arith.minsi %convert_element_type3A_766, %min3A_768 : vector<16xi32>
        %max3A_770 = arith.constant 0 : i32
        %max3A_771 = vector.broadcast %max3A_770 : i32 to vector<16xi32>
        %max3A_772 = arith.maxsi %min3A_769, %max3A_771 : vector<16xi32>
        %add3A_773 = arith.constant 1 : i32
        %add3A_774 = vector.broadcast %add3A_773 : i32 to vector<16xi32>
        %add3A_775 = arith.addi %max3A_765, %add3A_774 : vector<16xi32>
        %min3A_776 = arith.constant 511 : i32
        %min3A_777 = vector.broadcast %min3A_776 : i32 to vector<16xi32>
        %min3A_778 = arith.minsi %add3A_775, %min3A_777 : vector<16xi32>
        %add3A_779 = arith.constant 1 : i32
        %add3A_780 = vector.broadcast %add3A_779 : i32 to vector<16xi32>
        %add3A_781 = arith.addi %max3A_772, %add3A_780 : vector<16xi32>
        %min3A_782 = arith.constant 511 : i32
        %min3A_783 = vector.broadcast %min3A_782 : i32 to vector<16xi32>
        %min3A_784 = arith.minsi %add3A_781, %min3A_783 : vector<16xi32>
        %mul3A_785 = arith.constant 512 : i32
        %mul3A_786 = vector.broadcast %mul3A_785 : i32 to vector<16xi32>
        %mul3A_787 = arith.muli %max3A_772, %mul3A_786 : vector<16xi32>
        %mul3A_788 = arith.constant 512 : i32
        %mul3A_789 = vector.broadcast %mul3A_788 : i32 to vector<16xi32>
        %mul3A_790 = arith.muli %min3A_784, %mul3A_789 : vector<16xi32>
        %add3A_791 = arith.addi %mul3A_787, %max3A_765 : vector<16xi32>
        %swap3A_792 = arith.constant 0 : i32
        %swap3A_793 = arith.index_cast %swap3A_792 : i32 to index
        %swap3A_794 = arith.constant 0 : index
        %swap3A_795 = tpu.vector_load %arg9[%swap3A_793, %swap3A_794] {strides = array<i32>} : memref<4x64xi32, #tpu.memory_space<vmem>>, vector<1x16xi32>,
        %swap3A_796 = vector.shape_cast %swap3A_795 : vector<1x16xi32> to vector<16xi32>
        %swap3A_797 = vector.shape_cast %add3A_791 : vector<16xi32> to vector<1x16xi32>
        tpu.vector_store %arg9[%swap3A_793, %swap3A_794], %swap3A_797 {strides = array<i32>} : memref<4x64xi32, #tpu.memory_space<vmem>>, vector<1x16xi32>,
        %add3A_798 = arith.addi %mul3A_787, %min3A_778 : vector<16xi32>
        %swap3A_799 = arith.constant 1 : i32
        %swap3A_800 = arith.index_cast %swap3A_799 : i32 to index
        %swap3A_801 = arith.constant 0 : index
        %swap3A_802 = tpu.vector_load %arg9[%swap3A_800, %swap3A_801] {strides = array<i32>} : memref<4x64xi32, #tpu.memory_space<vmem>>, vector<1x16xi32>,
        %swap3A_803 = vector.shape_cast %swap3A_802 : vector<1x16xi32> to vector<16xi32>
        %swap3A_804 = vector.shape_cast %add3A_798 : vector<16xi32> to vector<1x16xi32>
        tpu.vector_store %arg9[%swap3A_800, %swap3A_801], %swap3A_804 {strides = array<i32>} : memref<4x64xi32, #tpu.memory_space<vmem>>, vector<1x16xi32>,
        %add3A_805 = arith.addi %mul3A_790, %max3A_765 : vector<16xi32>
        %swap3A_806 = arith.constant 2 : i32
        %swap3A_807 = arith.index_cast %swap3A_806 : i32 to index
        %swap3A_808 = arith.constant 0 : index
        %swap3A_809 = tpu.vector_load %arg9[%swap3A_807, %swap3A_808] {strides = array<i32>} : memref<4x64xi32, #tpu.memory_space<vmem>>, vector<1x16xi32>,
        %swap3A_810 = vector.shape_cast %swap3A_809 : vector<1x16xi32> to vector<16xi32>
        %swap3A_811 = vector.shape_cast %add3A_805 : vector<16xi32> to vector<1x16xi32>
        tpu.vector_store %arg9[%swap3A_807, %swap3A_808], %swap3A_811 {strides = array<i32>} : memref<4x64xi32, #tpu.memory_space<vmem>>, vector<1x16xi32>,
        %add3A_812 = arith.addi %mul3A_790, %min3A_778 : vector<16xi32>
        %swap3A_813 = arith.constant 3 : i32
        %swap3A_814 = arith.index_cast %swap3A_813 : i32 to index
        %swap3A_815 = arith.constant 0 : index
        %swap3A_816 = tpu.vector_load %arg9[%swap3A_814, %swap3A_815] {strides = array<i32>} : memref<4x64xi32, #tpu.memory_space<vmem>>, vector<1x16xi32>,
        %swap3A_817 = vector.shape_cast %swap3A_816 : vector<1x16xi32> to vector<16xi32>
        %swap3A_818 = vector.shape_cast %add3A_812 : vector<16xi32> to vector<1x16xi32>
        tpu.vector_store %arg9[%swap3A_814, %swap3A_815], %swap3A_818 {strides = array<i32>} : memref<4x64xi32, #tpu.memory_space<vmem>>, vector<1x16xi32>,
        %sub3A_819 = arith.constant 1.000000e+00 : f32
        %sub3A_820 = vector.broadcast %sub3A_819 : f32 to vector<16xf32>
        %sub3A_821 = arith.subf %sub3A_820, %sub3A_757 : vector<16xf32>
        %sub3A_822 = arith.constant 1.000000e+00 : f32
        %sub3A_823 = vector.broadcast %sub3A_822 : f32 to vector<16xf32>
        %sub3A_824 = arith.subf %sub3A_823, %sub3A_758 : vector<16xf32>
        %mul3A_825 = arith.mulf %sub3A_824, %sub3A_821 : vector<16xf32>
        %swap3A_826 = arith.constant 0 : i32
        %swap3A_827 = arith.index_cast %swap3A_826 : i32 to index
        %swap3A_828 = arith.constant 0 : index
        %swap3A_829 = tpu.vector_load %arg17[%swap3A_827, %swap3A_828] {strides = array<i32>} : memref<4x80xf32, #tpu.memory_space<vmem>>, vector<1x16xf32>,
        %swap3A_830 = vector.shape_cast %swap3A_829 : vector<1x16xf32> to vector<16xf32>
        %swap3A_831 = vector.shape_cast %mul3A_825 : vector<16xf32> to vector<1x16xf32>
        tpu.vector_store %arg17[%swap3A_827, %swap3A_828], %swap3A_831 {strides = array<i32>} : memref<4x80xf32, #tpu.memory_space<vmem>>, vector<1x16xf32>,
        %mul3A_832 = arith.mulf %sub3A_824, %sub3A_757 : vector<16xf32>
        %swap3A_833 = arith.constant 1 : i32
        %swap3A_834 = arith.index_cast %swap3A_833 : i32 to index
        %swap3A_835 = arith.constant 0 : index
        %swap3A_836 = tpu.vector_load %arg17[%swap3A_834, %swap3A_835] {strides = array<i32>} : memref<4x80xf32, #tpu.memory_space<vmem>>, vector<1x16xf32>,
        %swap3A_837 = vector.shape_cast %swap3A_836 : vector<1x16xf32> to vector<16xf32>
        %swap3A_838 = vector.shape_cast %mul3A_832 : vector<16xf32> to vector<1x16xf32>
        tpu.vector_store %arg17[%swap3A_834, %swap3A_835], %swap3A_838 {strides = array<i32>} : memref<4x80xf32, #tpu.memory_space<vmem>>, vector<1x16xf32>,
        %mul3A_839 = arith.mulf %sub3A_758, %sub3A_821 : vector<16xf32>
        %swap3A_840 = arith.constant 2 : i32
        %swap3A_841 = arith.index_cast %swap3A_840 : i32 to index
        %swap3A_842 = arith.constant 0 : index
        %swap3A_843 = tpu.vector_load %arg17[%swap3A_841, %swap3A_842] {strides = array<i32>} : memref<4x80xf32, #tpu.memory_space<vmem>>, vector<1x16xf32>,
        %swap3A_844 = vector.shape_cast %swap3A_843 : vector<1x16xf32> to vector<16xf32>
        %swap3A_845 = vector.shape_cast %mul3A_839 : vector<16xf32> to vector<1x16xf32>
        tpu.vector_store %arg17[%swap3A_841, %swap3A_842], %swap3A_845 {strides = array<i32>} : memref<4x80xf32, #tpu.memory_space<vmem>>, vector<1x16xf32>,
        %mul3A_846 = arith.mulf %sub3A_758, %sub3A_757 : vector<16xf32>
        %swap3A_847 = arith.constant 3 : i32
        %swap3A_848 = arith.index_cast %swap3A_847 : i32 to index
        %swap3A_849 = arith.constant 0 : index
        %swap3A_850 = tpu.vector_load %arg17[%swap3A_848, %swap3A_849] {strides = array<i32>} : memref<4x80xf32, #tpu.memory_space<vmem>>, vector<1x16xf32>,
        %swap3A_851 = vector.shape_cast %swap3A_850 : vector<1x16xf32> to vector<16xf32>
        %swap3A_852 = vector.shape_cast %mul3A_846 : vector<16xf32> to vector<1x16xf32>
        tpu.vector_store %arg17[%swap3A_848, %swap3A_849], %swap3A_852 {strides = array<i32>} : memref<4x80xf32, #tpu.memory_space<vmem>>, vector<1x16xf32>,
        %mul3A_853 = arith.constant 64 : i32
        %mul3A_854 = arith.muli %add3A_720, %mul3A_853 : i32
        %add3A_855 = arith.constant 16 : i32
        %add3A_856 = arith.addi %mul3A_854, %add3A_855 : i32
        %get3A_857 = arith.index_cast %add3A_856 : i32 to index
        %get3A_858 = tpu.vector_load %arg18[%get3A_857] {strides = array<i32>} : memref<16384xf32, #tpu.memory_space<vmem>>, vector<16xf32>,
        %get3A_859 = vector.shape_cast %get3A_858 : vector<16xf32> to vector<16xf32>
        %mul3A_860 = arith.constant 5.120000e+02 : f32
        %mul3A_861 = vector.broadcast %mul3A_860 : f32 to vector<16xf32>
        %mul3A_862 = arith.mulf %get3A_859, %mul3A_861 : vector<16xf32>
        %sub3A_863 = arith.constant 5.000000e-01 : f32
        %sub3A_864 = vector.broadcast %sub3A_863 : f32 to vector<16xf32>
        %sub3A_865 = arith.subf %mul3A_862, %sub3A_864 : vector<16xf32>
        %get3A_866 = arith.index_cast %add3A_856 : i32 to index
        %get3A_867 = tpu.vector_load %arg19[%get3A_866] {strides = array<i32>} : memref<16384xf32, #tpu.memory_space<vmem>>, vector<16xf32>,
        %get3A_868 = vector.shape_cast %get3A_867 : vector<16xf32> to vector<16xf32>
        %mul3A_869 = arith.constant 5.120000e+02 : f32
        %mul3A_870 = vector.broadcast %mul3A_869 : f32 to vector<16xf32>
        %mul3A_871 = arith.mulf %get3A_868, %mul3A_870 : vector<16xf32>
        %sub3A_872 = arith.constant 5.000000e-01 : f32
        %sub3A_873 = vector.broadcast %sub3A_872 : f32 to vector<16xf32>
        %sub3A_874 = arith.subf %mul3A_871, %sub3A_873 : vector<16xf32>
        %convert_element_type3A_875 = arith.fptosi %sub3A_865 : vector<16xf32> to vector<16xi32>
        %convert_element_type3A_876 = arith.sitofp %convert_element_type3A_875 : vector<16xi32> to vector<16xf32>
        %lt3A_877 = arith.cmpf olt, %sub3A_865, %convert_element_type3A_876 : vector<16xf32>
        %sub3A_878 = arith.constant 1.000000e+00 : f32
        %sub3A_879 = vector.broadcast %sub3A_878 : f32 to vector<16xf32>
        %sub3A_880 = arith.subf %convert_element_type3A_876, %sub3A_879 : vector<16xf32>
        %select_n3A_881 = arith.select %lt3A_877, %sub3A_880, %convert_element_type3A_876 : vector<16xi1>, vector<16xf32>
        %convert_element_type3A_882 = arith.fptosi %sub3A_874 : vector<16xf32> to vector<16xi32>
        %convert_element_type3A_883 = arith.sitofp %convert_element_type3A_882 : vector<16xi32> to vector<16xf32>
        %lt3A_884 = arith.cmpf olt, %sub3A_874, %convert_element_type3A_883 : vector<16xf32>
        %sub3A_885 = arith.constant 1.000000e+00 : f32
        %sub3A_886 = vector.broadcast %sub3A_885 : f32 to vector<16xf32>
        %sub3A_887 = arith.subf %convert_element_type3A_883, %sub3A_886 : vector<16xf32>
        %select_n3A_888 = arith.select %lt3A_884, %sub3A_887, %convert_element_type3A_883 : vector<16xi1>, vector<16xf32>
        %sub3A_889 = arith.subf %sub3A_865, %select_n3A_881 : vector<16xf32>
        %sub3A_890 = arith.subf %sub3A_874, %select_n3A_888 : vector<16xf32>
        %convert_element_type3A_891 = arith.fptosi %select_n3A_881 : vector<16xf32> to vector<16xi32>
        %min3A_892 = arith.constant 511 : i32
        %min3A_893 = vector.broadcast %min3A_892 : i32 to vector<16xi32>
        %min3A_894 = arith.minsi %convert_element_type3A_891, %min3A_893 : vector<16xi32>
        %max3A_895 = arith.constant 0 : i32
        %max3A_896 = vector.broadcast %max3A_895 : i32 to vector<16xi32>
        %max3A_897 = arith.maxsi %min3A_894, %max3A_896 : vector<16xi32>
        %convert_element_type3A_898 = arith.fptosi %select_n3A_888 : vector<16xf32> to vector<16xi32>
        %min3A_899 = arith.constant 511 : i32
        %min3A_900 = vector.broadcast %min3A_899 : i32 to vector<16xi32>
        %min3A_901 = arith.minsi %convert_element_type3A_898, %min3A_900 : vector<16xi32>
        %max3A_902 = arith.constant 0 : i32
        %max3A_903 = vector.broadcast %max3A_902 : i32 to vector<16xi32>
        %max3A_904 = arith.maxsi %min3A_901, %max3A_903 : vector<16xi32>
        %add3A_905 = arith.constant 1 : i32
        %add3A_906 = vector.broadcast %add3A_905 : i32 to vector<16xi32>
        %add3A_907 = arith.addi %max3A_897, %add3A_906 : vector<16xi32>
        %min3A_908 = arith.constant 511 : i32
        %min3A_909 = vector.broadcast %min3A_908 : i32 to vector<16xi32>
        %min3A_910 = arith.minsi %add3A_907, %min3A_909 : vector<16xi32>
        %add3A_911 = arith.constant 1 : i32
        %add3A_912 = vector.broadcast %add3A_911 : i32 to vector<16xi32>
        %add3A_913 = arith.addi %max3A_904, %add3A_912 : vector<16xi32>
        %min3A_914 = arith.constant 511 : i32
        %min3A_915 = vector.broadcast %min3A_914 : i32 to vector<16xi32>
        %min3A_916 = arith.minsi %add3A_913, %min3A_915 : vector<16xi32>
        %mul3A_917 = arith.constant 512 : i32
        %mul3A_918 = vector.broadcast %mul3A_917 : i32 to vector<16xi32>
        %mul3A_919 = arith.muli %max3A_904, %mul3A_918 : vector<16xi32>
        %mul3A_920 = arith.constant 512 : i32
        %mul3A_921 = vector.broadcast %mul3A_920 : i32 to vector<16xi32>
        %mul3A_922 = arith.muli %min3A_916, %mul3A_921 : vector<16xi32>
        %add3A_923 = arith.addi %mul3A_919, %max3A_897 : vector<16xi32>
        %swap3A_924 = arith.constant 0 : i32
        %swap3A_925 = arith.index_cast %swap3A_924 : i32 to index
        %swap3A_926 = arith.constant 16 : index
        %swap3A_927 = tpu.vector_load %arg9[%swap3A_925, %swap3A_926] {strides = array<i32>} : memref<4x64xi32, #tpu.memory_space<vmem>>, vector<1x16xi32>,
        %swap3A_928 = vector.shape_cast %swap3A_927 : vector<1x16xi32> to vector<16xi32>
        %swap3A_929 = vector.shape_cast %add3A_923 : vector<16xi32> to vector<1x16xi32>
        tpu.vector_store %arg9[%swap3A_925, %swap3A_926], %swap3A_929 {strides = array<i32>} : memref<4x64xi32, #tpu.memory_space<vmem>>, vector<1x16xi32>,
        %add3A_930 = arith.addi %mul3A_919, %min3A_910 : vector<16xi32>
        %swap3A_931 = arith.constant 1 : i32
        %swap3A_932 = arith.index_cast %swap3A_931 : i32 to index
        %swap3A_933 = arith.constant 16 : index
        %swap3A_934 = tpu.vector_load %arg9[%swap3A_932, %swap3A_933] {strides = array<i32>} : memref<4x64xi32, #tpu.memory_space<vmem>>, vector<1x16xi32>,
        %swap3A_935 = vector.shape_cast %swap3A_934 : vector<1x16xi32> to vector<16xi32>
        %swap3A_936 = vector.shape_cast %add3A_930 : vector<16xi32> to vector<1x16xi32>
        tpu.vector_store %arg9[%swap3A_932, %swap3A_933], %swap3A_936 {strides = array<i32>} : memref<4x64xi32, #tpu.memory_space<vmem>>, vector<1x16xi32>,
        %add3A_937 = arith.addi %mul3A_922, %max3A_897 : vector<16xi32>
        %swap3A_938 = arith.constant 2 : i32
        %swap3A_939 = arith.index_cast %swap3A_938 : i32 to index
        %swap3A_940 = arith.constant 16 : index
        %swap3A_941 = tpu.vector_load %arg9[%swap3A_939, %swap3A_940] {strides = array<i32>} : memref<4x64xi32, #tpu.memory_space<vmem>>, vector<1x16xi32>,
        %swap3A_942 = vector.shape_cast %swap3A_941 : vector<1x16xi32> to vector<16xi32>
        %swap3A_943 = vector.shape_cast %add3A_937 : vector<16xi32> to vector<1x16xi32>
        tpu.vector_store %arg9[%swap3A_939, %swap3A_940], %swap3A_943 {strides = array<i32>} : memref<4x64xi32, #tpu.memory_space<vmem>>, vector<1x16xi32>,
        %add3A_944 = arith.addi %mul3A_922, %min3A_910 : vector<16xi32>
        %swap3A_945 = arith.constant 3 : i32
        %swap3A_946 = arith.index_cast %swap3A_945 : i32 to index
        %swap3A_947 = arith.constant 16 : index
        %swap3A_948 = tpu.vector_load %arg9[%swap3A_946, %swap3A_947] {strides = array<i32>} : memref<4x64xi32, #tpu.memory_space<vmem>>, vector<1x16xi32>,
        %swap3A_949 = vector.shape_cast %swap3A_948 : vector<1x16xi32> to vector<16xi32>
        %swap3A_950 = vector.shape_cast %add3A_944 : vector<16xi32> to vector<1x16xi32>
        tpu.vector_store %arg9[%swap3A_946, %swap3A_947], %swap3A_950 {strides = array<i32>} : memref<4x64xi32, #tpu.memory_space<vmem>>, vector<1x16xi32>,
        %sub3A_951 = arith.constant 1.000000e+00 : f32
        %sub3A_952 = vector.broadcast %sub3A_951 : f32 to vector<16xf32>
        %sub3A_953 = arith.subf %sub3A_952, %sub3A_889 : vector<16xf32>
        %sub3A_954 = arith.constant 1.000000e+00 : f32
        %sub3A_955 = vector.broadcast %sub3A_954 : f32 to vector<16xf32>
        %sub3A_956 = arith.subf %sub3A_955, %sub3A_890 : vector<16xf32>
        %mul3A_957 = arith.mulf %sub3A_956, %sub3A_953 : vector<16xf32>
        %swap3A_958 = arith.constant 0 : i32
        %swap3A_959 = arith.index_cast %swap3A_958 : i32 to index
        %swap3A_960 = arith.constant 16 : index
        %swap3A_961 = tpu.vector_load %arg17[%swap3A_959, %swap3A_960] {strides = array<i32>} : memref<4x80xf32, #tpu.memory_space<vmem>>, vector<1x16xf32>,
        %swap3A_962 = vector.shape_cast %swap3A_961 : vector<1x16xf32> to vector<16xf32>
        %swap3A_963 = vector.shape_cast %mul3A_957 : vector<16xf32> to vector<1x16xf32>
        tpu.vector_store %arg17[%swap3A_959, %swap3A_960], %swap3A_963 {strides = array<i32>} : memref<4x80xf32, #tpu.memory_space<vmem>>, vector<1x16xf32>,
        %mul3A_964 = arith.mulf %sub3A_956, %sub3A_889 : vector<16xf32>
        %swap3A_965 = arith.constant 1 : i32
        %swap3A_966 = arith.index_cast %swap3A_965 : i32 to index
        %swap3A_967 = arith.constant 16 : index
        %swap3A_968 = tpu.vector_load %arg17[%swap3A_966, %swap3A_967] {strides = array<i32>} : memref<4x80xf32, #tpu.memory_space<vmem>>, vector<1x16xf32>,
        %swap3A_969 = vector.shape_cast %swap3A_968 : vector<1x16xf32> to vector<16xf32>
        %swap3A_970 = vector.shape_cast %mul3A_964 : vector<16xf32> to vector<1x16xf32>
        tpu.vector_store %arg17[%swap3A_966, %swap3A_967], %swap3A_970 {strides = array<i32>} : memref<4x80xf32, #tpu.memory_space<vmem>>, vector<1x16xf32>,
        %mul3A_971 = arith.mulf %sub3A_890, %sub3A_953 : vector<16xf32>
        %swap3A_972 = arith.constant 2 : i32
        %swap3A_973 = arith.index_cast %swap3A_972 : i32 to index
        %swap3A_974 = arith.constant 16 : index
        %swap3A_975 = tpu.vector_load %arg17[%swap3A_973, %swap3A_974] {strides = array<i32>} : memref<4x80xf32, #tpu.memory_space<vmem>>, vector<1x16xf32>,
        %swap3A_976 = vector.shape_cast %swap3A_975 : vector<1x16xf32> to vector<16xf32>
        %swap3A_977 = vector.shape_cast %mul3A_971 : vector<16xf32> to vector<1x16xf32>
        tpu.vector_store %arg17[%swap3A_973, %swap3A_974], %swap3A_977 {strides = array<i32>} : memref<4x80xf32, #tpu.memory_space<vmem>>, vector<1x16xf32>,
        %mul3A_978 = arith.mulf %sub3A_890, %sub3A_889 : vector<16xf32>
        %swap3A_979 = arith.constant 3 : i32
        %swap3A_980 = arith.index_cast %swap3A_979 : i32 to index
        %swap3A_981 = arith.constant 16 : index
        %swap3A_982 = tpu.vector_load %arg17[%swap3A_980, %swap3A_981] {strides = array<i32>} : memref<4x80xf32, #tpu.memory_space<vmem>>, vector<1x16xf32>,
        %swap3A_983 = vector.shape_cast %swap3A_982 : vector<1x16xf32> to vector<16xf32>
        %swap3A_984 = vector.shape_cast %mul3A_978 : vector<16xf32> to vector<1x16xf32>
        tpu.vector_store %arg17[%swap3A_980, %swap3A_981], %swap3A_984 {strides = array<i32>} : memref<4x80xf32, #tpu.memory_space<vmem>>, vector<1x16xf32>,
        %mul3A_985 = arith.constant 64 : i32
        %mul3A_986 = arith.muli %add3A_720, %mul3A_985 : i32
        %add3A_987 = arith.constant 32 : i32
        %add3A_988 = arith.addi %mul3A_986, %add3A_987 : i32
        %get3A_989 = arith.index_cast %add3A_988 : i32 to index
        %get3A_990 = tpu.vector_load %arg18[%get3A_989] {strides = array<i32>} : memref<16384xf32, #tpu.memory_space<vmem>>, vector<16xf32>,
        %get3A_991 = vector.shape_cast %get3A_990 : vector<16xf32> to vector<16xf32>
        %mul3A_992 = arith.constant 5.120000e+02 : f32
        %mul3A_993 = vector.broadcast %mul3A_992 : f32 to vector<16xf32>
        %mul3A_994 = arith.mulf %get3A_991, %mul3A_993 : vector<16xf32>
        %sub3A_995 = arith.constant 5.000000e-01 : f32
        %sub3A_996 = vector.broadcast %sub3A_995 : f32 to vector<16xf32>
        %sub3A_997 = arith.subf %mul3A_994, %sub3A_996 : vector<16xf32>
        %get3A_998 = arith.index_cast %add3A_988 : i32 to index
        %get3A_999 = tpu.vector_load %arg19[%get3A_998] {strides = array<i32>} : memref<16384xf32, #tpu.memory_space<vmem>>, vector<16xf32>,
        %get3A_1000 = vector.shape_cast %get3A_999 : vector<16xf32> to vector<16xf32>
        %mul3A_1001 = arith.constant 5.120000e+02 : f32
        %mul3A_1002 = vector.broadcast %mul3A_1001 : f32 to vector<16xf32>
        %mul3A_1003 = arith.mulf %get3A_1000, %mul3A_1002 : vector<16xf32>
        %sub3A_1004 = arith.constant 5.000000e-01 : f32
        %sub3A_1005 = vector.broadcast %sub3A_1004 : f32 to vector<16xf32>
        %sub3A_1006 = arith.subf %mul3A_1003, %sub3A_1005 : vector<16xf32>
        %convert_element_type3A_1007 = arith.fptosi %sub3A_997 : vector<16xf32> to vector<16xi32>
        %convert_element_type3A_1008 = arith.sitofp %convert_element_type3A_1007 : vector<16xi32> to vector<16xf32>
        %lt3A_1009 = arith.cmpf olt, %sub3A_997, %convert_element_type3A_1008 : vector<16xf32>
        %sub3A_1010 = arith.constant 1.000000e+00 : f32
        %sub3A_1011 = vector.broadcast %sub3A_1010 : f32 to vector<16xf32>
        %sub3A_1012 = arith.subf %convert_element_type3A_1008, %sub3A_1011 : vector<16xf32>
        %select_n3A_1013 = arith.select %lt3A_1009, %sub3A_1012, %convert_element_type3A_1008 : vector<16xi1>, vector<16xf32>
        %convert_element_type3A_1014 = arith.fptosi %sub3A_1006 : vector<16xf32> to vector<16xi32>
        %convert_element_type3A_1015 = arith.sitofp %convert_element_type3A_1014 : vector<16xi32> to vector<16xf32>
        %lt3A_1016 = arith.cmpf olt, %sub3A_1006, %convert_element_type3A_1015 : vector<16xf32>
        %sub3A_1017 = arith.constant 1.000000e+00 : f32
        %sub3A_1018 = vector.broadcast %sub3A_1017 : f32 to vector<16xf32>
        %sub3A_1019 = arith.subf %convert_element_type3A_1015, %sub3A_1018 : vector<16xf32>
        %select_n3A_1020 = arith.select %lt3A_1016, %sub3A_1019, %convert_element_type3A_1015 : vector<16xi1>, vector<16xf32>
        %sub3A_1021 = arith.subf %sub3A_997, %select_n3A_1013 : vector<16xf32>
        %sub3A_1022 = arith.subf %sub3A_1006, %select_n3A_1020 : vector<16xf32>
        %convert_element_type3A_1023 = arith.fptosi %select_n3A_1013 : vector<16xf32> to vector<16xi32>
        %min3A_1024 = arith.constant 511 : i32
        %min3A_1025 = vector.broadcast %min3A_1024 : i32 to vector<16xi32>
        %min3A_1026 = arith.minsi %convert_element_type3A_1023, %min3A_1025 : vector<16xi32>
        %max3A_1027 = arith.constant 0 : i32
        %max3A_1028 = vector.broadcast %max3A_1027 : i32 to vector<16xi32>
        %max3A_1029 = arith.maxsi %min3A_1026, %max3A_1028 : vector<16xi32>
        %convert_element_type3A_1030 = arith.fptosi %select_n3A_1020 : vector<16xf32> to vector<16xi32>
        %min3A_1031 = arith.constant 511 : i32
        %min3A_1032 = vector.broadcast %min3A_1031 : i32 to vector<16xi32>
        %min3A_1033 = arith.minsi %convert_element_type3A_1030, %min3A_1032 : vector<16xi32>
        %max3A_1034 = arith.constant 0 : i32
        %max3A_1035 = vector.broadcast %max3A_1034 : i32 to vector<16xi32>
        %max3A_1036 = arith.maxsi %min3A_1033, %max3A_1035 : vector<16xi32>
        %add3A_1037 = arith.constant 1 : i32
        %add3A_1038 = vector.broadcast %add3A_1037 : i32 to vector<16xi32>
        %add3A_1039 = arith.addi %max3A_1029, %add3A_1038 : vector<16xi32>
        %min3A_1040 = arith.constant 511 : i32
        %min3A_1041 = vector.broadcast %min3A_1040 : i32 to vector<16xi32>
        %min3A_1042 = arith.minsi %add3A_1039, %min3A_1041 : vector<16xi32>
        %add3A_1043 = arith.constant 1 : i32
        %add3A_1044 = vector.broadcast %add3A_1043 : i32 to vector<16xi32>
        %add3A_1045 = arith.addi %max3A_1036, %add3A_1044 : vector<16xi32>
        %min3A_1046 = arith.constant 511 : i32
        %min3A_1047 = vector.broadcast %min3A_1046 : i32 to vector<16xi32>
        %min3A_1048 = arith.minsi %add3A_1045, %min3A_1047 : vector<16xi32>
        %mul3A_1049 = arith.constant 512 : i32
        %mul3A_1050 = vector.broadcast %mul3A_1049 : i32 to vector<16xi32>
        %mul3A_1051 = arith.muli %max3A_1036, %mul3A_1050 : vector<16xi32>
        %mul3A_1052 = arith.constant 512 : i32
        %mul3A_1053 = vector.broadcast %mul3A_1052 : i32 to vector<16xi32>
        %mul3A_1054 = arith.muli %min3A_1048, %mul3A_1053 : vector<16xi32>
        %add3A_1055 = arith.addi %mul3A_1051, %max3A_1029 : vector<16xi32>
        %swap3A_1056 = arith.constant 0 : i32
        %swap3A_1057 = arith.index_cast %swap3A_1056 : i32 to index
        %swap3A_1058 = arith.constant 32 : index
        %swap3A_1059 = tpu.vector_load %arg9[%swap3A_1057, %swap3A_1058] {strides = array<i32>} : memref<4x64xi32, #tpu.memory_space<vmem>>, vector<1x16xi32>,
        %swap3A_1060 = vector.shape_cast %swap3A_1059 : vector<1x16xi32> to vector<16xi32>
        %swap3A_1061 = vector.shape_cast %add3A_1055 : vector<16xi32> to vector<1x16xi32>
        tpu.vector_store %arg9[%swap3A_1057, %swap3A_1058], %swap3A_1061 {strides = array<i32>} : memref<4x64xi32, #tpu.memory_space<vmem>>, vector<1x16xi32>,
        %add3A_1062 = arith.addi %mul3A_1051, %min3A_1042 : vector<16xi32>
        %swap3A_1063 = arith.constant 1 : i32
        %swap3A_1064 = arith.index_cast %swap3A_1063 : i32 to index
        %swap3A_1065 = arith.constant 32 : index
        %swap3A_1066 = tpu.vector_load %arg9[%swap3A_1064, %swap3A_1065] {strides = array<i32>} : memref<4x64xi32, #tpu.memory_space<vmem>>, vector<1x16xi32>,
        %swap3A_1067 = vector.shape_cast %swap3A_1066 : vector<1x16xi32> to vector<16xi32>
        %swap3A_1068 = vector.shape_cast %add3A_1062 : vector<16xi32> to vector<1x16xi32>
        tpu.vector_store %arg9[%swap3A_1064, %swap3A_1065], %swap3A_1068 {strides = array<i32>} : memref<4x64xi32, #tpu.memory_space<vmem>>, vector<1x16xi32>,
        %add3A_1069 = arith.addi %mul3A_1054, %max3A_1029 : vector<16xi32>
        %swap3A_1070 = arith.constant 2 : i32
        %swap3A_1071 = arith.index_cast %swap3A_1070 : i32 to index
        %swap3A_1072 = arith.constant 32 : index
        %swap3A_1073 = tpu.vector_load %arg9[%swap3A_1071, %swap3A_1072] {strides = array<i32>} : memref<4x64xi32, #tpu.memory_space<vmem>>, vector<1x16xi32>,
        %swap3A_1074 = vector.shape_cast %swap3A_1073 : vector<1x16xi32> to vector<16xi32>
        %swap3A_1075 = vector.shape_cast %add3A_1069 : vector<16xi32> to vector<1x16xi32>
        tpu.vector_store %arg9[%swap3A_1071, %swap3A_1072], %swap3A_1075 {strides = array<i32>} : memref<4x64xi32, #tpu.memory_space<vmem>>, vector<1x16xi32>,
        %add3A_1076 = arith.addi %mul3A_1054, %min3A_1042 : vector<16xi32>
        %swap3A_1077 = arith.constant 3 : i32
        %swap3A_1078 = arith.index_cast %swap3A_1077 : i32 to index
        %swap3A_1079 = arith.constant 32 : index
        %swap3A_1080 = tpu.vector_load %arg9[%swap3A_1078, %swap3A_1079] {strides = array<i32>} : memref<4x64xi32, #tpu.memory_space<vmem>>, vector<1x16xi32>,
        %swap3A_1081 = vector.shape_cast %swap3A_1080 : vector<1x16xi32> to vector<16xi32>
        %swap3A_1082 = vector.shape_cast %add3A_1076 : vector<16xi32> to vector<1x16xi32>
        tpu.vector_store %arg9[%swap3A_1078, %swap3A_1079], %swap3A_1082 {strides = array<i32>} : memref<4x64xi32, #tpu.memory_space<vmem>>, vector<1x16xi32>,
        %sub3A_1083 = arith.constant 1.000000e+00 : f32
        %sub3A_1084 = vector.broadcast %sub3A_1083 : f32 to vector<16xf32>
        %sub3A_1085 = arith.subf %sub3A_1084, %sub3A_1021 : vector<16xf32>
        %sub3A_1086 = arith.constant 1.000000e+00 : f32
        %sub3A_1087 = vector.broadcast %sub3A_1086 : f32 to vector<16xf32>
        %sub3A_1088 = arith.subf %sub3A_1087, %sub3A_1022 : vector<16xf32>
        %mul3A_1089 = arith.mulf %sub3A_1088, %sub3A_1085 : vector<16xf32>
        %swap3A_1090 = arith.constant 0 : i32
        %swap3A_1091 = arith.index_cast %swap3A_1090 : i32 to index
        %swap3A_1092 = arith.constant 32 : index
        %swap3A_1093 = tpu.vector_load %arg17[%swap3A_1091, %swap3A_1092] {strides = array<i32>} : memref<4x80xf32, #tpu.memory_space<vmem>>, vector<1x16xf32>,
        %swap3A_1094 = vector.shape_cast %swap3A_1093 : vector<1x16xf32> to vector<16xf32>
        %swap3A_1095 = vector.shape_cast %mul3A_1089 : vector<16xf32> to vector<1x16xf32>
        tpu.vector_store %arg17[%swap3A_1091, %swap3A_1092], %swap3A_1095 {strides = array<i32>} : memref<4x80xf32, #tpu.memory_space<vmem>>, vector<1x16xf32>,
        %mul3A_1096 = arith.mulf %sub3A_1088, %sub3A_1021 : vector<16xf32>
        %swap3A_1097 = arith.constant 1 : i32
        %swap3A_1098 = arith.index_cast %swap3A_1097 : i32 to index
        %swap3A_1099 = arith.constant 32 : index
        %swap3A_1100 = tpu.vector_load %arg17[%swap3A_1098, %swap3A_1099] {strides = array<i32>} : memref<4x80xf32, #tpu.memory_space<vmem>>, vector<1x16xf32>,
        %swap3A_1101 = vector.shape_cast %swap3A_1100 : vector<1x16xf32> to vector<16xf32>
        %swap3A_1102 = vector.shape_cast %mul3A_1096 : vector<16xf32> to vector<1x16xf32>
        tpu.vector_store %arg17[%swap3A_1098, %swap3A_1099], %swap3A_1102 {strides = array<i32>} : memref<4x80xf32, #tpu.memory_space<vmem>>, vector<1x16xf32>,
        %mul3A_1103 = arith.mulf %sub3A_1022, %sub3A_1085 : vector<16xf32>
        %swap3A_1104 = arith.constant 2 : i32
        %swap3A_1105 = arith.index_cast %swap3A_1104 : i32 to index
        %swap3A_1106 = arith.constant 32 : index
        %swap3A_1107 = tpu.vector_load %arg17[%swap3A_1105, %swap3A_1106] {strides = array<i32>} : memref<4x80xf32, #tpu.memory_space<vmem>>, vector<1x16xf32>,
        %swap3A_1108 = vector.shape_cast %swap3A_1107 : vector<1x16xf32> to vector<16xf32>
        %swap3A_1109 = vector.shape_cast %mul3A_1103 : vector<16xf32> to vector<1x16xf32>
        tpu.vector_store %arg17[%swap3A_1105, %swap3A_1106], %swap3A_1109 {strides = array<i32>} : memref<4x80xf32, #tpu.memory_space<vmem>>, vector<1x16xf32>,
        %mul3A_1110 = arith.mulf %sub3A_1022, %sub3A_1021 : vector<16xf32>
        %swap3A_1111 = arith.constant 3 : i32
        %swap3A_1112 = arith.index_cast %swap3A_1111 : i32 to index
        %swap3A_1113 = arith.constant 32 : index
        %swap3A_1114 = tpu.vector_load %arg17[%swap3A_1112, %swap3A_1113] {strides = array<i32>} : memref<4x80xf32, #tpu.memory_space<vmem>>, vector<1x16xf32>,
        %swap3A_1115 = vector.shape_cast %swap3A_1114 : vector<1x16xf32> to vector<16xf32>
        %swap3A_1116 = vector.shape_cast %mul3A_1110 : vector<16xf32> to vector<1x16xf32>
        tpu.vector_store %arg17[%swap3A_1112, %swap3A_1113], %swap3A_1116 {strides = array<i32>} : memref<4x80xf32, #tpu.memory_space<vmem>>, vector<1x16xf32>,
        %mul3A_1117 = arith.constant 64 : i32
        %mul3A_1118 = arith.muli %add3A_720, %mul3A_1117 : i32
        %add3A_1119 = arith.constant 48 : i32
        %add3A_1120 = arith.addi %mul3A_1118, %add3A_1119 : i32
        %get3A_1121 = arith.index_cast %add3A_1120 : i32 to index
        %get3A_1122 = tpu.vector_load %arg18[%get3A_1121] {strides = array<i32>} : memref<16384xf32, #tpu.memory_space<vmem>>, vector<16xf32>,
        %get3A_1123 = vector.shape_cast %get3A_1122 : vector<16xf32> to vector<16xf32>
        %mul3A_1124 = arith.constant 5.120000e+02 : f32
        %mul3A_1125 = vector.broadcast %mul3A_1124 : f32 to vector<16xf32>
        %mul3A_1126 = arith.mulf %get3A_1123, %mul3A_1125 : vector<16xf32>
        %sub3A_1127 = arith.constant 5.000000e-01 : f32
        %sub3A_1128 = vector.broadcast %sub3A_1127 : f32 to vector<16xf32>
        %sub3A_1129 = arith.subf %mul3A_1126, %sub3A_1128 : vector<16xf32>
        %get3A_1130 = arith.index_cast %add3A_1120 : i32 to index
        %get3A_1131 = tpu.vector_load %arg19[%get3A_1130] {strides = array<i32>} : memref<16384xf32, #tpu.memory_space<vmem>>, vector<16xf32>,
        %get3A_1132 = vector.shape_cast %get3A_1131 : vector<16xf32> to vector<16xf32>
        %mul3A_1133 = arith.constant 5.120000e+02 : f32
        %mul3A_1134 = vector.broadcast %mul3A_1133 : f32 to vector<16xf32>
        %mul3A_1135 = arith.mulf %get3A_1132, %mul3A_1134 : vector<16xf32>
        %sub3A_1136 = arith.constant 5.000000e-01 : f32
        %sub3A_1137 = vector.broadcast %sub3A_1136 : f32 to vector<16xf32>
        %sub3A_1138 = arith.subf %mul3A_1135, %sub3A_1137 : vector<16xf32>
        %convert_element_type3A_1139 = arith.fptosi %sub3A_1129 : vector<16xf32> to vector<16xi32>
        %convert_element_type3A_1140 = arith.sitofp %convert_element_type3A_1139 : vector<16xi32> to vector<16xf32>
        %lt3A_1141 = arith.cmpf olt, %sub3A_1129, %convert_element_type3A_1140 : vector<16xf32>
        %sub3A_1142 = arith.constant 1.000000e+00 : f32
        %sub3A_1143 = vector.broadcast %sub3A_1142 : f32 to vector<16xf32>
        %sub3A_1144 = arith.subf %convert_element_type3A_1140, %sub3A_1143 : vector<16xf32>
        %select_n3A_1145 = arith.select %lt3A_1141, %sub3A_1144, %convert_element_type3A_1140 : vector<16xi1>, vector<16xf32>
        %convert_element_type3A_1146 = arith.fptosi %sub3A_1138 : vector<16xf32> to vector<16xi32>
        %convert_element_type3A_1147 = arith.sitofp %convert_element_type3A_1146 : vector<16xi32> to vector<16xf32>
        %lt3A_1148 = arith.cmpf olt, %sub3A_1138, %convert_element_type3A_1147 : vector<16xf32>
        %sub3A_1149 = arith.constant 1.000000e+00 : f32
        %sub3A_1150 = vector.broadcast %sub3A_1149 : f32 to vector<16xf32>
        %sub3A_1151 = arith.subf %convert_element_type3A_1147, %sub3A_1150 : vector<16xf32>
        %select_n3A_1152 = arith.select %lt3A_1148, %sub3A_1151, %convert_element_type3A_1147 : vector<16xi1>, vector<16xf32>
        %sub3A_1153 = arith.subf %sub3A_1129, %select_n3A_1145 : vector<16xf32>
        %sub3A_1154 = arith.subf %sub3A_1138, %select_n3A_1152 : vector<16xf32>
        %convert_element_type3A_1155 = arith.fptosi %select_n3A_1145 : vector<16xf32> to vector<16xi32>
        %min3A_1156 = arith.constant 511 : i32
        %min3A_1157 = vector.broadcast %min3A_1156 : i32 to vector<16xi32>
        %min3A_1158 = arith.minsi %convert_element_type3A_1155, %min3A_1157 : vector<16xi32>
        %max3A_1159 = arith.constant 0 : i32
        %max3A_1160 = vector.broadcast %max3A_1159 : i32 to vector<16xi32>
        %max3A_1161 = arith.maxsi %min3A_1158, %max3A_1160 : vector<16xi32>
        %convert_element_type3A_1162 = arith.fptosi %select_n3A_1152 : vector<16xf32> to vector<16xi32>
        %min3A_1163 = arith.constant 511 : i32
        %min3A_1164 = vector.broadcast %min3A_1163 : i32 to vector<16xi32>
        %min3A_1165 = arith.minsi %convert_element_type3A_1162, %min3A_1164 : vector<16xi32>
        %max3A_1166 = arith.constant 0 : i32
        %max3A_1167 = vector.broadcast %max3A_1166 : i32 to vector<16xi32>
        %max3A_1168 = arith.maxsi %min3A_1165, %max3A_1167 : vector<16xi32>
        %add3A_1169 = arith.constant 1 : i32
        %add3A_1170 = vector.broadcast %add3A_1169 : i32 to vector<16xi32>
        %add3A_1171 = arith.addi %max3A_1161, %add3A_1170 : vector<16xi32>
        %min3A_1172 = arith.constant 511 : i32
        %min3A_1173 = vector.broadcast %min3A_1172 : i32 to vector<16xi32>
        %min3A_1174 = arith.minsi %add3A_1171, %min3A_1173 : vector<16xi32>
        %add3A_1175 = arith.constant 1 : i32
        %add3A_1176 = vector.broadcast %add3A_1175 : i32 to vector<16xi32>
        %add3A_1177 = arith.addi %max3A_1168, %add3A_1176 : vector<16xi32>
        %min3A_1178 = arith.constant 511 : i32
        %min3A_1179 = vector.broadcast %min3A_1178 : i32 to vector<16xi32>
        %min3A_1180 = arith.minsi %add3A_1177, %min3A_1179 : vector<16xi32>
        %mul3A_1181 = arith.constant 512 : i32
        %mul3A_1182 = vector.broadcast %mul3A_1181 : i32 to vector<16xi32>
        %mul3A_1183 = arith.muli %max3A_1168, %mul3A_1182 : vector<16xi32>
        %mul3A_1184 = arith.constant 512 : i32
        %mul3A_1185 = vector.broadcast %mul3A_1184 : i32 to vector<16xi32>
        %mul3A_1186 = arith.muli %min3A_1180, %mul3A_1185 : vector<16xi32>
        %add3A_1187 = arith.addi %mul3A_1183, %max3A_1161 : vector<16xi32>
        %swap3A_1188 = arith.constant 0 : i32
        %swap3A_1189 = arith.index_cast %swap3A_1188 : i32 to index
        %swap3A_1190 = arith.constant 48 : index
        %swap3A_1191 = tpu.vector_load %arg9[%swap3A_1189, %swap3A_1190] {strides = array<i32>} : memref<4x64xi32, #tpu.memory_space<vmem>>, vector<1x16xi32>,
        %swap3A_1192 = vector.shape_cast %swap3A_1191 : vector<1x16xi32> to vector<16xi32>
        %swap3A_1193 = vector.shape_cast %add3A_1187 : vector<16xi32> to vector<1x16xi32>
        tpu.vector_store %arg9[%swap3A_1189, %swap3A_1190], %swap3A_1193 {strides = array<i32>} : memref<4x64xi32, #tpu.memory_space<vmem>>, vector<1x16xi32>,
        %add3A_1194 = arith.addi %mul3A_1183, %min3A_1174 : vector<16xi32>
        %swap3A_1195 = arith.constant 1 : i32
        %swap3A_1196 = arith.index_cast %swap3A_1195 : i32 to index
        %swap3A_1197 = arith.constant 48 : index
        %swap3A_1198 = tpu.vector_load %arg9[%swap3A_1196, %swap3A_1197] {strides = array<i32>} : memref<4x64xi32, #tpu.memory_space<vmem>>, vector<1x16xi32>,
        %swap3A_1199 = vector.shape_cast %swap3A_1198 : vector<1x16xi32> to vector<16xi32>
        %swap3A_1200 = vector.shape_cast %add3A_1194 : vector<16xi32> to vector<1x16xi32>
        tpu.vector_store %arg9[%swap3A_1196, %swap3A_1197], %swap3A_1200 {strides = array<i32>} : memref<4x64xi32, #tpu.memory_space<vmem>>, vector<1x16xi32>,
        %add3A_1201 = arith.addi %mul3A_1186, %max3A_1161 : vector<16xi32>
        %swap3A_1202 = arith.constant 2 : i32
        %swap3A_1203 = arith.index_cast %swap3A_1202 : i32 to index
        %swap3A_1204 = arith.constant 48 : index
        %swap3A_1205 = tpu.vector_load %arg9[%swap3A_1203, %swap3A_1204] {strides = array<i32>} : memref<4x64xi32, #tpu.memory_space<vmem>>, vector<1x16xi32>,
        %swap3A_1206 = vector.shape_cast %swap3A_1205 : vector<1x16xi32> to vector<16xi32>
        %swap3A_1207 = vector.shape_cast %add3A_1201 : vector<16xi32> to vector<1x16xi32>
        tpu.vector_store %arg9[%swap3A_1203, %swap3A_1204], %swap3A_1207 {strides = array<i32>} : memref<4x64xi32, #tpu.memory_space<vmem>>, vector<1x16xi32>,
        %add3A_1208 = arith.addi %mul3A_1186, %min3A_1174 : vector<16xi32>
        %swap3A_1209 = arith.constant 3 : i32
        %swap3A_1210 = arith.index_cast %swap3A_1209 : i32 to index
        %swap3A_1211 = arith.constant 48 : index
        %swap3A_1212 = tpu.vector_load %arg9[%swap3A_1210, %swap3A_1211] {strides = array<i32>} : memref<4x64xi32, #tpu.memory_space<vmem>>, vector<1x16xi32>,
        %swap3A_1213 = vector.shape_cast %swap3A_1212 : vector<1x16xi32> to vector<16xi32>
        %swap3A_1214 = vector.shape_cast %add3A_1208 : vector<16xi32> to vector<1x16xi32>
        tpu.vector_store %arg9[%swap3A_1210, %swap3A_1211], %swap3A_1214 {strides = array<i32>} : memref<4x64xi32, #tpu.memory_space<vmem>>, vector<1x16xi32>,
        %sub3A_1215 = arith.constant 1.000000e+00 : f32
        %sub3A_1216 = vector.broadcast %sub3A_1215 : f32 to vector<16xf32>
        %sub3A_1217 = arith.subf %sub3A_1216, %sub3A_1153 : vector<16xf32>
        %sub3A_1218 = arith.constant 1.000000e+00 : f32
        %sub3A_1219 = vector.broadcast %sub3A_1218 : f32 to vector<16xf32>
        %sub3A_1220 = arith.subf %sub3A_1219, %sub3A_1154 : vector<16xf32>
        %mul3A_1221 = arith.mulf %sub3A_1220, %sub3A_1217 : vector<16xf32>
        %swap3A_1222 = arith.constant 0 : i32
        %swap3A_1223 = arith.index_cast %swap3A_1222 : i32 to index
        %swap3A_1224 = arith.constant 48 : index
        %swap3A_1225 = tpu.vector_load %arg17[%swap3A_1223, %swap3A_1224] {strides = array<i32>} : memref<4x80xf32, #tpu.memory_space<vmem>>, vector<1x16xf32>,
        %swap3A_1226 = vector.shape_cast %swap3A_1225 : vector<1x16xf32> to vector<16xf32>
        %swap3A_1227 = vector.shape_cast %mul3A_1221 : vector<16xf32> to vector<1x16xf32>
        tpu.vector_store %arg17[%swap3A_1223, %swap3A_1224], %swap3A_1227 {strides = array<i32>} : memref<4x80xf32, #tpu.memory_space<vmem>>, vector<1x16xf32>,
        %mul3A_1228 = arith.mulf %sub3A_1220, %sub3A_1153 : vector<16xf32>
        %swap3A_1229 = arith.constant 1 : i32
        %swap3A_1230 = arith.index_cast %swap3A_1229 : i32 to index
        %swap3A_1231 = arith.constant 48 : index
        %swap3A_1232 = tpu.vector_load %arg17[%swap3A_1230, %swap3A_1231] {strides = array<i32>} : memref<4x80xf32, #tpu.memory_space<vmem>>, vector<1x16xf32>,
        %swap3A_1233 = vector.shape_cast %swap3A_1232 : vector<1x16xf32> to vector<16xf32>
        %swap3A_1234 = vector.shape_cast %mul3A_1228 : vector<16xf32> to vector<1x16xf32>
        tpu.vector_store %arg17[%swap3A_1230, %swap3A_1231], %swap3A_1234 {strides = array<i32>} : memref<4x80xf32, #tpu.memory_space<vmem>>, vector<1x16xf32>,
        %mul3A_1235 = arith.mulf %sub3A_1154, %sub3A_1217 : vector<16xf32>
        %swap3A_1236 = arith.constant 2 : i32
        %swap3A_1237 = arith.index_cast %swap3A_1236 : i32 to index
        %swap3A_1238 = arith.constant 48 : index
        %swap3A_1239 = tpu.vector_load %arg17[%swap3A_1237, %swap3A_1238] {strides = array<i32>} : memref<4x80xf32, #tpu.memory_space<vmem>>, vector<1x16xf32>,
        %swap3A_1240 = vector.shape_cast %swap3A_1239 : vector<1x16xf32> to vector<16xf32>
        %swap3A_1241 = vector.shape_cast %mul3A_1235 : vector<16xf32> to vector<1x16xf32>
        tpu.vector_store %arg17[%swap3A_1237, %swap3A_1238], %swap3A_1241 {strides = array<i32>} : memref<4x80xf32, #tpu.memory_space<vmem>>, vector<1x16xf32>,
        %mul3A_1242 = arith.mulf %sub3A_1154, %sub3A_1153 : vector<16xf32>
        %swap3A_1243 = arith.constant 3 : i32
        %swap3A_1244 = arith.index_cast %swap3A_1243 : i32 to index
        %swap3A_1245 = arith.constant 48 : index
        %swap3A_1246 = tpu.vector_load %arg17[%swap3A_1244, %swap3A_1245] {strides = array<i32>} : memref<4x80xf32, #tpu.memory_space<vmem>>, vector<1x16xf32>,
        %swap3A_1247 = vector.shape_cast %swap3A_1246 : vector<1x16xf32> to vector<16xf32>
        %swap3A_1248 = vector.shape_cast %mul3A_1242 : vector<16xf32> to vector<1x16xf32>
        tpu.vector_store %arg17[%swap3A_1244, %swap3A_1245], %swap3A_1248 {strides = array<i32>} : memref<4x80xf32, #tpu.memory_space<vmem>>, vector<1x16xf32>,
        %dma_start3A_1249 = arith.constant 0 : i32
        %dma_start3A_1250 = arith.constant 0 : i32
        %dma_start3A_1251 = arith.constant 0 : i32
        %dma_start3A_1252 = arith.constant 0 : i32
        %dma_start3A_1253 = tpu.memref_slice %arg15[%dma_start3A_1250, %dma_start3A_1251, %dma_start3A_1252] : memref<4x64x128xf32, #tpu.memory_space<vmem>> -> memref<1x64x128xf32, #tpu.memory_space<vmem>>
        %dma_start3A_1254 = tpu.memref_squeeze %dma_start3A_1253 : memref<1x64x128xf32, #tpu.memory_space<vmem>> -> memref<64x128xf32, #tpu.memory_space<vmem>>
        %dma_start3A_1255 = arith.constant 0 : i32
        %dma_start3A_1256 = tpu.memref_slice %arg9[%dma_start3A_1249, %dma_start3A_1255] : memref<4x64xi32, #tpu.memory_space<vmem>> -> memref<1x64xi32, #tpu.memory_space<vmem>>
        %dma_start3A_1257 = tpu.memref_squeeze %dma_start3A_1256 : memref<1x64xi32, #tpu.memory_space<vmem>> -> memref<64xi32, #tpu.memory_space<vmem>>
        %dma_start3A_1258 = arith.constant 0 : i32
        %dma_start3A_1259 = arith.constant 0 : i32
        %dma_start3A_1260 = tpu.memref_slice %arg2[%dma_start3A_1258, %dma_start3A_1259] : memref<262144x128xf32, #tpu.memory_space<hbm>> -> memref<262144x128xf32, #tpu.memory_space<hbm>>
        tpu.enqueue_indirect_dma source(%dma_start3A_1260 : memref<262144x128xf32, #tpu.memory_space<hbm>>) target(%dma_start3A_1254 : memref<64x128xf32, #tpu.memory_space<vmem>>) offsets(%dma_start3A_1257 : memref<64xi32, #tpu.memory_space<vmem>>) semaphore(%arg7 : memref<!tpu.dma_semaphore, #tpu.memory_space<semaphore_mem>>)
        %dma_start3A_1261 = arith.constant 1 : i32
        %dma_start3A_1262 = arith.constant 1 : i32
        %dma_start3A_1263 = arith.constant 0 : i32
        %dma_start3A_1264 = arith.constant 0 : i32
        %dma_start3A_1265 = tpu.memref_slice %arg15[%dma_start3A_1262, %dma_start3A_1263, %dma_start3A_1264] : memref<4x64x128xf32, #tpu.memory_space<vmem>> -> memref<1x64x128xf32, #tpu.memory_space<vmem>>
        %dma_start3A_1266 = tpu.memref_squeeze %dma_start3A_1265 : memref<1x64x128xf32, #tpu.memory_space<vmem>> -> memref<64x128xf32, #tpu.memory_space<vmem>>
        %dma_start3A_1267 = arith.constant 0 : i32
        %dma_start3A_1268 = tpu.memref_slice %arg9[%dma_start3A_1261, %dma_start3A_1267] : memref<4x64xi32, #tpu.memory_space<vmem>> -> memref<1x64xi32, #tpu.memory_space<vmem>>
        %dma_start3A_1269 = tpu.memref_squeeze %dma_start3A_1268 : memref<1x64xi32, #tpu.memory_space<vmem>> -> memref<64xi32, #tpu.memory_space<vmem>>
        %dma_start3A_1270 = arith.constant 0 : i32
        %dma_start3A_1271 = arith.constant 0 : i32
        %dma_start3A_1272 = tpu.memref_slice %arg2[%dma_start3A_1270, %dma_start3A_1271] : memref<262144x128xf32, #tpu.memory_space<hbm>> -> memref<262144x128xf32, #tpu.memory_space<hbm>>
        tpu.enqueue_indirect_dma source(%dma_start3A_1272 : memref<262144x128xf32, #tpu.memory_space<hbm>>) target(%dma_start3A_1266 : memref<64x128xf32, #tpu.memory_space<vmem>>) offsets(%dma_start3A_1269 : memref<64xi32, #tpu.memory_space<vmem>>) semaphore(%arg7 : memref<!tpu.dma_semaphore, #tpu.memory_space<semaphore_mem>>)
        %dma_start3A_1273 = arith.constant 2 : i32
        %dma_start3A_1274 = arith.constant 2 : i32
        %dma_start3A_1275 = arith.constant 0 : i32
        %dma_start3A_1276 = arith.constant 0 : i32
        %dma_start3A_1277 = tpu.memref_slice %arg15[%dma_start3A_1274, %dma_start3A_1275, %dma_start3A_1276] : memref<4x64x128xf32, #tpu.memory_space<vmem>> -> memref<1x64x128xf32, #tpu.memory_space<vmem>>
        %dma_start3A_1278 = tpu.memref_squeeze %dma_start3A_1277 : memref<1x64x128xf32, #tpu.memory_space<vmem>> -> memref<64x128xf32, #tpu.memory_space<vmem>>
        %dma_start3A_1279 = arith.constant 0 : i32
        %dma_start3A_1280 = tpu.memref_slice %arg9[%dma_start3A_1273, %dma_start3A_1279] : memref<4x64xi32, #tpu.memory_space<vmem>> -> memref<1x64xi32, #tpu.memory_space<vmem>>
        %dma_start3A_1281 = tpu.memref_squeeze %dma_start3A_1280 : memref<1x64xi32, #tpu.memory_space<vmem>> -> memref<64xi32, #tpu.memory_space<vmem>>
        %dma_start3A_1282 = arith.constant 0 : i32
        %dma_start3A_1283 = arith.constant 0 : i32
        %dma_start3A_1284 = tpu.memref_slice %arg2[%dma_start3A_1282, %dma_start3A_1283] : memref<262144x128xf32, #tpu.memory_space<hbm>> -> memref<262144x128xf32, #tpu.memory_space<hbm>>
        tpu.enqueue_indirect_dma source(%dma_start3A_1284 : memref<262144x128xf32, #tpu.memory_space<hbm>>) target(%dma_start3A_1278 : memref<64x128xf32, #tpu.memory_space<vmem>>) offsets(%dma_start3A_1281 : memref<64xi32, #tpu.memory_space<vmem>>) semaphore(%arg7 : memref<!tpu.dma_semaphore, #tpu.memory_space<semaphore_mem>>)
        %dma_start3A_1285 = arith.constant 3 : i32
        %dma_start3A_1286 = arith.constant 3 : i32
        %dma_start3A_1287 = arith.constant 0 : i32
        %dma_start3A_1288 = arith.constant 0 : i32
        %dma_start3A_1289 = tpu.memref_slice %arg15[%dma_start3A_1286, %dma_start3A_1287, %dma_start3A_1288] : memref<4x64x128xf32, #tpu.memory_space<vmem>> -> memref<1x64x128xf32, #tpu.memory_space<vmem>>
        %dma_start3A_1290 = tpu.memref_squeeze %dma_start3A_1289 : memref<1x64x128xf32, #tpu.memory_space<vmem>> -> memref<64x128xf32, #tpu.memory_space<vmem>>
        %dma_start3A_1291 = arith.constant 0 : i32
        %dma_start3A_1292 = tpu.memref_slice %arg9[%dma_start3A_1285, %dma_start3A_1291] : memref<4x64xi32, #tpu.memory_space<vmem>> -> memref<1x64xi32, #tpu.memory_space<vmem>>
        %dma_start3A_1293 = tpu.memref_squeeze %dma_start3A_1292 : memref<1x64xi32, #tpu.memory_space<vmem>> -> memref<64xi32, #tpu.memory_space<vmem>>
        %dma_start3A_1294 = arith.constant 0 : i32
        %dma_start3A_1295 = arith.constant 0 : i32
        %dma_start3A_1296 = tpu.memref_slice %arg2[%dma_start3A_1294, %dma_start3A_1295] : memref<262144x128xf32, #tpu.memory_space<hbm>> -> memref<262144x128xf32, #tpu.memory_space<hbm>>
        tpu.enqueue_indirect_dma source(%dma_start3A_1296 : memref<262144x128xf32, #tpu.memory_space<hbm>>) target(%dma_start3A_1290 : memref<64x128xf32, #tpu.memory_space<vmem>>) offsets(%dma_start3A_1293 : memref<64xi32, #tpu.memory_space<vmem>>) semaphore(%arg7 : memref<!tpu.dma_semaphore, #tpu.memory_space<semaphore_mem>>)
      } else {
      }
      %dma_wait3A_577 = arith.constant 0 : i32
      %dma_wait3A_578 = arith.constant 0 : i32
      %dma_wait3A_579 = arith.constant 0 : i32
      %dma_wait3A_580 = arith.constant 0 : i32
      %dma_wait3A_581 = tpu.memref_slice %arg14[%dma_wait3A_578, %dma_wait3A_579, %dma_wait3A_580] : memref<4x64x128xf32, #tpu.memory_space<vmem>> -> memref<1x64x128xf32, #tpu.memory_space<vmem>>
      %dma_wait3A_582 = tpu.memref_squeeze %dma_wait3A_581 : memref<1x64x128xf32, #tpu.memory_space<vmem>> -> memref<64x128xf32, #tpu.memory_space<vmem>>
      %dma_wait3A_583 = arith.constant 0 : i32
      %dma_wait3A_584 = tpu.memref_slice %arg8[%dma_wait3A_577, %dma_wait3A_583] : memref<4x64xi32, #tpu.memory_space<vmem>> -> memref<1x64xi32, #tpu.memory_space<vmem>>
      %dma_wait3A_585 = tpu.memref_squeeze %dma_wait3A_584 : memref<1x64xi32, #tpu.memory_space<vmem>> -> memref<64xi32, #tpu.memory_space<vmem>>
      %dma_wait3A_586 = arith.constant 0 : i32
      %dma_wait3A_587 = arith.constant 0 : i32
      %dma_wait3A_588 = tpu.memref_slice %arg2[%dma_wait3A_586, %dma_wait3A_587] : memref<262144x128xf32, #tpu.memory_space<hbm>> -> memref<262144x128xf32, #tpu.memory_space<hbm>>
      tpu.wait_indirect_dma semaphore(%arg6 : memref<!tpu.dma_semaphore, #tpu.memory_space<semaphore_mem>>) src(%dma_wait3A_588 : memref<262144x128xf32, #tpu.memory_space<hbm>>) dst(%dma_wait3A_582 : memref<64x128xf32, #tpu.memory_space<vmem>>)
      %dma_wait3A_589 = arith.constant 1 : i32
      %dma_wait3A_590 = arith.constant 1 : i32
      %dma_wait3A_591 = arith.constant 0 : i32
      %dma_wait3A_592 = arith.constant 0 : i32
      %dma_wait3A_593 = tpu.memref_slice %arg14[%dma_wait3A_590, %dma_wait3A_591, %dma_wait3A_592] : memref<4x64x128xf32, #tpu.memory_space<vmem>> -> memref<1x64x128xf32, #tpu.memory_space<vmem>>
      %dma_wait3A_594 = tpu.memref_squeeze %dma_wait3A_593 : memref<1x64x128xf32, #tpu.memory_space<vmem>> -> memref<64x128xf32, #tpu.memory_space<vmem>>
      %dma_wait3A_595 = arith.constant 0 : i32
      %dma_wait3A_596 = tpu.memref_slice %arg8[%dma_wait3A_589, %dma_wait3A_595] : memref<4x64xi32, #tpu.memory_space<vmem>> -> memref<1x64xi32, #tpu.memory_space<vmem>>
      %dma_wait3A_597 = tpu.memref_squeeze %dma_wait3A_596 : memref<1x64xi32, #tpu.memory_space<vmem>> -> memref<64xi32, #tpu.memory_space<vmem>>
      %dma_wait3A_598 = arith.constant 0 : i32
      %dma_wait3A_599 = arith.constant 0 : i32
      %dma_wait3A_600 = tpu.memref_slice %arg2[%dma_wait3A_598, %dma_wait3A_599] : memref<262144x128xf32, #tpu.memory_space<hbm>> -> memref<262144x128xf32, #tpu.memory_space<hbm>>
      tpu.wait_indirect_dma semaphore(%arg6 : memref<!tpu.dma_semaphore, #tpu.memory_space<semaphore_mem>>) src(%dma_wait3A_600 : memref<262144x128xf32, #tpu.memory_space<hbm>>) dst(%dma_wait3A_594 : memref<64x128xf32, #tpu.memory_space<vmem>>)
      %dma_wait3A_601 = arith.constant 2 : i32
      %dma_wait3A_602 = arith.constant 2 : i32
      %dma_wait3A_603 = arith.constant 0 : i32
      %dma_wait3A_604 = arith.constant 0 : i32
      %dma_wait3A_605 = tpu.memref_slice %arg14[%dma_wait3A_602, %dma_wait3A_603, %dma_wait3A_604] : memref<4x64x128xf32, #tpu.memory_space<vmem>> -> memref<1x64x128xf32, #tpu.memory_space<vmem>>
      %dma_wait3A_606 = tpu.memref_squeeze %dma_wait3A_605 : memref<1x64x128xf32, #tpu.memory_space<vmem>> -> memref<64x128xf32, #tpu.memory_space<vmem>>
      %dma_wait3A_607 = arith.constant 0 : i32
      %dma_wait3A_608 = tpu.memref_slice %arg8[%dma_wait3A_601, %dma_wait3A_607] : memref<4x64xi32, #tpu.memory_space<vmem>> -> memref<1x64xi32, #tpu.memory_space<vmem>>
      %dma_wait3A_609 = tpu.memref_squeeze %dma_wait3A_608 : memref<1x64xi32, #tpu.memory_space<vmem>> -> memref<64xi32, #tpu.memory_space<vmem>>
      %dma_wait3A_610 = arith.constant 0 : i32
      %dma_wait3A_611 = arith.constant 0 : i32
      %dma_wait3A_612 = tpu.memref_slice %arg2[%dma_wait3A_610, %dma_wait3A_611] : memref<262144x128xf32, #tpu.memory_space<hbm>> -> memref<262144x128xf32, #tpu.memory_space<hbm>>
      tpu.wait_indirect_dma semaphore(%arg6 : memref<!tpu.dma_semaphore, #tpu.memory_space<semaphore_mem>>) src(%dma_wait3A_612 : memref<262144x128xf32, #tpu.memory_space<hbm>>) dst(%dma_wait3A_606 : memref<64x128xf32, #tpu.memory_space<vmem>>)
      %dma_wait3A_613 = arith.constant 3 : i32
      %dma_wait3A_614 = arith.constant 3 : i32
      %dma_wait3A_615 = arith.constant 0 : i32
      %dma_wait3A_616 = arith.constant 0 : i32
      %dma_wait3A_617 = tpu.memref_slice %arg14[%dma_wait3A_614, %dma_wait3A_615, %dma_wait3A_616] : memref<4x64x128xf32, #tpu.memory_space<vmem>> -> memref<1x64x128xf32, #tpu.memory_space<vmem>>
      %dma_wait3A_618 = tpu.memref_squeeze %dma_wait3A_617 : memref<1x64x128xf32, #tpu.memory_space<vmem>> -> memref<64x128xf32, #tpu.memory_space<vmem>>
      %dma_wait3A_619 = arith.constant 0 : i32
      %dma_wait3A_620 = tpu.memref_slice %arg8[%dma_wait3A_613, %dma_wait3A_619] : memref<4x64xi32, #tpu.memory_space<vmem>> -> memref<1x64xi32, #tpu.memory_space<vmem>>
      %dma_wait3A_621 = tpu.memref_squeeze %dma_wait3A_620 : memref<1x64xi32, #tpu.memory_space<vmem>> -> memref<64xi32, #tpu.memory_space<vmem>>
      %dma_wait3A_622 = arith.constant 0 : i32
      %dma_wait3A_623 = arith.constant 0 : i32
      %dma_wait3A_624 = tpu.memref_slice %arg2[%dma_wait3A_622, %dma_wait3A_623] : memref<262144x128xf32, #tpu.memory_space<hbm>> -> memref<262144x128xf32, #tpu.memory_space<hbm>>
      tpu.wait_indirect_dma semaphore(%arg6 : memref<!tpu.dma_semaphore, #tpu.memory_space<semaphore_mem>>) src(%dma_wait3A_624 : memref<262144x128xf32, #tpu.memory_space<hbm>>) dst(%dma_wait3A_618 : memref<64x128xf32, #tpu.memory_space<vmem>>)
      %ge3A = arith.constant 2 : i32
      %ge3A_625 = arith.cmpi sge, %add3A_570, %ge3A : i32
      %convert_element_type3A_626 = arith.extui %ge3A_625 : i1 to i32
      %cond3A_627 = arith.constant 0 : i32
      %cond3A_628 = arith.cmpi ne, %convert_element_type3A_626, %cond3A_627 : i32
      scf.if %cond3A_628 {
        %dma_wait3A_719 = arith.constant 0 : i32
        %dma_wait3A_720 = tpu.memref_slice %arg5[%mul3A_2, %dma_wait3A_719] : memref<524288x128xf32, #tpu.memory_space<hbm>> -> memref<64x128xf32, #tpu.memory_space<hbm>>
        %dma_wait3A_721 = arith.constant 0 : i32
        %dma_wait3A_722 = tpu.memref_slice %arg5[%mul3A_2, %dma_wait3A_721] : memref<524288x128xf32, #tpu.memory_space<hbm>> -> memref<64x128xf32, #tpu.memory_space<hbm>>
        tpu.wait_dma2 semaphore(%arg10 : memref<!tpu.dma_semaphore, #tpu.memory_space<semaphore_mem>>) src(%arg12 : memref<64x128xf32, #tpu.memory_space<vmem>>) dst(%dma_wait3A_722 : memref<64x128xf32, #tpu.memory_space<hbm>>)
      } else {
      }
      %scan3A_629 = arith.constant 0 : i32
      %scan3A_630 = arith.constant 0 : i32
      %scan3A_631 = arith.constant 64 : i32
      %scan3A_632 = arith.addi %scan3A_630, %scan3A_631 : i32
      %scan3A_633 = arith.constant 1 : i32
      scf.for %scan3A_719 = %scan3A_630 to %scan3A_632 step %scan3A_633  : i32 {
        %get3A_720 = arith.constant 0 : i32
        %get3A_721 = arith.index_cast %get3A_720 : i32 to index
        %get3A_722 = arith.index_cast %scan3A_719 : i32 to index
        %get3A_723 = tpu.vector_load %arg16[%get3A_721, %get3A_722] {strides = array<i32>} : memref<4x80xf32, #tpu.memory_space<vmem>>, vector<1x16xf32>,
        %get3A_724 = vector.shape_cast %get3A_723 : vector<1x16xf32> to vector<16xf32>
        %slice3A = vector.extract_strided_slice %get3A_724 {offsets = [0], sizes = [1], strides = [1]} : vector<16xf32> to vector<1xf32>
        %squeeze3A = vector.extract %slice3A[0] : f32 from vector<1xf32>
        %get3A_725 = arith.constant 1 : i32
        %get3A_726 = arith.index_cast %get3A_725 : i32 to index
        %get3A_727 = arith.index_cast %scan3A_719 : i32 to index
        %get3A_728 = tpu.vector_load %arg16[%get3A_726, %get3A_727] {strides = array<i32>} : memref<4x80xf32, #tpu.memory_space<vmem>>, vector<1x16xf32>,
        %get3A_729 = vector.shape_cast %get3A_728 : vector<1x16xf32> to vector<16xf32>
        %slice3A_730 = vector.extract_strided_slice %get3A_729 {offsets = [0], sizes = [1], strides = [1]} : vector<16xf32> to vector<1xf32>
        %squeeze3A_731 = vector.extract %slice3A_730[0] : f32 from vector<1xf32>
        %get3A_732 = arith.constant 2 : i32
        %get3A_733 = arith.index_cast %get3A_732 : i32 to index
        %get3A_734 = arith.index_cast %scan3A_719 : i32 to index
        %get3A_735 = tpu.vector_load %arg16[%get3A_733, %get3A_734] {strides = array<i32>} : memref<4x80xf32, #tpu.memory_space<vmem>>, vector<1x16xf32>,
        %get3A_736 = vector.shape_cast %get3A_735 : vector<1x16xf32> to vector<16xf32>
        %slice3A_737 = vector.extract_strided_slice %get3A_736 {offsets = [0], sizes = [1], strides = [1]} : vector<16xf32> to vector<1xf32>
        %squeeze3A_738 = vector.extract %slice3A_737[0] : f32 from vector<1xf32>
        %get3A_739 = arith.constant 3 : i32
        %get3A_740 = arith.index_cast %get3A_739 : i32 to index
        %get3A_741 = arith.index_cast %scan3A_719 : i32 to index
        %get3A_742 = tpu.vector_load %arg16[%get3A_740, %get3A_741] {strides = array<i32>} : memref<4x80xf32, #tpu.memory_space<vmem>>, vector<1x16xf32>,
        %get3A_743 = vector.shape_cast %get3A_742 : vector<1x16xf32> to vector<16xf32>
        %slice3A_744 = vector.extract_strided_slice %get3A_743 {offsets = [0], sizes = [1], strides = [1]} : vector<16xf32> to vector<1xf32>
        %squeeze3A_745 = vector.extract %slice3A_744[0] : f32 from vector<1xf32>
        %get3A_746 = arith.constant 0 : i32
        %get3A_747 = arith.index_cast %get3A_746 : i32 to index
        %get3A_748 = arith.index_cast %scan3A_719 : i32 to index
        %get3A_749 = arith.constant 0 : index
        %get3A_750 = tpu.vector_load %arg14[%get3A_747, %get3A_748, %get3A_749] {strides = array<i32>} : memref<4x64x128xf32, #tpu.memory_space<vmem>>, vector<1x1x16xf32>,
        %get3A_751 = vector.shape_cast %get3A_750 : vector<1x1x16xf32> to vector<16xf32>
        %mul3A_752 = vector.broadcast %squeeze3A : f32 to vector<16xf32>
        %mul3A_753 = arith.mulf %mul3A_752, %get3A_751 : vector<16xf32>
        %get3A_754 = arith.constant 1 : i32
        %get3A_755 = arith.index_cast %get3A_754 : i32 to index
        %get3A_756 = arith.index_cast %scan3A_719 : i32 to index
        %get3A_757 = arith.constant 0 : index
        %get3A_758 = tpu.vector_load %arg14[%get3A_755, %get3A_756, %get3A_757] {strides = array<i32>} : memref<4x64x128xf32, #tpu.memory_space<vmem>>, vector<1x1x16xf32>,
        %get3A_759 = vector.shape_cast %get3A_758 : vector<1x1x16xf32> to vector<16xf32>
        %mul3A_760 = vector.broadcast %squeeze3A_731 : f32 to vector<16xf32>
        %mul3A_761 = arith.mulf %mul3A_760, %get3A_759 : vector<16xf32>
        %add3A_762 = arith.addf %mul3A_753, %mul3A_761 : vector<16xf32>
        %get3A_763 = arith.constant 2 : i32
        %get3A_764 = arith.index_cast %get3A_763 : i32 to index
        %get3A_765 = arith.index_cast %scan3A_719 : i32 to index
        %get3A_766 = arith.constant 0 : index
        %get3A_767 = tpu.vector_load %arg14[%get3A_764, %get3A_765, %get3A_766] {strides = array<i32>} : memref<4x64x128xf32, #tpu.memory_space<vmem>>, vector<1x1x16xf32>,
        %get3A_768 = vector.shape_cast %get3A_767 : vector<1x1x16xf32> to vector<16xf32>
        %mul3A_769 = vector.broadcast %squeeze3A_738 : f32 to vector<16xf32>
        %mul3A_770 = arith.mulf %mul3A_769, %get3A_768 : vector<16xf32>
        %add3A_771 = arith.addf %add3A_762, %mul3A_770 : vector<16xf32>
        %get3A_772 = arith.constant 3 : i32
        %get3A_773 = arith.index_cast %get3A_772 : i32 to index
        %get3A_774 = arith.index_cast %scan3A_719 : i32 to index
        %get3A_775 = arith.constant 0 : index
        %get3A_776 = tpu.vector_load %arg14[%get3A_773, %get3A_774, %get3A_775] {strides = array<i32>} : memref<4x64x128xf32, #tpu.memory_space<vmem>>, vector<1x1x16xf32>,
        %get3A_777 = vector.shape_cast %get3A_776 : vector<1x1x16xf32> to vector<16xf32>
        %mul3A_778 = vector.broadcast %squeeze3A_745 : f32 to vector<16xf32>
        %mul3A_779 = arith.mulf %mul3A_778, %get3A_777 : vector<16xf32>
        %add3A_780 = arith.addf %add3A_771, %mul3A_779 : vector<16xf32>
        %swap3A_781 = arith.index_cast %scan3A_719 : i32 to index
        %swap3A_782 = arith.constant 0 : index
        %swap3A_783 = tpu.vector_load %arg12[%swap3A_781, %swap3A_782] {strides = array<i32>} : memref<64x128xf32, #tpu.memory_space<vmem>>, vector<1x16xf32>,
        %swap3A_784 = vector.shape_cast %swap3A_783 : vector<1x16xf32> to vector<16xf32>
        %swap3A_785 = vector.shape_cast %add3A_780 : vector<16xf32> to vector<1x16xf32>
        tpu.vector_store %arg12[%swap3A_781, %swap3A_782], %swap3A_785 {strides = array<i32>} : memref<64x128xf32, #tpu.memory_space<vmem>>, vector<1x16xf32>,
        %get3A_786 = arith.constant 0 : i32
        %get3A_787 = arith.index_cast %get3A_786 : i32 to index
        %get3A_788 = arith.index_cast %scan3A_719 : i32 to index
        %get3A_789 = arith.constant 16 : index
        %get3A_790 = tpu.vector_load %arg14[%get3A_787, %get3A_788, %get3A_789] {strides = array<i32>} : memref<4x64x128xf32, #tpu.memory_space<vmem>>, vector<1x1x16xf32>,
        %get3A_791 = vector.shape_cast %get3A_790 : vector<1x1x16xf32> to vector<16xf32>
        %mul3A_792 = vector.broadcast %squeeze3A : f32 to vector<16xf32>
        %mul3A_793 = arith.mulf %mul3A_792, %get3A_791 : vector<16xf32>
        %get3A_794 = arith.constant 1 : i32
        %get3A_795 = arith.index_cast %get3A_794 : i32 to index
        %get3A_796 = arith.index_cast %scan3A_719 : i32 to index
        %get3A_797 = arith.constant 16 : index
        %get3A_798 = tpu.vector_load %arg14[%get3A_795, %get3A_796, %get3A_797] {strides = array<i32>} : memref<4x64x128xf32, #tpu.memory_space<vmem>>, vector<1x1x16xf32>,
        %get3A_799 = vector.shape_cast %get3A_798 : vector<1x1x16xf32> to vector<16xf32>
        %mul3A_800 = vector.broadcast %squeeze3A_731 : f32 to vector<16xf32>
        %mul3A_801 = arith.mulf %mul3A_800, %get3A_799 : vector<16xf32>
        %add3A_802 = arith.addf %mul3A_793, %mul3A_801 : vector<16xf32>
        %get3A_803 = arith.constant 2 : i32
        %get3A_804 = arith.index_cast %get3A_803 : i32 to index
        %get3A_805 = arith.index_cast %scan3A_719 : i32 to index
        %get3A_806 = arith.constant 16 : index
        %get3A_807 = tpu.vector_load %arg14[%get3A_804, %get3A_805, %get3A_806] {strides = array<i32>} : memref<4x64x128xf32, #tpu.memory_space<vmem>>, vector<1x1x16xf32>,
        %get3A_808 = vector.shape_cast %get3A_807 : vector<1x1x16xf32> to vector<16xf32>
        %mul3A_809 = vector.broadcast %squeeze3A_738 : f32 to vector<16xf32>
        %mul3A_810 = arith.mulf %mul3A_809, %get3A_808 : vector<16xf32>
        %add3A_811 = arith.addf %add3A_802, %mul3A_810 : vector<16xf32>
        %get3A_812 = arith.constant 3 : i32
        %get3A_813 = arith.index_cast %get3A_812 : i32 to index
        %get3A_814 = arith.index_cast %scan3A_719 : i32 to index
        %get3A_815 = arith.constant 16 : index
        %get3A_816 = tpu.vector_load %arg14[%get3A_813, %get3A_814, %get3A_815] {strides = array<i32>} : memref<4x64x128xf32, #tpu.memory_space<vmem>>, vector<1x1x16xf32>,
        %get3A_817 = vector.shape_cast %get3A_816 : vector<1x1x16xf32> to vector<16xf32>
        %mul3A_818 = vector.broadcast %squeeze3A_745 : f32 to vector<16xf32>
        %mul3A_819 = arith.mulf %mul3A_818, %get3A_817 : vector<16xf32>
        %add3A_820 = arith.addf %add3A_811, %mul3A_819 : vector<16xf32>
        %swap3A_821 = arith.index_cast %scan3A_719 : i32 to index
        %swap3A_822 = arith.constant 16 : index
        %swap3A_823 = tpu.vector_load %arg12[%swap3A_821, %swap3A_822] {strides = array<i32>} : memref<64x128xf32, #tpu.memory_space<vmem>>, vector<1x16xf32>,
        %swap3A_824 = vector.shape_cast %swap3A_823 : vector<1x16xf32> to vector<16xf32>
        %swap3A_825 = vector.shape_cast %add3A_820 : vector<16xf32> to vector<1x16xf32>
        tpu.vector_store %arg12[%swap3A_821, %swap3A_822], %swap3A_825 {strides = array<i32>} : memref<64x128xf32, #tpu.memory_space<vmem>>, vector<1x16xf32>,
        %get3A_826 = arith.constant 0 : i32
        %get3A_827 = arith.index_cast %get3A_826 : i32 to index
        %get3A_828 = arith.index_cast %scan3A_719 : i32 to index
        %get3A_829 = arith.constant 32 : index
        %get3A_830 = tpu.vector_load %arg14[%get3A_827, %get3A_828, %get3A_829] {strides = array<i32>} : memref<4x64x128xf32, #tpu.memory_space<vmem>>, vector<1x1x16xf32>,
        %get3A_831 = vector.shape_cast %get3A_830 : vector<1x1x16xf32> to vector<16xf32>
        %mul3A_832 = vector.broadcast %squeeze3A : f32 to vector<16xf32>
        %mul3A_833 = arith.mulf %mul3A_832, %get3A_831 : vector<16xf32>
        %get3A_834 = arith.constant 1 : i32
        %get3A_835 = arith.index_cast %get3A_834 : i32 to index
        %get3A_836 = arith.index_cast %scan3A_719 : i32 to index
        %get3A_837 = arith.constant 32 : index
        %get3A_838 = tpu.vector_load %arg14[%get3A_835, %get3A_836, %get3A_837] {strides = array<i32>} : memref<4x64x128xf32, #tpu.memory_space<vmem>>, vector<1x1x16xf32>,
        %get3A_839 = vector.shape_cast %get3A_838 : vector<1x1x16xf32> to vector<16xf32>
        %mul3A_840 = vector.broadcast %squeeze3A_731 : f32 to vector<16xf32>
        %mul3A_841 = arith.mulf %mul3A_840, %get3A_839 : vector<16xf32>
        %add3A_842 = arith.addf %mul3A_833, %mul3A_841 : vector<16xf32>
        %get3A_843 = arith.constant 2 : i32
        %get3A_844 = arith.index_cast %get3A_843 : i32 to index
        %get3A_845 = arith.index_cast %scan3A_719 : i32 to index
        %get3A_846 = arith.constant 32 : index
        %get3A_847 = tpu.vector_load %arg14[%get3A_844, %get3A_845, %get3A_846] {strides = array<i32>} : memref<4x64x128xf32, #tpu.memory_space<vmem>>, vector<1x1x16xf32>,
        %get3A_848 = vector.shape_cast %get3A_847 : vector<1x1x16xf32> to vector<16xf32>
        %mul3A_849 = vector.broadcast %squeeze3A_738 : f32 to vector<16xf32>
        %mul3A_850 = arith.mulf %mul3A_849, %get3A_848 : vector<16xf32>
        %add3A_851 = arith.addf %add3A_842, %mul3A_850 : vector<16xf32>
        %get3A_852 = arith.constant 3 : i32
        %get3A_853 = arith.index_cast %get3A_852 : i32 to index
        %get3A_854 = arith.index_cast %scan3A_719 : i32 to index
        %get3A_855 = arith.constant 32 : index
        %get3A_856 = tpu.vector_load %arg14[%get3A_853, %get3A_854, %get3A_855] {strides = array<i32>} : memref<4x64x128xf32, #tpu.memory_space<vmem>>, vector<1x1x16xf32>,
        %get3A_857 = vector.shape_cast %get3A_856 : vector<1x1x16xf32> to vector<16xf32>
        %mul3A_858 = vector.broadcast %squeeze3A_745 : f32 to vector<16xf32>
        %mul3A_859 = arith.mulf %mul3A_858, %get3A_857 : vector<16xf32>
        %add3A_860 = arith.addf %add3A_851, %mul3A_859 : vector<16xf32>
        %swap3A_861 = arith.index_cast %scan3A_719 : i32 to index
        %swap3A_862 = arith.constant 32 : index
        %swap3A_863 = tpu.vector_load %arg12[%swap3A_861, %swap3A_862] {strides = array<i32>} : memref<64x128xf32, #tpu.memory_space<vmem>>, vector<1x16xf32>,
        %swap3A_864 = vector.shape_cast %swap3A_863 : vector<1x16xf32> to vector<16xf32>
        %swap3A_865 = vector.shape_cast %add3A_860 : vector<16xf32> to vector<1x16xf32>
        tpu.vector_store %arg12[%swap3A_861, %swap3A_862], %swap3A_865 {strides = array<i32>} : memref<64x128xf32, #tpu.memory_space<vmem>>, vector<1x16xf32>,
        %get3A_866 = arith.constant 0 : i32
        %get3A_867 = arith.index_cast %get3A_866 : i32 to index
        %get3A_868 = arith.index_cast %scan3A_719 : i32 to index
        %get3A_869 = arith.constant 48 : index
        %get3A_870 = tpu.vector_load %arg14[%get3A_867, %get3A_868, %get3A_869] {strides = array<i32>} : memref<4x64x128xf32, #tpu.memory_space<vmem>>, vector<1x1x16xf32>,
        %get3A_871 = vector.shape_cast %get3A_870 : vector<1x1x16xf32> to vector<16xf32>
        %mul3A_872 = vector.broadcast %squeeze3A : f32 to vector<16xf32>
        %mul3A_873 = arith.mulf %mul3A_872, %get3A_871 : vector<16xf32>
        %get3A_874 = arith.constant 1 : i32
        %get3A_875 = arith.index_cast %get3A_874 : i32 to index
        %get3A_876 = arith.index_cast %scan3A_719 : i32 to index
        %get3A_877 = arith.constant 48 : index
        %get3A_878 = tpu.vector_load %arg14[%get3A_875, %get3A_876, %get3A_877] {strides = array<i32>} : memref<4x64x128xf32, #tpu.memory_space<vmem>>, vector<1x1x16xf32>,
        %get3A_879 = vector.shape_cast %get3A_878 : vector<1x1x16xf32> to vector<16xf32>
        %mul3A_880 = vector.broadcast %squeeze3A_731 : f32 to vector<16xf32>
        %mul3A_881 = arith.mulf %mul3A_880, %get3A_879 : vector<16xf32>
        %add3A_882 = arith.addf %mul3A_873, %mul3A_881 : vector<16xf32>
        %get3A_883 = arith.constant 2 : i32
        %get3A_884 = arith.index_cast %get3A_883 : i32 to index
        %get3A_885 = arith.index_cast %scan3A_719 : i32 to index
        %get3A_886 = arith.constant 48 : index
        %get3A_887 = tpu.vector_load %arg14[%get3A_884, %get3A_885, %get3A_886] {strides = array<i32>} : memref<4x64x128xf32, #tpu.memory_space<vmem>>, vector<1x1x16xf32>,
        %get3A_888 = vector.shape_cast %get3A_887 : vector<1x1x16xf32> to vector<16xf32>
        %mul3A_889 = vector.broadcast %squeeze3A_738 : f32 to vector<16xf32>
        %mul3A_890 = arith.mulf %mul3A_889, %get3A_888 : vector<16xf32>
        %add3A_891 = arith.addf %add3A_882, %mul3A_890 : vector<16xf32>
        %get3A_892 = arith.constant 3 : i32
        %get3A_893 = arith.index_cast %get3A_892 : i32 to index
        %get3A_894 = arith.index_cast %scan3A_719 : i32 to index
        %get3A_895 = arith.constant 48 : index
        %get3A_896 = tpu.vector_load %arg14[%get3A_893, %get3A_894, %get3A_895] {strides = array<i32>} : memref<4x64x128xf32, #tpu.memory_space<vmem>>, vector<1x1x16xf32>,
        %get3A_897 = vector.shape_cast %get3A_896 : vector<1x1x16xf32> to vector<16xf32>
        %mul3A_898 = vector.broadcast %squeeze3A_745 : f32 to vector<16xf32>
        %mul3A_899 = arith.mulf %mul3A_898, %get3A_897 : vector<16xf32>
        %add3A_900 = arith.addf %add3A_891, %mul3A_899 : vector<16xf32>
        %swap3A_901 = arith.index_cast %scan3A_719 : i32 to index
        %swap3A_902 = arith.constant 48 : index
        %swap3A_903 = tpu.vector_load %arg12[%swap3A_901, %swap3A_902] {strides = array<i32>} : memref<64x128xf32, #tpu.memory_space<vmem>>, vector<1x16xf32>,
        %swap3A_904 = vector.shape_cast %swap3A_903 : vector<1x16xf32> to vector<16xf32>
        %swap3A_905 = vector.shape_cast %add3A_900 : vector<16xf32> to vector<1x16xf32>
        tpu.vector_store %arg12[%swap3A_901, %swap3A_902], %swap3A_905 {strides = array<i32>} : memref<64x128xf32, #tpu.memory_space<vmem>>, vector<1x16xf32>,
        %get3A_906 = arith.constant 0 : i32
        %get3A_907 = arith.index_cast %get3A_906 : i32 to index
        %get3A_908 = arith.index_cast %scan3A_719 : i32 to index
        %get3A_909 = arith.constant 64 : index
        %get3A_910 = tpu.vector_load %arg14[%get3A_907, %get3A_908, %get3A_909] {strides = array<i32>} : memref<4x64x128xf32, #tpu.memory_space<vmem>>, vector<1x1x16xf32>,
        %get3A_911 = vector.shape_cast %get3A_910 : vector<1x1x16xf32> to vector<16xf32>
        %mul3A_912 = vector.broadcast %squeeze3A : f32 to vector<16xf32>
        %mul3A_913 = arith.mulf %mul3A_912, %get3A_911 : vector<16xf32>
        %get3A_914 = arith.constant 1 : i32
        %get3A_915 = arith.index_cast %get3A_914 : i32 to index
        %get3A_916 = arith.index_cast %scan3A_719 : i32 to index
        %get3A_917 = arith.constant 64 : index
        %get3A_918 = tpu.vector_load %arg14[%get3A_915, %get3A_916, %get3A_917] {strides = array<i32>} : memref<4x64x128xf32, #tpu.memory_space<vmem>>, vector<1x1x16xf32>,
        %get3A_919 = vector.shape_cast %get3A_918 : vector<1x1x16xf32> to vector<16xf32>
        %mul3A_920 = vector.broadcast %squeeze3A_731 : f32 to vector<16xf32>
        %mul3A_921 = arith.mulf %mul3A_920, %get3A_919 : vector<16xf32>
        %add3A_922 = arith.addf %mul3A_913, %mul3A_921 : vector<16xf32>
        %get3A_923 = arith.constant 2 : i32
        %get3A_924 = arith.index_cast %get3A_923 : i32 to index
        %get3A_925 = arith.index_cast %scan3A_719 : i32 to index
        %get3A_926 = arith.constant 64 : index
        %get3A_927 = tpu.vector_load %arg14[%get3A_924, %get3A_925, %get3A_926] {strides = array<i32>} : memref<4x64x128xf32, #tpu.memory_space<vmem>>, vector<1x1x16xf32>,
        %get3A_928 = vector.shape_cast %get3A_927 : vector<1x1x16xf32> to vector<16xf32>
        %mul3A_929 = vector.broadcast %squeeze3A_738 : f32 to vector<16xf32>
        %mul3A_930 = arith.mulf %mul3A_929, %get3A_928 : vector<16xf32>
        %add3A_931 = arith.addf %add3A_922, %mul3A_930 : vector<16xf32>
        %get3A_932 = arith.constant 3 : i32
        %get3A_933 = arith.index_cast %get3A_932 : i32 to index
        %get3A_934 = arith.index_cast %scan3A_719 : i32 to index
        %get3A_935 = arith.constant 64 : index
        %get3A_936 = tpu.vector_load %arg14[%get3A_933, %get3A_934, %get3A_935] {strides = array<i32>} : memref<4x64x128xf32, #tpu.memory_space<vmem>>, vector<1x1x16xf32>,
        %get3A_937 = vector.shape_cast %get3A_936 : vector<1x1x16xf32> to vector<16xf32>
        %mul3A_938 = vector.broadcast %squeeze3A_745 : f32 to vector<16xf32>
        %mul3A_939 = arith.mulf %mul3A_938, %get3A_937 : vector<16xf32>
        %add3A_940 = arith.addf %add3A_931, %mul3A_939 : vector<16xf32>
        %swap3A_941 = arith.index_cast %scan3A_719 : i32 to index
        %swap3A_942 = arith.constant 64 : index
        %swap3A_943 = tpu.vector_load %arg12[%swap3A_941, %swap3A_942] {strides = array<i32>} : memref<64x128xf32, #tpu.memory_space<vmem>>, vector<1x16xf32>,
        %swap3A_944 = vector.shape_cast %swap3A_943 : vector<1x16xf32> to vector<16xf32>
        %swap3A_945 = vector.shape_cast %add3A_940 : vector<16xf32> to vector<1x16xf32>
        tpu.vector_store %arg12[%swap3A_941, %swap3A_942], %swap3A_945 {strides = array<i32>} : memref<64x128xf32, #tpu.memory_space<vmem>>, vector<1x16xf32>,
        %get3A_946 = arith.constant 0 : i32
        %get3A_947 = arith.index_cast %get3A_946 : i32 to index
        %get3A_948 = arith.index_cast %scan3A_719 : i32 to index
        %get3A_949 = arith.constant 80 : index
        %get3A_950 = tpu.vector_load %arg14[%get3A_947, %get3A_948, %get3A_949] {strides = array<i32>} : memref<4x64x128xf32, #tpu.memory_space<vmem>>, vector<1x1x16xf32>,
        %get3A_951 = vector.shape_cast %get3A_950 : vector<1x1x16xf32> to vector<16xf32>
        %mul3A_952 = vector.broadcast %squeeze3A : f32 to vector<16xf32>
        %mul3A_953 = arith.mulf %mul3A_952, %get3A_951 : vector<16xf32>
        %get3A_954 = arith.constant 1 : i32
        %get3A_955 = arith.index_cast %get3A_954 : i32 to index
        %get3A_956 = arith.index_cast %scan3A_719 : i32 to index
        %get3A_957 = arith.constant 80 : index
        %get3A_958 = tpu.vector_load %arg14[%get3A_955, %get3A_956, %get3A_957] {strides = array<i32>} : memref<4x64x128xf32, #tpu.memory_space<vmem>>, vector<1x1x16xf32>,
        %get3A_959 = vector.shape_cast %get3A_958 : vector<1x1x16xf32> to vector<16xf32>
        %mul3A_960 = vector.broadcast %squeeze3A_731 : f32 to vector<16xf32>
        %mul3A_961 = arith.mulf %mul3A_960, %get3A_959 : vector<16xf32>
        %add3A_962 = arith.addf %mul3A_953, %mul3A_961 : vector<16xf32>
        %get3A_963 = arith.constant 2 : i32
        %get3A_964 = arith.index_cast %get3A_963 : i32 to index
        %get3A_965 = arith.index_cast %scan3A_719 : i32 to index
        %get3A_966 = arith.constant 80 : index
        %get3A_967 = tpu.vector_load %arg14[%get3A_964, %get3A_965, %get3A_966] {strides = array<i32>} : memref<4x64x128xf32, #tpu.memory_space<vmem>>, vector<1x1x16xf32>,
        %get3A_968 = vector.shape_cast %get3A_967 : vector<1x1x16xf32> to vector<16xf32>
        %mul3A_969 = vector.broadcast %squeeze3A_738 : f32 to vector<16xf32>
        %mul3A_970 = arith.mulf %mul3A_969, %get3A_968 : vector<16xf32>
        %add3A_971 = arith.addf %add3A_962, %mul3A_970 : vector<16xf32>
        %get3A_972 = arith.constant 3 : i32
        %get3A_973 = arith.index_cast %get3A_972 : i32 to index
        %get3A_974 = arith.index_cast %scan3A_719 : i32 to index
        %get3A_975 = arith.constant 80 : index
        %get3A_976 = tpu.vector_load %arg14[%get3A_973, %get3A_974, %get3A_975] {strides = array<i32>} : memref<4x64x128xf32, #tpu.memory_space<vmem>>, vector<1x1x16xf32>,
        %get3A_977 = vector.shape_cast %get3A_976 : vector<1x1x16xf32> to vector<16xf32>
        %mul3A_978 = vector.broadcast %squeeze3A_745 : f32 to vector<16xf32>
        %mul3A_979 = arith.mulf %mul3A_978, %get3A_977 : vector<16xf32>
        %add3A_980 = arith.addf %add3A_971, %mul3A_979 : vector<16xf32>
        %swap3A_981 = arith.index_cast %scan3A_719 : i32 to index
        %swap3A_982 = arith.constant 80 : index
        %swap3A_983 = tpu.vector_load %arg12[%swap3A_981, %swap3A_982] {strides = array<i32>} : memref<64x128xf32, #tpu.memory_space<vmem>>, vector<1x16xf32>,
        %swap3A_984 = vector.shape_cast %swap3A_983 : vector<1x16xf32> to vector<16xf32>
        %swap3A_985 = vector.shape_cast %add3A_980 : vector<16xf32> to vector<1x16xf32>
        tpu.vector_store %arg12[%swap3A_981, %swap3A_982], %swap3A_985 {strides = array<i32>} : memref<64x128xf32, #tpu.memory_space<vmem>>, vector<1x16xf32>,
        %get3A_986 = arith.constant 0 : i32
        %get3A_987 = arith.index_cast %get3A_986 : i32 to index
        %get3A_988 = arith.index_cast %scan3A_719 : i32 to index
        %get3A_989 = arith.constant 96 : index
        %get3A_990 = tpu.vector_load %arg14[%get3A_987, %get3A_988, %get3A_989] {strides = array<i32>} : memref<4x64x128xf32, #tpu.memory_space<vmem>>, vector<1x1x16xf32>,
        %get3A_991 = vector.shape_cast %get3A_990 : vector<1x1x16xf32> to vector<16xf32>
        %mul3A_992 = vector.broadcast %squeeze3A : f32 to vector<16xf32>
        %mul3A_993 = arith.mulf %mul3A_992, %get3A_991 : vector<16xf32>
        %get3A_994 = arith.constant 1 : i32
        %get3A_995 = arith.index_cast %get3A_994 : i32 to index
        %get3A_996 = arith.index_cast %scan3A_719 : i32 to index
        %get3A_997 = arith.constant 96 : index
        %get3A_998 = tpu.vector_load %arg14[%get3A_995, %get3A_996, %get3A_997] {strides = array<i32>} : memref<4x64x128xf32, #tpu.memory_space<vmem>>, vector<1x1x16xf32>,
        %get3A_999 = vector.shape_cast %get3A_998 : vector<1x1x16xf32> to vector<16xf32>
        %mul3A_1000 = vector.broadcast %squeeze3A_731 : f32 to vector<16xf32>
        %mul3A_1001 = arith.mulf %mul3A_1000, %get3A_999 : vector<16xf32>
        %add3A_1002 = arith.addf %mul3A_993, %mul3A_1001 : vector<16xf32>
        %get3A_1003 = arith.constant 2 : i32
        %get3A_1004 = arith.index_cast %get3A_1003 : i32 to index
        %get3A_1005 = arith.index_cast %scan3A_719 : i32 to index
        %get3A_1006 = arith.constant 96 : index
        %get3A_1007 = tpu.vector_load %arg14[%get3A_1004, %get3A_1005, %get3A_1006] {strides = array<i32>} : memref<4x64x128xf32, #tpu.memory_space<vmem>>, vector<1x1x16xf32>,
        %get3A_1008 = vector.shape_cast %get3A_1007 : vector<1x1x16xf32> to vector<16xf32>
        %mul3A_1009 = vector.broadcast %squeeze3A_738 : f32 to vector<16xf32>
        %mul3A_1010 = arith.mulf %mul3A_1009, %get3A_1008 : vector<16xf32>
        %add3A_1011 = arith.addf %add3A_1002, %mul3A_1010 : vector<16xf32>
        %get3A_1012 = arith.constant 3 : i32
        %get3A_1013 = arith.index_cast %get3A_1012 : i32 to index
        %get3A_1014 = arith.index_cast %scan3A_719 : i32 to index
        %get3A_1015 = arith.constant 96 : index
        %get3A_1016 = tpu.vector_load %arg14[%get3A_1013, %get3A_1014, %get3A_1015] {strides = array<i32>} : memref<4x64x128xf32, #tpu.memory_space<vmem>>, vector<1x1x16xf32>,
        %get3A_1017 = vector.shape_cast %get3A_1016 : vector<1x1x16xf32> to vector<16xf32>
        %mul3A_1018 = vector.broadcast %squeeze3A_745 : f32 to vector<16xf32>
        %mul3A_1019 = arith.mulf %mul3A_1018, %get3A_1017 : vector<16xf32>
        %add3A_1020 = arith.addf %add3A_1011, %mul3A_1019 : vector<16xf32>
        %swap3A_1021 = arith.index_cast %scan3A_719 : i32 to index
        %swap3A_1022 = arith.constant 96 : index
        %swap3A_1023 = tpu.vector_load %arg12[%swap3A_1021, %swap3A_1022] {strides = array<i32>} : memref<64x128xf32, #tpu.memory_space<vmem>>, vector<1x16xf32>,
        %swap3A_1024 = vector.shape_cast %swap3A_1023 : vector<1x16xf32> to vector<16xf32>
        %swap3A_1025 = vector.shape_cast %add3A_1020 : vector<16xf32> to vector<1x16xf32>
        tpu.vector_store %arg12[%swap3A_1021, %swap3A_1022], %swap3A_1025 {strides = array<i32>} : memref<64x128xf32, #tpu.memory_space<vmem>>, vector<1x16xf32>,
        %get3A_1026 = arith.constant 0 : i32
        %get3A_1027 = arith.index_cast %get3A_1026 : i32 to index
        %get3A_1028 = arith.index_cast %scan3A_719 : i32 to index
        %get3A_1029 = arith.constant 112 : index
        %get3A_1030 = tpu.vector_load %arg14[%get3A_1027, %get3A_1028, %get3A_1029] {strides = array<i32>} : memref<4x64x128xf32, #tpu.memory_space<vmem>>, vector<1x1x16xf32>,
        %get3A_1031 = vector.shape_cast %get3A_1030 : vector<1x1x16xf32> to vector<16xf32>
        %mul3A_1032 = vector.broadcast %squeeze3A : f32 to vector<16xf32>
        %mul3A_1033 = arith.mulf %mul3A_1032, %get3A_1031 : vector<16xf32>
        %get3A_1034 = arith.constant 1 : i32
        %get3A_1035 = arith.index_cast %get3A_1034 : i32 to index
        %get3A_1036 = arith.index_cast %scan3A_719 : i32 to index
        %get3A_1037 = arith.constant 112 : index
        %get3A_1038 = tpu.vector_load %arg14[%get3A_1035, %get3A_1036, %get3A_1037] {strides = array<i32>} : memref<4x64x128xf32, #tpu.memory_space<vmem>>, vector<1x1x16xf32>,
        %get3A_1039 = vector.shape_cast %get3A_1038 : vector<1x1x16xf32> to vector<16xf32>
        %mul3A_1040 = vector.broadcast %squeeze3A_731 : f32 to vector<16xf32>
        %mul3A_1041 = arith.mulf %mul3A_1040, %get3A_1039 : vector<16xf32>
        %add3A_1042 = arith.addf %mul3A_1033, %mul3A_1041 : vector<16xf32>
        %get3A_1043 = arith.constant 2 : i32
        %get3A_1044 = arith.index_cast %get3A_1043 : i32 to index
        %get3A_1045 = arith.index_cast %scan3A_719 : i32 to index
        %get3A_1046 = arith.constant 112 : index
        %get3A_1047 = tpu.vector_load %arg14[%get3A_1044, %get3A_1045, %get3A_1046] {strides = array<i32>} : memref<4x64x128xf32, #tpu.memory_space<vmem>>, vector<1x1x16xf32>,
        %get3A_1048 = vector.shape_cast %get3A_1047 : vector<1x1x16xf32> to vector<16xf32>
        %mul3A_1049 = vector.broadcast %squeeze3A_738 : f32 to vector<16xf32>
        %mul3A_1050 = arith.mulf %mul3A_1049, %get3A_1048 : vector<16xf32>
        %add3A_1051 = arith.addf %add3A_1042, %mul3A_1050 : vector<16xf32>
        %get3A_1052 = arith.constant 3 : i32
        %get3A_1053 = arith.index_cast %get3A_1052 : i32 to index
        %get3A_1054 = arith.index_cast %scan3A_719 : i32 to index
        %get3A_1055 = arith.constant 112 : index
        %get3A_1056 = tpu.vector_load %arg14[%get3A_1053, %get3A_1054, %get3A_1055] {strides = array<i32>} : memref<4x64x128xf32, #tpu.memory_space<vmem>>, vector<1x1x16xf32>,
        %get3A_1057 = vector.shape_cast %get3A_1056 : vector<1x1x16xf32> to vector<16xf32>
        %mul3A_1058 = vector.broadcast %squeeze3A_745 : f32 to vector<16xf32>
        %mul3A_1059 = arith.mulf %mul3A_1058, %get3A_1057 : vector<16xf32>
        %add3A_1060 = arith.addf %add3A_1051, %mul3A_1059 : vector<16xf32>
        %swap3A_1061 = arith.index_cast %scan3A_719 : i32 to index
        %swap3A_1062 = arith.constant 112 : index
        %swap3A_1063 = tpu.vector_load %arg12[%swap3A_1061, %swap3A_1062] {strides = array<i32>} : memref<64x128xf32, #tpu.memory_space<vmem>>, vector<1x16xf32>,
        %swap3A_1064 = vector.shape_cast %swap3A_1063 : vector<1x16xf32> to vector<16xf32>
        %swap3A_1065 = vector.shape_cast %add3A_1060 : vector<16xf32> to vector<1x16xf32>
        tpu.vector_store %arg12[%swap3A_1061, %swap3A_1062], %swap3A_1065 {strides = array<i32>} : memref<64x128xf32, #tpu.memory_space<vmem>>, vector<1x16xf32>,
      }
      %scan3A_634 = arith.constant 64 : i32
      %mul3A_635 = arith.constant 64 : i32
      %mul3A_636 = arith.muli %add3A_570, %mul3A_635 : i32
      %add3A_637 = arith.addi %mul3A_2, %mul3A_636 : i32
      %dma_start3A_638 = arith.constant 0 : i32
      %dma_start3A_639 = tpu.memref_slice %arg5[%add3A_637, %dma_start3A_638] : memref<524288x128xf32, #tpu.memory_space<hbm>> -> memref<64x128xf32, #tpu.memory_space<hbm>>
      %dma_start3A_640 = arith.constant 0 : i32
      %dma_start3A_641 = tpu.memref_slice %arg5[%add3A_637, %dma_start3A_640] : memref<524288x128xf32, #tpu.memory_space<hbm>> -> memref<64x128xf32, #tpu.memory_space<hbm>>
      tpu.enqueue_dma source(%arg12 : memref<64x128xf32, #tpu.memory_space<vmem>>) target(%dma_start3A_641 : memref<64x128xf32, #tpu.memory_space<hbm>>) target_semaphore(%arg10 : memref<!tpu.dma_semaphore, #tpu.memory_space<semaphore_mem>>)
      %mul3A_642 = arith.constant 2 : i32
      %mul3A_643 = arith.muli %mul3A_642, %scan3A_566 : i32
      %add3A_644 = arith.constant 1 : i32
      %add3A_645 = arith.addi %mul3A_643, %add3A_644 : i32
      %add3A_646 = arith.constant 1 : i32
      %add3A_647 = arith.addi %add3A_645, %add3A_646 : i32
      %lt3A_648 = arith.constant 256 : i32
      %lt3A_649 = arith.cmpi slt, %add3A_647, %lt3A_648 : i32
      %convert_element_type3A_650 = arith.extui %lt3A_649 : i1 to i32
      %cond3A_651 = arith.constant 0 : i32
      %cond3A_652 = arith.cmpi ne, %convert_element_type3A_650, %cond3A_651 : i32
      scf.if %cond3A_652 {
        %add3A_719 = arith.constant 1 : i32
        %add3A_720 = arith.addi %add3A_645, %add3A_719 : i32
        %mul3A_721 = arith.constant 64 : i32
        %mul3A_722 = arith.muli %add3A_720, %mul3A_721 : i32
        %add3A_723 = arith.constant 0 : i32
        %add3A_724 = arith.addi %mul3A_722, %add3A_723 : i32
        %get3A_725 = arith.index_cast %add3A_724 : i32 to index
        %get3A_726 = tpu.vector_load %arg18[%get3A_725] {strides = array<i32>} : memref<16384xf32, #tpu.memory_space<vmem>>, vector<16xf32>,
        %get3A_727 = vector.shape_cast %get3A_726 : vector<16xf32> to vector<16xf32>
        %mul3A_728 = arith.constant 5.120000e+02 : f32
        %mul3A_729 = vector.broadcast %mul3A_728 : f32 to vector<16xf32>
        %mul3A_730 = arith.mulf %get3A_727, %mul3A_729 : vector<16xf32>
        %sub3A_731 = arith.constant 5.000000e-01 : f32
        %sub3A_732 = vector.broadcast %sub3A_731 : f32 to vector<16xf32>
        %sub3A_733 = arith.subf %mul3A_730, %sub3A_732 : vector<16xf32>
        %get3A_734 = arith.index_cast %add3A_724 : i32 to index
        %get3A_735 = tpu.vector_load %arg19[%get3A_734] {strides = array<i32>} : memref<16384xf32, #tpu.memory_space<vmem>>, vector<16xf32>,
        %get3A_736 = vector.shape_cast %get3A_735 : vector<16xf32> to vector<16xf32>
        %mul3A_737 = arith.constant 5.120000e+02 : f32
        %mul3A_738 = vector.broadcast %mul3A_737 : f32 to vector<16xf32>
        %mul3A_739 = arith.mulf %get3A_736, %mul3A_738 : vector<16xf32>
        %sub3A_740 = arith.constant 5.000000e-01 : f32
        %sub3A_741 = vector.broadcast %sub3A_740 : f32 to vector<16xf32>
        %sub3A_742 = arith.subf %mul3A_739, %sub3A_741 : vector<16xf32>
        %convert_element_type3A_743 = arith.fptosi %sub3A_733 : vector<16xf32> to vector<16xi32>
        %convert_element_type3A_744 = arith.sitofp %convert_element_type3A_743 : vector<16xi32> to vector<16xf32>
        %lt3A_745 = arith.cmpf olt, %sub3A_733, %convert_element_type3A_744 : vector<16xf32>
        %sub3A_746 = arith.constant 1.000000e+00 : f32
        %sub3A_747 = vector.broadcast %sub3A_746 : f32 to vector<16xf32>
        %sub3A_748 = arith.subf %convert_element_type3A_744, %sub3A_747 : vector<16xf32>
        %select_n3A_749 = arith.select %lt3A_745, %sub3A_748, %convert_element_type3A_744 : vector<16xi1>, vector<16xf32>
        %convert_element_type3A_750 = arith.fptosi %sub3A_742 : vector<16xf32> to vector<16xi32>
        %convert_element_type3A_751 = arith.sitofp %convert_element_type3A_750 : vector<16xi32> to vector<16xf32>
        %lt3A_752 = arith.cmpf olt, %sub3A_742, %convert_element_type3A_751 : vector<16xf32>
        %sub3A_753 = arith.constant 1.000000e+00 : f32
        %sub3A_754 = vector.broadcast %sub3A_753 : f32 to vector<16xf32>
        %sub3A_755 = arith.subf %convert_element_type3A_751, %sub3A_754 : vector<16xf32>
        %select_n3A_756 = arith.select %lt3A_752, %sub3A_755, %convert_element_type3A_751 : vector<16xi1>, vector<16xf32>
        %sub3A_757 = arith.subf %sub3A_733, %select_n3A_749 : vector<16xf32>
        %sub3A_758 = arith.subf %sub3A_742, %select_n3A_756 : vector<16xf32>
        %convert_element_type3A_759 = arith.fptosi %select_n3A_749 : vector<16xf32> to vector<16xi32>
        %min3A_760 = arith.constant 511 : i32
        %min3A_761 = vector.broadcast %min3A_760 : i32 to vector<16xi32>
        %min3A_762 = arith.minsi %convert_element_type3A_759, %min3A_761 : vector<16xi32>
        %max3A_763 = arith.constant 0 : i32
        %max3A_764 = vector.broadcast %max3A_763 : i32 to vector<16xi32>
        %max3A_765 = arith.maxsi %min3A_762, %max3A_764 : vector<16xi32>
        %convert_element_type3A_766 = arith.fptosi %select_n3A_756 : vector<16xf32> to vector<16xi32>
        %min3A_767 = arith.constant 511 : i32
        %min3A_768 = vector.broadcast %min3A_767 : i32 to vector<16xi32>
        %min3A_769 = arith.minsi %convert_element_type3A_766, %min3A_768 : vector<16xi32>
        %max3A_770 = arith.constant 0 : i32
        %max3A_771 = vector.broadcast %max3A_770 : i32 to vector<16xi32>
        %max3A_772 = arith.maxsi %min3A_769, %max3A_771 : vector<16xi32>
        %add3A_773 = arith.constant 1 : i32
        %add3A_774 = vector.broadcast %add3A_773 : i32 to vector<16xi32>
        %add3A_775 = arith.addi %max3A_765, %add3A_774 : vector<16xi32>
        %min3A_776 = arith.constant 511 : i32
        %min3A_777 = vector.broadcast %min3A_776 : i32 to vector<16xi32>
        %min3A_778 = arith.minsi %add3A_775, %min3A_777 : vector<16xi32>
        %add3A_779 = arith.constant 1 : i32
        %add3A_780 = vector.broadcast %add3A_779 : i32 to vector<16xi32>
        %add3A_781 = arith.addi %max3A_772, %add3A_780 : vector<16xi32>
        %min3A_782 = arith.constant 511 : i32
        %min3A_783 = vector.broadcast %min3A_782 : i32 to vector<16xi32>
        %min3A_784 = arith.minsi %add3A_781, %min3A_783 : vector<16xi32>
        %mul3A_785 = arith.constant 512 : i32
        %mul3A_786 = vector.broadcast %mul3A_785 : i32 to vector<16xi32>
        %mul3A_787 = arith.muli %max3A_772, %mul3A_786 : vector<16xi32>
        %mul3A_788 = arith.constant 512 : i32
        %mul3A_789 = vector.broadcast %mul3A_788 : i32 to vector<16xi32>
        %mul3A_790 = arith.muli %min3A_784, %mul3A_789 : vector<16xi32>
        %add3A_791 = arith.addi %mul3A_787, %max3A_765 : vector<16xi32>
        %swap3A_792 = arith.constant 0 : i32
        %swap3A_793 = arith.index_cast %swap3A_792 : i32 to index
        %swap3A_794 = arith.constant 0 : index
        %swap3A_795 = tpu.vector_load %arg8[%swap3A_793, %swap3A_794] {strides = array<i32>} : memref<4x64xi32, #tpu.memory_space<vmem>>, vector<1x16xi32>,
        %swap3A_796 = vector.shape_cast %swap3A_795 : vector<1x16xi32> to vector<16xi32>
        %swap3A_797 = vector.shape_cast %add3A_791 : vector<16xi32> to vector<1x16xi32>
        tpu.vector_store %arg8[%swap3A_793, %swap3A_794], %swap3A_797 {strides = array<i32>} : memref<4x64xi32, #tpu.memory_space<vmem>>, vector<1x16xi32>,
        %add3A_798 = arith.addi %mul3A_787, %min3A_778 : vector<16xi32>
        %swap3A_799 = arith.constant 1 : i32
        %swap3A_800 = arith.index_cast %swap3A_799 : i32 to index
        %swap3A_801 = arith.constant 0 : index
        %swap3A_802 = tpu.vector_load %arg8[%swap3A_800, %swap3A_801] {strides = array<i32>} : memref<4x64xi32, #tpu.memory_space<vmem>>, vector<1x16xi32>,
        %swap3A_803 = vector.shape_cast %swap3A_802 : vector<1x16xi32> to vector<16xi32>
        %swap3A_804 = vector.shape_cast %add3A_798 : vector<16xi32> to vector<1x16xi32>
        tpu.vector_store %arg8[%swap3A_800, %swap3A_801], %swap3A_804 {strides = array<i32>} : memref<4x64xi32, #tpu.memory_space<vmem>>, vector<1x16xi32>,
        %add3A_805 = arith.addi %mul3A_790, %max3A_765 : vector<16xi32>
        %swap3A_806 = arith.constant 2 : i32
        %swap3A_807 = arith.index_cast %swap3A_806 : i32 to index
        %swap3A_808 = arith.constant 0 : index
        %swap3A_809 = tpu.vector_load %arg8[%swap3A_807, %swap3A_808] {strides = array<i32>} : memref<4x64xi32, #tpu.memory_space<vmem>>, vector<1x16xi32>,
        %swap3A_810 = vector.shape_cast %swap3A_809 : vector<1x16xi32> to vector<16xi32>
        %swap3A_811 = vector.shape_cast %add3A_805 : vector<16xi32> to vector<1x16xi32>
        tpu.vector_store %arg8[%swap3A_807, %swap3A_808], %swap3A_811 {strides = array<i32>} : memref<4x64xi32, #tpu.memory_space<vmem>>, vector<1x16xi32>,
        %add3A_812 = arith.addi %mul3A_790, %min3A_778 : vector<16xi32>
        %swap3A_813 = arith.constant 3 : i32
        %swap3A_814 = arith.index_cast %swap3A_813 : i32 to index
        %swap3A_815 = arith.constant 0 : index
        %swap3A_816 = tpu.vector_load %arg8[%swap3A_814, %swap3A_815] {strides = array<i32>} : memref<4x64xi32, #tpu.memory_space<vmem>>, vector<1x16xi32>,
        %swap3A_817 = vector.shape_cast %swap3A_816 : vector<1x16xi32> to vector<16xi32>
        %swap3A_818 = vector.shape_cast %add3A_812 : vector<16xi32> to vector<1x16xi32>
        tpu.vector_store %arg8[%swap3A_814, %swap3A_815], %swap3A_818 {strides = array<i32>} : memref<4x64xi32, #tpu.memory_space<vmem>>, vector<1x16xi32>,
        %sub3A_819 = arith.constant 1.000000e+00 : f32
        %sub3A_820 = vector.broadcast %sub3A_819 : f32 to vector<16xf32>
        %sub3A_821 = arith.subf %sub3A_820, %sub3A_757 : vector<16xf32>
        %sub3A_822 = arith.constant 1.000000e+00 : f32
        %sub3A_823 = vector.broadcast %sub3A_822 : f32 to vector<16xf32>
        %sub3A_824 = arith.subf %sub3A_823, %sub3A_758 : vector<16xf32>
        %mul3A_825 = arith.mulf %sub3A_824, %sub3A_821 : vector<16xf32>
        %swap3A_826 = arith.constant 0 : i32
        %swap3A_827 = arith.index_cast %swap3A_826 : i32 to index
        %swap3A_828 = arith.constant 0 : index
        %swap3A_829 = tpu.vector_load %arg16[%swap3A_827, %swap3A_828] {strides = array<i32>} : memref<4x80xf32, #tpu.memory_space<vmem>>, vector<1x16xf32>,
        %swap3A_830 = vector.shape_cast %swap3A_829 : vector<1x16xf32> to vector<16xf32>
        %swap3A_831 = vector.shape_cast %mul3A_825 : vector<16xf32> to vector<1x16xf32>
        tpu.vector_store %arg16[%swap3A_827, %swap3A_828], %swap3A_831 {strides = array<i32>} : memref<4x80xf32, #tpu.memory_space<vmem>>, vector<1x16xf32>,
        %mul3A_832 = arith.mulf %sub3A_824, %sub3A_757 : vector<16xf32>
        %swap3A_833 = arith.constant 1 : i32
        %swap3A_834 = arith.index_cast %swap3A_833 : i32 to index
        %swap3A_835 = arith.constant 0 : index
        %swap3A_836 = tpu.vector_load %arg16[%swap3A_834, %swap3A_835] {strides = array<i32>} : memref<4x80xf32, #tpu.memory_space<vmem>>, vector<1x16xf32>,
        %swap3A_837 = vector.shape_cast %swap3A_836 : vector<1x16xf32> to vector<16xf32>
        %swap3A_838 = vector.shape_cast %mul3A_832 : vector<16xf32> to vector<1x16xf32>
        tpu.vector_store %arg16[%swap3A_834, %swap3A_835], %swap3A_838 {strides = array<i32>} : memref<4x80xf32, #tpu.memory_space<vmem>>, vector<1x16xf32>,
        %mul3A_839 = arith.mulf %sub3A_758, %sub3A_821 : vector<16xf32>
        %swap3A_840 = arith.constant 2 : i32
        %swap3A_841 = arith.index_cast %swap3A_840 : i32 to index
        %swap3A_842 = arith.constant 0 : index
        %swap3A_843 = tpu.vector_load %arg16[%swap3A_841, %swap3A_842] {strides = array<i32>} : memref<4x80xf32, #tpu.memory_space<vmem>>, vector<1x16xf32>,
        %swap3A_844 = vector.shape_cast %swap3A_843 : vector<1x16xf32> to vector<16xf32>
        %swap3A_845 = vector.shape_cast %mul3A_839 : vector<16xf32> to vector<1x16xf32>
        tpu.vector_store %arg16[%swap3A_841, %swap3A_842], %swap3A_845 {strides = array<i32>} : memref<4x80xf32, #tpu.memory_space<vmem>>, vector<1x16xf32>,
        %mul3A_846 = arith.mulf %sub3A_758, %sub3A_757 : vector<16xf32>
        %swap3A_847 = arith.constant 3 : i32
        %swap3A_848 = arith.index_cast %swap3A_847 : i32 to index
        %swap3A_849 = arith.constant 0 : index
        %swap3A_850 = tpu.vector_load %arg16[%swap3A_848, %swap3A_849] {strides = array<i32>} : memref<4x80xf32, #tpu.memory_space<vmem>>, vector<1x16xf32>,
        %swap3A_851 = vector.shape_cast %swap3A_850 : vector<1x16xf32> to vector<16xf32>
        %swap3A_852 = vector.shape_cast %mul3A_846 : vector<16xf32> to vector<1x16xf32>
        tpu.vector_store %arg16[%swap3A_848, %swap3A_849], %swap3A_852 {strides = array<i32>} : memref<4x80xf32, #tpu.memory_space<vmem>>, vector<1x16xf32>,
        %mul3A_853 = arith.constant 64 : i32
        %mul3A_854 = arith.muli %add3A_720, %mul3A_853 : i32
        %add3A_855 = arith.constant 16 : i32
        %add3A_856 = arith.addi %mul3A_854, %add3A_855 : i32
        %get3A_857 = arith.index_cast %add3A_856 : i32 to index
        %get3A_858 = tpu.vector_load %arg18[%get3A_857] {strides = array<i32>} : memref<16384xf32, #tpu.memory_space<vmem>>, vector<16xf32>,
        %get3A_859 = vector.shape_cast %get3A_858 : vector<16xf32> to vector<16xf32>
        %mul3A_860 = arith.constant 5.120000e+02 : f32
        %mul3A_861 = vector.broadcast %mul3A_860 : f32 to vector<16xf32>
        %mul3A_862 = arith.mulf %get3A_859, %mul3A_861 : vector<16xf32>
        %sub3A_863 = arith.constant 5.000000e-01 : f32
        %sub3A_864 = vector.broadcast %sub3A_863 : f32 to vector<16xf32>
        %sub3A_865 = arith.subf %mul3A_862, %sub3A_864 : vector<16xf32>
        %get3A_866 = arith.index_cast %add3A_856 : i32 to index
        %get3A_867 = tpu.vector_load %arg19[%get3A_866] {strides = array<i32>} : memref<16384xf32, #tpu.memory_space<vmem>>, vector<16xf32>,
        %get3A_868 = vector.shape_cast %get3A_867 : vector<16xf32> to vector<16xf32>
        %mul3A_869 = arith.constant 5.120000e+02 : f32
        %mul3A_870 = vector.broadcast %mul3A_869 : f32 to vector<16xf32>
        %mul3A_871 = arith.mulf %get3A_868, %mul3A_870 : vector<16xf32>
        %sub3A_872 = arith.constant 5.000000e-01 : f32
        %sub3A_873 = vector.broadcast %sub3A_872 : f32 to vector<16xf32>
        %sub3A_874 = arith.subf %mul3A_871, %sub3A_873 : vector<16xf32>
        %convert_element_type3A_875 = arith.fptosi %sub3A_865 : vector<16xf32> to vector<16xi32>
        %convert_element_type3A_876 = arith.sitofp %convert_element_type3A_875 : vector<16xi32> to vector<16xf32>
        %lt3A_877 = arith.cmpf olt, %sub3A_865, %convert_element_type3A_876 : vector<16xf32>
        %sub3A_878 = arith.constant 1.000000e+00 : f32
        %sub3A_879 = vector.broadcast %sub3A_878 : f32 to vector<16xf32>
        %sub3A_880 = arith.subf %convert_element_type3A_876, %sub3A_879 : vector<16xf32>
        %select_n3A_881 = arith.select %lt3A_877, %sub3A_880, %convert_element_type3A_876 : vector<16xi1>, vector<16xf32>
        %convert_element_type3A_882 = arith.fptosi %sub3A_874 : vector<16xf32> to vector<16xi32>
        %convert_element_type3A_883 = arith.sitofp %convert_element_type3A_882 : vector<16xi32> to vector<16xf32>
        %lt3A_884 = arith.cmpf olt, %sub3A_874, %convert_element_type3A_883 : vector<16xf32>
        %sub3A_885 = arith.constant 1.000000e+00 : f32
        %sub3A_886 = vector.broadcast %sub3A_885 : f32 to vector<16xf32>
        %sub3A_887 = arith.subf %convert_element_type3A_883, %sub3A_886 : vector<16xf32>
        %select_n3A_888 = arith.select %lt3A_884, %sub3A_887, %convert_element_type3A_883 : vector<16xi1>, vector<16xf32>
        %sub3A_889 = arith.subf %sub3A_865, %select_n3A_881 : vector<16xf32>
        %sub3A_890 = arith.subf %sub3A_874, %select_n3A_888 : vector<16xf32>
        %convert_element_type3A_891 = arith.fptosi %select_n3A_881 : vector<16xf32> to vector<16xi32>
        %min3A_892 = arith.constant 511 : i32
        %min3A_893 = vector.broadcast %min3A_892 : i32 to vector<16xi32>
        %min3A_894 = arith.minsi %convert_element_type3A_891, %min3A_893 : vector<16xi32>
        %max3A_895 = arith.constant 0 : i32
        %max3A_896 = vector.broadcast %max3A_895 : i32 to vector<16xi32>
        %max3A_897 = arith.maxsi %min3A_894, %max3A_896 : vector<16xi32>
        %convert_element_type3A_898 = arith.fptosi %select_n3A_888 : vector<16xf32> to vector<16xi32>
        %min3A_899 = arith.constant 511 : i32
        %min3A_900 = vector.broadcast %min3A_899 : i32 to vector<16xi32>
        %min3A_901 = arith.minsi %convert_element_type3A_898, %min3A_900 : vector<16xi32>
        %max3A_902 = arith.constant 0 : i32
        %max3A_903 = vector.broadcast %max3A_902 : i32 to vector<16xi32>
        %max3A_904 = arith.maxsi %min3A_901, %max3A_903 : vector<16xi32>
        %add3A_905 = arith.constant 1 : i32
        %add3A_906 = vector.broadcast %add3A_905 : i32 to vector<16xi32>
        %add3A_907 = arith.addi %max3A_897, %add3A_906 : vector<16xi32>
        %min3A_908 = arith.constant 511 : i32
        %min3A_909 = vector.broadcast %min3A_908 : i32 to vector<16xi32>
        %min3A_910 = arith.minsi %add3A_907, %min3A_909 : vector<16xi32>
        %add3A_911 = arith.constant 1 : i32
        %add3A_912 = vector.broadcast %add3A_911 : i32 to vector<16xi32>
        %add3A_913 = arith.addi %max3A_904, %add3A_912 : vector<16xi32>
        %min3A_914 = arith.constant 511 : i32
        %min3A_915 = vector.broadcast %min3A_914 : i32 to vector<16xi32>
        %min3A_916 = arith.minsi %add3A_913, %min3A_915 : vector<16xi32>
        %mul3A_917 = arith.constant 512 : i32
        %mul3A_918 = vector.broadcast %mul3A_917 : i32 to vector<16xi32>
        %mul3A_919 = arith.muli %max3A_904, %mul3A_918 : vector<16xi32>
        %mul3A_920 = arith.constant 512 : i32
        %mul3A_921 = vector.broadcast %mul3A_920 : i32 to vector<16xi32>
        %mul3A_922 = arith.muli %min3A_916, %mul3A_921 : vector<16xi32>
        %add3A_923 = arith.addi %mul3A_919, %max3A_897 : vector<16xi32>
        %swap3A_924 = arith.constant 0 : i32
        %swap3A_925 = arith.index_cast %swap3A_924 : i32 to index
        %swap3A_926 = arith.constant 16 : index
        %swap3A_927 = tpu.vector_load %arg8[%swap3A_925, %swap3A_926] {strides = array<i32>} : memref<4x64xi32, #tpu.memory_space<vmem>>, vector<1x16xi32>,
        %swap3A_928 = vector.shape_cast %swap3A_927 : vector<1x16xi32> to vector<16xi32>
        %swap3A_929 = vector.shape_cast %add3A_923 : vector<16xi32> to vector<1x16xi32>
        tpu.vector_store %arg8[%swap3A_925, %swap3A_926], %swap3A_929 {strides = array<i32>} : memref<4x64xi32, #tpu.memory_space<vmem>>, vector<1x16xi32>,
        %add3A_930 = arith.addi %mul3A_919, %min3A_910 : vector<16xi32>
        %swap3A_931 = arith.constant 1 : i32
        %swap3A_932 = arith.index_cast %swap3A_931 : i32 to index
        %swap3A_933 = arith.constant 16 : index
        %swap3A_934 = tpu.vector_load %arg8[%swap3A_932, %swap3A_933] {strides = array<i32>} : memref<4x64xi32, #tpu.memory_space<vmem>>, vector<1x16xi32>,
        %swap3A_935 = vector.shape_cast %swap3A_934 : vector<1x16xi32> to vector<16xi32>
        %swap3A_936 = vector.shape_cast %add3A_930 : vector<16xi32> to vector<1x16xi32>
        tpu.vector_store %arg8[%swap3A_932, %swap3A_933], %swap3A_936 {strides = array<i32>} : memref<4x64xi32, #tpu.memory_space<vmem>>, vector<1x16xi32>,
        %add3A_937 = arith.addi %mul3A_922, %max3A_897 : vector<16xi32>
        %swap3A_938 = arith.constant 2 : i32
        %swap3A_939 = arith.index_cast %swap3A_938 : i32 to index
        %swap3A_940 = arith.constant 16 : index
        %swap3A_941 = tpu.vector_load %arg8[%swap3A_939, %swap3A_940] {strides = array<i32>} : memref<4x64xi32, #tpu.memory_space<vmem>>, vector<1x16xi32>,
        %swap3A_942 = vector.shape_cast %swap3A_941 : vector<1x16xi32> to vector<16xi32>
        %swap3A_943 = vector.shape_cast %add3A_937 : vector<16xi32> to vector<1x16xi32>
        tpu.vector_store %arg8[%swap3A_939, %swap3A_940], %swap3A_943 {strides = array<i32>} : memref<4x64xi32, #tpu.memory_space<vmem>>, vector<1x16xi32>,
        %add3A_944 = arith.addi %mul3A_922, %min3A_910 : vector<16xi32>
        %swap3A_945 = arith.constant 3 : i32
        %swap3A_946 = arith.index_cast %swap3A_945 : i32 to index
        %swap3A_947 = arith.constant 16 : index
        %swap3A_948 = tpu.vector_load %arg8[%swap3A_946, %swap3A_947] {strides = array<i32>} : memref<4x64xi32, #tpu.memory_space<vmem>>, vector<1x16xi32>,
        %swap3A_949 = vector.shape_cast %swap3A_948 : vector<1x16xi32> to vector<16xi32>
        %swap3A_950 = vector.shape_cast %add3A_944 : vector<16xi32> to vector<1x16xi32>
        tpu.vector_store %arg8[%swap3A_946, %swap3A_947], %swap3A_950 {strides = array<i32>} : memref<4x64xi32, #tpu.memory_space<vmem>>, vector<1x16xi32>,
        %sub3A_951 = arith.constant 1.000000e+00 : f32
        %sub3A_952 = vector.broadcast %sub3A_951 : f32 to vector<16xf32>
        %sub3A_953 = arith.subf %sub3A_952, %sub3A_889 : vector<16xf32>
        %sub3A_954 = arith.constant 1.000000e+00 : f32
        %sub3A_955 = vector.broadcast %sub3A_954 : f32 to vector<16xf32>
        %sub3A_956 = arith.subf %sub3A_955, %sub3A_890 : vector<16xf32>
        %mul3A_957 = arith.mulf %sub3A_956, %sub3A_953 : vector<16xf32>
        %swap3A_958 = arith.constant 0 : i32
        %swap3A_959 = arith.index_cast %swap3A_958 : i32 to index
        %swap3A_960 = arith.constant 16 : index
        %swap3A_961 = tpu.vector_load %arg16[%swap3A_959, %swap3A_960] {strides = array<i32>} : memref<4x80xf32, #tpu.memory_space<vmem>>, vector<1x16xf32>,
        %swap3A_962 = vector.shape_cast %swap3A_961 : vector<1x16xf32> to vector<16xf32>
        %swap3A_963 = vector.shape_cast %mul3A_957 : vector<16xf32> to vector<1x16xf32>
        tpu.vector_store %arg16[%swap3A_959, %swap3A_960], %swap3A_963 {strides = array<i32>} : memref<4x80xf32, #tpu.memory_space<vmem>>, vector<1x16xf32>,
        %mul3A_964 = arith.mulf %sub3A_956, %sub3A_889 : vector<16xf32>
        %swap3A_965 = arith.constant 1 : i32
        %swap3A_966 = arith.index_cast %swap3A_965 : i32 to index
        %swap3A_967 = arith.constant 16 : index
        %swap3A_968 = tpu.vector_load %arg16[%swap3A_966, %swap3A_967] {strides = array<i32>} : memref<4x80xf32, #tpu.memory_space<vmem>>, vector<1x16xf32>,
        %swap3A_969 = vector.shape_cast %swap3A_968 : vector<1x16xf32> to vector<16xf32>
        %swap3A_970 = vector.shape_cast %mul3A_964 : vector<16xf32> to vector<1x16xf32>
        tpu.vector_store %arg16[%swap3A_966, %swap3A_967], %swap3A_970 {strides = array<i32>} : memref<4x80xf32, #tpu.memory_space<vmem>>, vector<1x16xf32>,
        %mul3A_971 = arith.mulf %sub3A_890, %sub3A_953 : vector<16xf32>
        %swap3A_972 = arith.constant 2 : i32
        %swap3A_973 = arith.index_cast %swap3A_972 : i32 to index
        %swap3A_974 = arith.constant 16 : index
        %swap3A_975 = tpu.vector_load %arg16[%swap3A_973, %swap3A_974] {strides = array<i32>} : memref<4x80xf32, #tpu.memory_space<vmem>>, vector<1x16xf32>,
        %swap3A_976 = vector.shape_cast %swap3A_975 : vector<1x16xf32> to vector<16xf32>
        %swap3A_977 = vector.shape_cast %mul3A_971 : vector<16xf32> to vector<1x16xf32>
        tpu.vector_store %arg16[%swap3A_973, %swap3A_974], %swap3A_977 {strides = array<i32>} : memref<4x80xf32, #tpu.memory_space<vmem>>, vector<1x16xf32>,
        %mul3A_978 = arith.mulf %sub3A_890, %sub3A_889 : vector<16xf32>
        %swap3A_979 = arith.constant 3 : i32
        %swap3A_980 = arith.index_cast %swap3A_979 : i32 to index
        %swap3A_981 = arith.constant 16 : index
        %swap3A_982 = tpu.vector_load %arg16[%swap3A_980, %swap3A_981] {strides = array<i32>} : memref<4x80xf32, #tpu.memory_space<vmem>>, vector<1x16xf32>,
        %swap3A_983 = vector.shape_cast %swap3A_982 : vector<1x16xf32> to vector<16xf32>
        %swap3A_984 = vector.shape_cast %mul3A_978 : vector<16xf32> to vector<1x16xf32>
        tpu.vector_store %arg16[%swap3A_980, %swap3A_981], %swap3A_984 {strides = array<i32>} : memref<4x80xf32, #tpu.memory_space<vmem>>, vector<1x16xf32>,
        %mul3A_985 = arith.constant 64 : i32
        %mul3A_986 = arith.muli %add3A_720, %mul3A_985 : i32
        %add3A_987 = arith.constant 32 : i32
        %add3A_988 = arith.addi %mul3A_986, %add3A_987 : i32
        %get3A_989 = arith.index_cast %add3A_988 : i32 to index
        %get3A_990 = tpu.vector_load %arg18[%get3A_989] {strides = array<i32>} : memref<16384xf32, #tpu.memory_space<vmem>>, vector<16xf32>,
        %get3A_991 = vector.shape_cast %get3A_990 : vector<16xf32> to vector<16xf32>
        %mul3A_992 = arith.constant 5.120000e+02 : f32
        %mul3A_993 = vector.broadcast %mul3A_992 : f32 to vector<16xf32>
        %mul3A_994 = arith.mulf %get3A_991, %mul3A_993 : vector<16xf32>
        %sub3A_995 = arith.constant 5.000000e-01 : f32
        %sub3A_996 = vector.broadcast %sub3A_995 : f32 to vector<16xf32>
        %sub3A_997 = arith.subf %mul3A_994, %sub3A_996 : vector<16xf32>
        %get3A_998 = arith.index_cast %add3A_988 : i32 to index
        %get3A_999 = tpu.vector_load %arg19[%get3A_998] {strides = array<i32>} : memref<16384xf32, #tpu.memory_space<vmem>>, vector<16xf32>,
        %get3A_1000 = vector.shape_cast %get3A_999 : vector<16xf32> to vector<16xf32>
        %mul3A_1001 = arith.constant 5.120000e+02 : f32
        %mul3A_1002 = vector.broadcast %mul3A_1001 : f32 to vector<16xf32>
        %mul3A_1003 = arith.mulf %get3A_1000, %mul3A_1002 : vector<16xf32>
        %sub3A_1004 = arith.constant 5.000000e-01 : f32
        %sub3A_1005 = vector.broadcast %sub3A_1004 : f32 to vector<16xf32>
        %sub3A_1006 = arith.subf %mul3A_1003, %sub3A_1005 : vector<16xf32>
        %convert_element_type3A_1007 = arith.fptosi %sub3A_997 : vector<16xf32> to vector<16xi32>
        %convert_element_type3A_1008 = arith.sitofp %convert_element_type3A_1007 : vector<16xi32> to vector<16xf32>
        %lt3A_1009 = arith.cmpf olt, %sub3A_997, %convert_element_type3A_1008 : vector<16xf32>
        %sub3A_1010 = arith.constant 1.000000e+00 : f32
        %sub3A_1011 = vector.broadcast %sub3A_1010 : f32 to vector<16xf32>
        %sub3A_1012 = arith.subf %convert_element_type3A_1008, %sub3A_1011 : vector<16xf32>
        %select_n3A_1013 = arith.select %lt3A_1009, %sub3A_1012, %convert_element_type3A_1008 : vector<16xi1>, vector<16xf32>
        %convert_element_type3A_1014 = arith.fptosi %sub3A_1006 : vector<16xf32> to vector<16xi32>
        %convert_element_type3A_1015 = arith.sitofp %convert_element_type3A_1014 : vector<16xi32> to vector<16xf32>
        %lt3A_1016 = arith.cmpf olt, %sub3A_1006, %convert_element_type3A_1015 : vector<16xf32>
        %sub3A_1017 = arith.constant 1.000000e+00 : f32
        %sub3A_1018 = vector.broadcast %sub3A_1017 : f32 to vector<16xf32>
        %sub3A_1019 = arith.subf %convert_element_type3A_1015, %sub3A_1018 : vector<16xf32>
        %select_n3A_1020 = arith.select %lt3A_1016, %sub3A_1019, %convert_element_type3A_1015 : vector<16xi1>, vector<16xf32>
        %sub3A_1021 = arith.subf %sub3A_997, %select_n3A_1013 : vector<16xf32>
        %sub3A_1022 = arith.subf %sub3A_1006, %select_n3A_1020 : vector<16xf32>
        %convert_element_type3A_1023 = arith.fptosi %select_n3A_1013 : vector<16xf32> to vector<16xi32>
        %min3A_1024 = arith.constant 511 : i32
        %min3A_1025 = vector.broadcast %min3A_1024 : i32 to vector<16xi32>
        %min3A_1026 = arith.minsi %convert_element_type3A_1023, %min3A_1025 : vector<16xi32>
        %max3A_1027 = arith.constant 0 : i32
        %max3A_1028 = vector.broadcast %max3A_1027 : i32 to vector<16xi32>
        %max3A_1029 = arith.maxsi %min3A_1026, %max3A_1028 : vector<16xi32>
        %convert_element_type3A_1030 = arith.fptosi %select_n3A_1020 : vector<16xf32> to vector<16xi32>
        %min3A_1031 = arith.constant 511 : i32
        %min3A_1032 = vector.broadcast %min3A_1031 : i32 to vector<16xi32>
        %min3A_1033 = arith.minsi %convert_element_type3A_1030, %min3A_1032 : vector<16xi32>
        %max3A_1034 = arith.constant 0 : i32
        %max3A_1035 = vector.broadcast %max3A_1034 : i32 to vector<16xi32>
        %max3A_1036 = arith.maxsi %min3A_1033, %max3A_1035 : vector<16xi32>
        %add3A_1037 = arith.constant 1 : i32
        %add3A_1038 = vector.broadcast %add3A_1037 : i32 to vector<16xi32>
        %add3A_1039 = arith.addi %max3A_1029, %add3A_1038 : vector<16xi32>
        %min3A_1040 = arith.constant 511 : i32
        %min3A_1041 = vector.broadcast %min3A_1040 : i32 to vector<16xi32>
        %min3A_1042 = arith.minsi %add3A_1039, %min3A_1041 : vector<16xi32>
        %add3A_1043 = arith.constant 1 : i32
        %add3A_1044 = vector.broadcast %add3A_1043 : i32 to vector<16xi32>
        %add3A_1045 = arith.addi %max3A_1036, %add3A_1044 : vector<16xi32>
        %min3A_1046 = arith.constant 511 : i32
        %min3A_1047 = vector.broadcast %min3A_1046 : i32 to vector<16xi32>
        %min3A_1048 = arith.minsi %add3A_1045, %min3A_1047 : vector<16xi32>
        %mul3A_1049 = arith.constant 512 : i32
        %mul3A_1050 = vector.broadcast %mul3A_1049 : i32 to vector<16xi32>
        %mul3A_1051 = arith.muli %max3A_1036, %mul3A_1050 : vector<16xi32>
        %mul3A_1052 = arith.constant 512 : i32
        %mul3A_1053 = vector.broadcast %mul3A_1052 : i32 to vector<16xi32>
        %mul3A_1054 = arith.muli %min3A_1048, %mul3A_1053 : vector<16xi32>
        %add3A_1055 = arith.addi %mul3A_1051, %max3A_1029 : vector<16xi32>
        %swap3A_1056 = arith.constant 0 : i32
        %swap3A_1057 = arith.index_cast %swap3A_1056 : i32 to index
        %swap3A_1058 = arith.constant 32 : index
        %swap3A_1059 = tpu.vector_load %arg8[%swap3A_1057, %swap3A_1058] {strides = array<i32>} : memref<4x64xi32, #tpu.memory_space<vmem>>, vector<1x16xi32>,
        %swap3A_1060 = vector.shape_cast %swap3A_1059 : vector<1x16xi32> to vector<16xi32>
        %swap3A_1061 = vector.shape_cast %add3A_1055 : vector<16xi32> to vector<1x16xi32>
        tpu.vector_store %arg8[%swap3A_1057, %swap3A_1058], %swap3A_1061 {strides = array<i32>} : memref<4x64xi32, #tpu.memory_space<vmem>>, vector<1x16xi32>,
        %add3A_1062 = arith.addi %mul3A_1051, %min3A_1042 : vector<16xi32>
        %swap3A_1063 = arith.constant 1 : i32
        %swap3A_1064 = arith.index_cast %swap3A_1063 : i32 to index
        %swap3A_1065 = arith.constant 32 : index
        %swap3A_1066 = tpu.vector_load %arg8[%swap3A_1064, %swap3A_1065] {strides = array<i32>} : memref<4x64xi32, #tpu.memory_space<vmem>>, vector<1x16xi32>,
        %swap3A_1067 = vector.shape_cast %swap3A_1066 : vector<1x16xi32> to vector<16xi32>
        %swap3A_1068 = vector.shape_cast %add3A_1062 : vector<16xi32> to vector<1x16xi32>
        tpu.vector_store %arg8[%swap3A_1064, %swap3A_1065], %swap3A_1068 {strides = array<i32>} : memref<4x64xi32, #tpu.memory_space<vmem>>, vector<1x16xi32>,
        %add3A_1069 = arith.addi %mul3A_1054, %max3A_1029 : vector<16xi32>
        %swap3A_1070 = arith.constant 2 : i32
        %swap3A_1071 = arith.index_cast %swap3A_1070 : i32 to index
        %swap3A_1072 = arith.constant 32 : index
        %swap3A_1073 = tpu.vector_load %arg8[%swap3A_1071, %swap3A_1072] {strides = array<i32>} : memref<4x64xi32, #tpu.memory_space<vmem>>, vector<1x16xi32>,
        %swap3A_1074 = vector.shape_cast %swap3A_1073 : vector<1x16xi32> to vector<16xi32>
        %swap3A_1075 = vector.shape_cast %add3A_1069 : vector<16xi32> to vector<1x16xi32>
        tpu.vector_store %arg8[%swap3A_1071, %swap3A_1072], %swap3A_1075 {strides = array<i32>} : memref<4x64xi32, #tpu.memory_space<vmem>>, vector<1x16xi32>,
        %add3A_1076 = arith.addi %mul3A_1054, %min3A_1042 : vector<16xi32>
        %swap3A_1077 = arith.constant 3 : i32
        %swap3A_1078 = arith.index_cast %swap3A_1077 : i32 to index
        %swap3A_1079 = arith.constant 32 : index
        %swap3A_1080 = tpu.vector_load %arg8[%swap3A_1078, %swap3A_1079] {strides = array<i32>} : memref<4x64xi32, #tpu.memory_space<vmem>>, vector<1x16xi32>,
        %swap3A_1081 = vector.shape_cast %swap3A_1080 : vector<1x16xi32> to vector<16xi32>
        %swap3A_1082 = vector.shape_cast %add3A_1076 : vector<16xi32> to vector<1x16xi32>
        tpu.vector_store %arg8[%swap3A_1078, %swap3A_1079], %swap3A_1082 {strides = array<i32>} : memref<4x64xi32, #tpu.memory_space<vmem>>, vector<1x16xi32>,
        %sub3A_1083 = arith.constant 1.000000e+00 : f32
        %sub3A_1084 = vector.broadcast %sub3A_1083 : f32 to vector<16xf32>
        %sub3A_1085 = arith.subf %sub3A_1084, %sub3A_1021 : vector<16xf32>
        %sub3A_1086 = arith.constant 1.000000e+00 : f32
        %sub3A_1087 = vector.broadcast %sub3A_1086 : f32 to vector<16xf32>
        %sub3A_1088 = arith.subf %sub3A_1087, %sub3A_1022 : vector<16xf32>
        %mul3A_1089 = arith.mulf %sub3A_1088, %sub3A_1085 : vector<16xf32>
        %swap3A_1090 = arith.constant 0 : i32
        %swap3A_1091 = arith.index_cast %swap3A_1090 : i32 to index
        %swap3A_1092 = arith.constant 32 : index
        %swap3A_1093 = tpu.vector_load %arg16[%swap3A_1091, %swap3A_1092] {strides = array<i32>} : memref<4x80xf32, #tpu.memory_space<vmem>>, vector<1x16xf32>,
        %swap3A_1094 = vector.shape_cast %swap3A_1093 : vector<1x16xf32> to vector<16xf32>
        %swap3A_1095 = vector.shape_cast %mul3A_1089 : vector<16xf32> to vector<1x16xf32>
        tpu.vector_store %arg16[%swap3A_1091, %swap3A_1092], %swap3A_1095 {strides = array<i32>} : memref<4x80xf32, #tpu.memory_space<vmem>>, vector<1x16xf32>,
        %mul3A_1096 = arith.mulf %sub3A_1088, %sub3A_1021 : vector<16xf32>
        %swap3A_1097 = arith.constant 1 : i32
        %swap3A_1098 = arith.index_cast %swap3A_1097 : i32 to index
        %swap3A_1099 = arith.constant 32 : index
        %swap3A_1100 = tpu.vector_load %arg16[%swap3A_1098, %swap3A_1099] {strides = array<i32>} : memref<4x80xf32, #tpu.memory_space<vmem>>, vector<1x16xf32>,
        %swap3A_1101 = vector.shape_cast %swap3A_1100 : vector<1x16xf32> to vector<16xf32>
        %swap3A_1102 = vector.shape_cast %mul3A_1096 : vector<16xf32> to vector<1x16xf32>
        tpu.vector_store %arg16[%swap3A_1098, %swap3A_1099], %swap3A_1102 {strides = array<i32>} : memref<4x80xf32, #tpu.memory_space<vmem>>, vector<1x16xf32>,
        %mul3A_1103 = arith.mulf %sub3A_1022, %sub3A_1085 : vector<16xf32>
        %swap3A_1104 = arith.constant 2 : i32
        %swap3A_1105 = arith.index_cast %swap3A_1104 : i32 to index
        %swap3A_1106 = arith.constant 32 : index
        %swap3A_1107 = tpu.vector_load %arg16[%swap3A_1105, %swap3A_1106] {strides = array<i32>} : memref<4x80xf32, #tpu.memory_space<vmem>>, vector<1x16xf32>,
        %swap3A_1108 = vector.shape_cast %swap3A_1107 : vector<1x16xf32> to vector<16xf32>
        %swap3A_1109 = vector.shape_cast %mul3A_1103 : vector<16xf32> to vector<1x16xf32>
        tpu.vector_store %arg16[%swap3A_1105, %swap3A_1106], %swap3A_1109 {strides = array<i32>} : memref<4x80xf32, #tpu.memory_space<vmem>>, vector<1x16xf32>,
        %mul3A_1110 = arith.mulf %sub3A_1022, %sub3A_1021 : vector<16xf32>
        %swap3A_1111 = arith.constant 3 : i32
        %swap3A_1112 = arith.index_cast %swap3A_1111 : i32 to index
        %swap3A_1113 = arith.constant 32 : index
        %swap3A_1114 = tpu.vector_load %arg16[%swap3A_1112, %swap3A_1113] {strides = array<i32>} : memref<4x80xf32, #tpu.memory_space<vmem>>, vector<1x16xf32>,
        %swap3A_1115 = vector.shape_cast %swap3A_1114 : vector<1x16xf32> to vector<16xf32>
        %swap3A_1116 = vector.shape_cast %mul3A_1110 : vector<16xf32> to vector<1x16xf32>
        tpu.vector_store %arg16[%swap3A_1112, %swap3A_1113], %swap3A_1116 {strides = array<i32>} : memref<4x80xf32, #tpu.memory_space<vmem>>, vector<1x16xf32>,
        %mul3A_1117 = arith.constant 64 : i32
        %mul3A_1118 = arith.muli %add3A_720, %mul3A_1117 : i32
        %add3A_1119 = arith.constant 48 : i32
        %add3A_1120 = arith.addi %mul3A_1118, %add3A_1119 : i32
        %get3A_1121 = arith.index_cast %add3A_1120 : i32 to index
        %get3A_1122 = tpu.vector_load %arg18[%get3A_1121] {strides = array<i32>} : memref<16384xf32, #tpu.memory_space<vmem>>, vector<16xf32>,
        %get3A_1123 = vector.shape_cast %get3A_1122 : vector<16xf32> to vector<16xf32>
        %mul3A_1124 = arith.constant 5.120000e+02 : f32
        %mul3A_1125 = vector.broadcast %mul3A_1124 : f32 to vector<16xf32>
        %mul3A_1126 = arith.mulf %get3A_1123, %mul3A_1125 : vector<16xf32>
        %sub3A_1127 = arith.constant 5.000000e-01 : f32
        %sub3A_1128 = vector.broadcast %sub3A_1127 : f32 to vector<16xf32>
        %sub3A_1129 = arith.subf %mul3A_1126, %sub3A_1128 : vector<16xf32>
        %get3A_1130 = arith.index_cast %add3A_1120 : i32 to index
        %get3A_1131 = tpu.vector_load %arg19[%get3A_1130] {strides = array<i32>} : memref<16384xf32, #tpu.memory_space<vmem>>, vector<16xf32>,
        %get3A_1132 = vector.shape_cast %get3A_1131 : vector<16xf32> to vector<16xf32>
        %mul3A_1133 = arith.constant 5.120000e+02 : f32
        %mul3A_1134 = vector.broadcast %mul3A_1133 : f32 to vector<16xf32>
        %mul3A_1135 = arith.mulf %get3A_1132, %mul3A_1134 : vector<16xf32>
        %sub3A_1136 = arith.constant 5.000000e-01 : f32
        %sub3A_1137 = vector.broadcast %sub3A_1136 : f32 to vector<16xf32>
        %sub3A_1138 = arith.subf %mul3A_1135, %sub3A_1137 : vector<16xf32>
        %convert_element_type3A_1139 = arith.fptosi %sub3A_1129 : vector<16xf32> to vector<16xi32>
        %convert_element_type3A_1140 = arith.sitofp %convert_element_type3A_1139 : vector<16xi32> to vector<16xf32>
        %lt3A_1141 = arith.cmpf olt, %sub3A_1129, %convert_element_type3A_1140 : vector<16xf32>
        %sub3A_1142 = arith.constant 1.000000e+00 : f32
        %sub3A_1143 = vector.broadcast %sub3A_1142 : f32 to vector<16xf32>
        %sub3A_1144 = arith.subf %convert_element_type3A_1140, %sub3A_1143 : vector<16xf32>
        %select_n3A_1145 = arith.select %lt3A_1141, %sub3A_1144, %convert_element_type3A_1140 : vector<16xi1>, vector<16xf32>
        %convert_element_type3A_1146 = arith.fptosi %sub3A_1138 : vector<16xf32> to vector<16xi32>
        %convert_element_type3A_1147 = arith.sitofp %convert_element_type3A_1146 : vector<16xi32> to vector<16xf32>
        %lt3A_1148 = arith.cmpf olt, %sub3A_1138, %convert_element_type3A_1147 : vector<16xf32>
        %sub3A_1149 = arith.constant 1.000000e+00 : f32
        %sub3A_1150 = vector.broadcast %sub3A_1149 : f32 to vector<16xf32>
        %sub3A_1151 = arith.subf %convert_element_type3A_1147, %sub3A_1150 : vector<16xf32>
        %select_n3A_1152 = arith.select %lt3A_1148, %sub3A_1151, %convert_element_type3A_1147 : vector<16xi1>, vector<16xf32>
        %sub3A_1153 = arith.subf %sub3A_1129, %select_n3A_1145 : vector<16xf32>
        %sub3A_1154 = arith.subf %sub3A_1138, %select_n3A_1152 : vector<16xf32>
        %convert_element_type3A_1155 = arith.fptosi %select_n3A_1145 : vector<16xf32> to vector<16xi32>
        %min3A_1156 = arith.constant 511 : i32
        %min3A_1157 = vector.broadcast %min3A_1156 : i32 to vector<16xi32>
        %min3A_1158 = arith.minsi %convert_element_type3A_1155, %min3A_1157 : vector<16xi32>
        %max3A_1159 = arith.constant 0 : i32
        %max3A_1160 = vector.broadcast %max3A_1159 : i32 to vector<16xi32>
        %max3A_1161 = arith.maxsi %min3A_1158, %max3A_1160 : vector<16xi32>
        %convert_element_type3A_1162 = arith.fptosi %select_n3A_1152 : vector<16xf32> to vector<16xi32>
        %min3A_1163 = arith.constant 511 : i32
        %min3A_1164 = vector.broadcast %min3A_1163 : i32 to vector<16xi32>
        %min3A_1165 = arith.minsi %convert_element_type3A_1162, %min3A_1164 : vector<16xi32>
        %max3A_1166 = arith.constant 0 : i32
        %max3A_1167 = vector.broadcast %max3A_1166 : i32 to vector<16xi32>
        %max3A_1168 = arith.maxsi %min3A_1165, %max3A_1167 : vector<16xi32>
        %add3A_1169 = arith.constant 1 : i32
        %add3A_1170 = vector.broadcast %add3A_1169 : i32 to vector<16xi32>
        %add3A_1171 = arith.addi %max3A_1161, %add3A_1170 : vector<16xi32>
        %min3A_1172 = arith.constant 511 : i32
        %min3A_1173 = vector.broadcast %min3A_1172 : i32 to vector<16xi32>
        %min3A_1174 = arith.minsi %add3A_1171, %min3A_1173 : vector<16xi32>
        %add3A_1175 = arith.constant 1 : i32
        %add3A_1176 = vector.broadcast %add3A_1175 : i32 to vector<16xi32>
        %add3A_1177 = arith.addi %max3A_1168, %add3A_1176 : vector<16xi32>
        %min3A_1178 = arith.constant 511 : i32
        %min3A_1179 = vector.broadcast %min3A_1178 : i32 to vector<16xi32>
        %min3A_1180 = arith.minsi %add3A_1177, %min3A_1179 : vector<16xi32>
        %mul3A_1181 = arith.constant 512 : i32
        %mul3A_1182 = vector.broadcast %mul3A_1181 : i32 to vector<16xi32>
        %mul3A_1183 = arith.muli %max3A_1168, %mul3A_1182 : vector<16xi32>
        %mul3A_1184 = arith.constant 512 : i32
        %mul3A_1185 = vector.broadcast %mul3A_1184 : i32 to vector<16xi32>
        %mul3A_1186 = arith.muli %min3A_1180, %mul3A_1185 : vector<16xi32>
        %add3A_1187 = arith.addi %mul3A_1183, %max3A_1161 : vector<16xi32>
        %swap3A_1188 = arith.constant 0 : i32
        %swap3A_1189 = arith.index_cast %swap3A_1188 : i32 to index
        %swap3A_1190 = arith.constant 48 : index
        %swap3A_1191 = tpu.vector_load %arg8[%swap3A_1189, %swap3A_1190] {strides = array<i32>} : memref<4x64xi32, #tpu.memory_space<vmem>>, vector<1x16xi32>,
        %swap3A_1192 = vector.shape_cast %swap3A_1191 : vector<1x16xi32> to vector<16xi32>
        %swap3A_1193 = vector.shape_cast %add3A_1187 : vector<16xi32> to vector<1x16xi32>
        tpu.vector_store %arg8[%swap3A_1189, %swap3A_1190], %swap3A_1193 {strides = array<i32>} : memref<4x64xi32, #tpu.memory_space<vmem>>, vector<1x16xi32>,
        %add3A_1194 = arith.addi %mul3A_1183, %min3A_1174 : vector<16xi32>
        %swap3A_1195 = arith.constant 1 : i32
        %swap3A_1196 = arith.index_cast %swap3A_1195 : i32 to index
        %swap3A_1197 = arith.constant 48 : index
        %swap3A_1198 = tpu.vector_load %arg8[%swap3A_1196, %swap3A_1197] {strides = array<i32>} : memref<4x64xi32, #tpu.memory_space<vmem>>, vector<1x16xi32>,
        %swap3A_1199 = vector.shape_cast %swap3A_1198 : vector<1x16xi32> to vector<16xi32>
        %swap3A_1200 = vector.shape_cast %add3A_1194 : vector<16xi32> to vector<1x16xi32>
        tpu.vector_store %arg8[%swap3A_1196, %swap3A_1197], %swap3A_1200 {strides = array<i32>} : memref<4x64xi32, #tpu.memory_space<vmem>>, vector<1x16xi32>,
        %add3A_1201 = arith.addi %mul3A_1186, %max3A_1161 : vector<16xi32>
        %swap3A_1202 = arith.constant 2 : i32
        %swap3A_1203 = arith.index_cast %swap3A_1202 : i32 to index
        %swap3A_1204 = arith.constant 48 : index
        %swap3A_1205 = tpu.vector_load %arg8[%swap3A_1203, %swap3A_1204] {strides = array<i32>} : memref<4x64xi32, #tpu.memory_space<vmem>>, vector<1x16xi32>,
        %swap3A_1206 = vector.shape_cast %swap3A_1205 : vector<1x16xi32> to vector<16xi32>
        %swap3A_1207 = vector.shape_cast %add3A_1201 : vector<16xi32> to vector<1x16xi32>
        tpu.vector_store %arg8[%swap3A_1203, %swap3A_1204], %swap3A_1207 {strides = array<i32>} : memref<4x64xi32, #tpu.memory_space<vmem>>, vector<1x16xi32>,
        %add3A_1208 = arith.addi %mul3A_1186, %min3A_1174 : vector<16xi32>
        %swap3A_1209 = arith.constant 3 : i32
        %swap3A_1210 = arith.index_cast %swap3A_1209 : i32 to index
        %swap3A_1211 = arith.constant 48 : index
        %swap3A_1212 = tpu.vector_load %arg8[%swap3A_1210, %swap3A_1211] {strides = array<i32>} : memref<4x64xi32, #tpu.memory_space<vmem>>, vector<1x16xi32>,
        %swap3A_1213 = vector.shape_cast %swap3A_1212 : vector<1x16xi32> to vector<16xi32>
        %swap3A_1214 = vector.shape_cast %add3A_1208 : vector<16xi32> to vector<1x16xi32>
        tpu.vector_store %arg8[%swap3A_1210, %swap3A_1211], %swap3A_1214 {strides = array<i32>} : memref<4x64xi32, #tpu.memory_space<vmem>>, vector<1x16xi32>,
        %sub3A_1215 = arith.constant 1.000000e+00 : f32
        %sub3A_1216 = vector.broadcast %sub3A_1215 : f32 to vector<16xf32>
        %sub3A_1217 = arith.subf %sub3A_1216, %sub3A_1153 : vector<16xf32>
        %sub3A_1218 = arith.constant 1.000000e+00 : f32
        %sub3A_1219 = vector.broadcast %sub3A_1218 : f32 to vector<16xf32>
        %sub3A_1220 = arith.subf %sub3A_1219, %sub3A_1154 : vector<16xf32>
        %mul3A_1221 = arith.mulf %sub3A_1220, %sub3A_1217 : vector<16xf32>
        %swap3A_1222 = arith.constant 0 : i32
        %swap3A_1223 = arith.index_cast %swap3A_1222 : i32 to index
        %swap3A_1224 = arith.constant 48 : index
        %swap3A_1225 = tpu.vector_load %arg16[%swap3A_1223, %swap3A_1224] {strides = array<i32>} : memref<4x80xf32, #tpu.memory_space<vmem>>, vector<1x16xf32>,
        %swap3A_1226 = vector.shape_cast %swap3A_1225 : vector<1x16xf32> to vector<16xf32>
        %swap3A_1227 = vector.shape_cast %mul3A_1221 : vector<16xf32> to vector<1x16xf32>
        tpu.vector_store %arg16[%swap3A_1223, %swap3A_1224], %swap3A_1227 {strides = array<i32>} : memref<4x80xf32, #tpu.memory_space<vmem>>, vector<1x16xf32>,
        %mul3A_1228 = arith.mulf %sub3A_1220, %sub3A_1153 : vector<16xf32>
        %swap3A_1229 = arith.constant 1 : i32
        %swap3A_1230 = arith.index_cast %swap3A_1229 : i32 to index
        %swap3A_1231 = arith.constant 48 : index
        %swap3A_1232 = tpu.vector_load %arg16[%swap3A_1230, %swap3A_1231] {strides = array<i32>} : memref<4x80xf32, #tpu.memory_space<vmem>>, vector<1x16xf32>,
        %swap3A_1233 = vector.shape_cast %swap3A_1232 : vector<1x16xf32> to vector<16xf32>
        %swap3A_1234 = vector.shape_cast %mul3A_1228 : vector<16xf32> to vector<1x16xf32>
        tpu.vector_store %arg16[%swap3A_1230, %swap3A_1231], %swap3A_1234 {strides = array<i32>} : memref<4x80xf32, #tpu.memory_space<vmem>>, vector<1x16xf32>,
        %mul3A_1235 = arith.mulf %sub3A_1154, %sub3A_1217 : vector<16xf32>
        %swap3A_1236 = arith.constant 2 : i32
        %swap3A_1237 = arith.index_cast %swap3A_1236 : i32 to index
        %swap3A_1238 = arith.constant 48 : index
        %swap3A_1239 = tpu.vector_load %arg16[%swap3A_1237, %swap3A_1238] {strides = array<i32>} : memref<4x80xf32, #tpu.memory_space<vmem>>, vector<1x16xf32>,
        %swap3A_1240 = vector.shape_cast %swap3A_1239 : vector<1x16xf32> to vector<16xf32>
        %swap3A_1241 = vector.shape_cast %mul3A_1235 : vector<16xf32> to vector<1x16xf32>
        tpu.vector_store %arg16[%swap3A_1237, %swap3A_1238], %swap3A_1241 {strides = array<i32>} : memref<4x80xf32, #tpu.memory_space<vmem>>, vector<1x16xf32>,
        %mul3A_1242 = arith.mulf %sub3A_1154, %sub3A_1153 : vector<16xf32>
        %swap3A_1243 = arith.constant 3 : i32
        %swap3A_1244 = arith.index_cast %swap3A_1243 : i32 to index
        %swap3A_1245 = arith.constant 48 : index
        %swap3A_1246 = tpu.vector_load %arg16[%swap3A_1244, %swap3A_1245] {strides = array<i32>} : memref<4x80xf32, #tpu.memory_space<vmem>>, vector<1x16xf32>,
        %swap3A_1247 = vector.shape_cast %swap3A_1246 : vector<1x16xf32> to vector<16xf32>
        %swap3A_1248 = vector.shape_cast %mul3A_1242 : vector<16xf32> to vector<1x16xf32>
        tpu.vector_store %arg16[%swap3A_1244, %swap3A_1245], %swap3A_1248 {strides = array<i32>} : memref<4x80xf32, #tpu.memory_space<vmem>>, vector<1x16xf32>,
        %dma_start3A_1249 = arith.constant 0 : i32
        %dma_start3A_1250 = arith.constant 0 : i32
        %dma_start3A_1251 = arith.constant 0 : i32
        %dma_start3A_1252 = arith.constant 0 : i32
        %dma_start3A_1253 = tpu.memref_slice %arg14[%dma_start3A_1250, %dma_start3A_1251, %dma_start3A_1252] : memref<4x64x128xf32, #tpu.memory_space<vmem>> -> memref<1x64x128xf32, #tpu.memory_space<vmem>>
        %dma_start3A_1254 = tpu.memref_squeeze %dma_start3A_1253 : memref<1x64x128xf32, #tpu.memory_space<vmem>> -> memref<64x128xf32, #tpu.memory_space<vmem>>
        %dma_start3A_1255 = arith.constant 0 : i32
        %dma_start3A_1256 = tpu.memref_slice %arg8[%dma_start3A_1249, %dma_start3A_1255] : memref<4x64xi32, #tpu.memory_space<vmem>> -> memref<1x64xi32, #tpu.memory_space<vmem>>
        %dma_start3A_1257 = tpu.memref_squeeze %dma_start3A_1256 : memref<1x64xi32, #tpu.memory_space<vmem>> -> memref<64xi32, #tpu.memory_space<vmem>>
        %dma_start3A_1258 = arith.constant 0 : i32
        %dma_start3A_1259 = arith.constant 0 : i32
        %dma_start3A_1260 = tpu.memref_slice %arg2[%dma_start3A_1258, %dma_start3A_1259] : memref<262144x128xf32, #tpu.memory_space<hbm>> -> memref<262144x128xf32, #tpu.memory_space<hbm>>
        tpu.enqueue_indirect_dma source(%dma_start3A_1260 : memref<262144x128xf32, #tpu.memory_space<hbm>>) target(%dma_start3A_1254 : memref<64x128xf32, #tpu.memory_space<vmem>>) offsets(%dma_start3A_1257 : memref<64xi32, #tpu.memory_space<vmem>>) semaphore(%arg6 : memref<!tpu.dma_semaphore, #tpu.memory_space<semaphore_mem>>)
        %dma_start3A_1261 = arith.constant 1 : i32
        %dma_start3A_1262 = arith.constant 1 : i32
        %dma_start3A_1263 = arith.constant 0 : i32
        %dma_start3A_1264 = arith.constant 0 : i32
        %dma_start3A_1265 = tpu.memref_slice %arg14[%dma_start3A_1262, %dma_start3A_1263, %dma_start3A_1264] : memref<4x64x128xf32, #tpu.memory_space<vmem>> -> memref<1x64x128xf32, #tpu.memory_space<vmem>>
        %dma_start3A_1266 = tpu.memref_squeeze %dma_start3A_1265 : memref<1x64x128xf32, #tpu.memory_space<vmem>> -> memref<64x128xf32, #tpu.memory_space<vmem>>
        %dma_start3A_1267 = arith.constant 0 : i32
        %dma_start3A_1268 = tpu.memref_slice %arg8[%dma_start3A_1261, %dma_start3A_1267] : memref<4x64xi32, #tpu.memory_space<vmem>> -> memref<1x64xi32, #tpu.memory_space<vmem>>
        %dma_start3A_1269 = tpu.memref_squeeze %dma_start3A_1268 : memref<1x64xi32, #tpu.memory_space<vmem>> -> memref<64xi32, #tpu.memory_space<vmem>>
        %dma_start3A_1270 = arith.constant 0 : i32
        %dma_start3A_1271 = arith.constant 0 : i32
        %dma_start3A_1272 = tpu.memref_slice %arg2[%dma_start3A_1270, %dma_start3A_1271] : memref<262144x128xf32, #tpu.memory_space<hbm>> -> memref<262144x128xf32, #tpu.memory_space<hbm>>
        tpu.enqueue_indirect_dma source(%dma_start3A_1272 : memref<262144x128xf32, #tpu.memory_space<hbm>>) target(%dma_start3A_1266 : memref<64x128xf32, #tpu.memory_space<vmem>>) offsets(%dma_start3A_1269 : memref<64xi32, #tpu.memory_space<vmem>>) semaphore(%arg6 : memref<!tpu.dma_semaphore, #tpu.memory_space<semaphore_mem>>)
        %dma_start3A_1273 = arith.constant 2 : i32
        %dma_start3A_1274 = arith.constant 2 : i32
        %dma_start3A_1275 = arith.constant 0 : i32
        %dma_start3A_1276 = arith.constant 0 : i32
        %dma_start3A_1277 = tpu.memref_slice %arg14[%dma_start3A_1274, %dma_start3A_1275, %dma_start3A_1276] : memref<4x64x128xf32, #tpu.memory_space<vmem>> -> memref<1x64x128xf32, #tpu.memory_space<vmem>>
        %dma_start3A_1278 = tpu.memref_squeeze %dma_start3A_1277 : memref<1x64x128xf32, #tpu.memory_space<vmem>> -> memref<64x128xf32, #tpu.memory_space<vmem>>
        %dma_start3A_1279 = arith.constant 0 : i32
        %dma_start3A_1280 = tpu.memref_slice %arg8[%dma_start3A_1273, %dma_start3A_1279] : memref<4x64xi32, #tpu.memory_space<vmem>> -> memref<1x64xi32, #tpu.memory_space<vmem>>
        %dma_start3A_1281 = tpu.memref_squeeze %dma_start3A_1280 : memref<1x64xi32, #tpu.memory_space<vmem>> -> memref<64xi32, #tpu.memory_space<vmem>>
        %dma_start3A_1282 = arith.constant 0 : i32
        %dma_start3A_1283 = arith.constant 0 : i32
        %dma_start3A_1284 = tpu.memref_slice %arg2[%dma_start3A_1282, %dma_start3A_1283] : memref<262144x128xf32, #tpu.memory_space<hbm>> -> memref<262144x128xf32, #tpu.memory_space<hbm>>
        tpu.enqueue_indirect_dma source(%dma_start3A_1284 : memref<262144x128xf32, #tpu.memory_space<hbm>>) target(%dma_start3A_1278 : memref<64x128xf32, #tpu.memory_space<vmem>>) offsets(%dma_start3A_1281 : memref<64xi32, #tpu.memory_space<vmem>>) semaphore(%arg6 : memref<!tpu.dma_semaphore, #tpu.memory_space<semaphore_mem>>)
        %dma_start3A_1285 = arith.constant 3 : i32
        %dma_start3A_1286 = arith.constant 3 : i32
        %dma_start3A_1287 = arith.constant 0 : i32
        %dma_start3A_1288 = arith.constant 0 : i32
        %dma_start3A_1289 = tpu.memref_slice %arg14[%dma_start3A_1286, %dma_start3A_1287, %dma_start3A_1288] : memref<4x64x128xf32, #tpu.memory_space<vmem>> -> memref<1x64x128xf32, #tpu.memory_space<vmem>>
        %dma_start3A_1290 = tpu.memref_squeeze %dma_start3A_1289 : memref<1x64x128xf32, #tpu.memory_space<vmem>> -> memref<64x128xf32, #tpu.memory_space<vmem>>
        %dma_start3A_1291 = arith.constant 0 : i32
        %dma_start3A_1292 = tpu.memref_slice %arg8[%dma_start3A_1285, %dma_start3A_1291] : memref<4x64xi32, #tpu.memory_space<vmem>> -> memref<1x64xi32, #tpu.memory_space<vmem>>
        %dma_start3A_1293 = tpu.memref_squeeze %dma_start3A_1292 : memref<1x64xi32, #tpu.memory_space<vmem>> -> memref<64xi32, #tpu.memory_space<vmem>>
        %dma_start3A_1294 = arith.constant 0 : i32
        %dma_start3A_1295 = arith.constant 0 : i32
        %dma_start3A_1296 = tpu.memref_slice %arg2[%dma_start3A_1294, %dma_start3A_1295] : memref<262144x128xf32, #tpu.memory_space<hbm>> -> memref<262144x128xf32, #tpu.memory_space<hbm>>
        tpu.enqueue_indirect_dma source(%dma_start3A_1296 : memref<262144x128xf32, #tpu.memory_space<hbm>>) target(%dma_start3A_1290 : memref<64x128xf32, #tpu.memory_space<vmem>>) offsets(%dma_start3A_1293 : memref<64xi32, #tpu.memory_space<vmem>>) semaphore(%arg6 : memref<!tpu.dma_semaphore, #tpu.memory_space<semaphore_mem>>)
      } else {
      }
      %dma_wait3A_653 = arith.constant 0 : i32
      %dma_wait3A_654 = arith.constant 0 : i32
      %dma_wait3A_655 = arith.constant 0 : i32
      %dma_wait3A_656 = arith.constant 0 : i32
      %dma_wait3A_657 = tpu.memref_slice %arg15[%dma_wait3A_654, %dma_wait3A_655, %dma_wait3A_656] : memref<4x64x128xf32, #tpu.memory_space<vmem>> -> memref<1x64x128xf32, #tpu.memory_space<vmem>>
      %dma_wait3A_658 = tpu.memref_squeeze %dma_wait3A_657 : memref<1x64x128xf32, #tpu.memory_space<vmem>> -> memref<64x128xf32, #tpu.memory_space<vmem>>
      %dma_wait3A_659 = arith.constant 0 : i32
      %dma_wait3A_660 = tpu.memref_slice %arg9[%dma_wait3A_653, %dma_wait3A_659] : memref<4x64xi32, #tpu.memory_space<vmem>> -> memref<1x64xi32, #tpu.memory_space<vmem>>
      %dma_wait3A_661 = tpu.memref_squeeze %dma_wait3A_660 : memref<1x64xi32, #tpu.memory_space<vmem>> -> memref<64xi32, #tpu.memory_space<vmem>>
      %dma_wait3A_662 = arith.constant 0 : i32
      %dma_wait3A_663 = arith.constant 0 : i32
      %dma_wait3A_664 = tpu.memref_slice %arg2[%dma_wait3A_662, %dma_wait3A_663] : memref<262144x128xf32, #tpu.memory_space<hbm>> -> memref<262144x128xf32, #tpu.memory_space<hbm>>
      tpu.wait_indirect_dma semaphore(%arg7 : memref<!tpu.dma_semaphore, #tpu.memory_space<semaphore_mem>>) src(%dma_wait3A_664 : memref<262144x128xf32, #tpu.memory_space<hbm>>) dst(%dma_wait3A_658 : memref<64x128xf32, #tpu.memory_space<vmem>>)
      %dma_wait3A_665 = arith.constant 1 : i32
      %dma_wait3A_666 = arith.constant 1 : i32
      %dma_wait3A_667 = arith.constant 0 : i32
      %dma_wait3A_668 = arith.constant 0 : i32
      %dma_wait3A_669 = tpu.memref_slice %arg15[%dma_wait3A_666, %dma_wait3A_667, %dma_wait3A_668] : memref<4x64x128xf32, #tpu.memory_space<vmem>> -> memref<1x64x128xf32, #tpu.memory_space<vmem>>
      %dma_wait3A_670 = tpu.memref_squeeze %dma_wait3A_669 : memref<1x64x128xf32, #tpu.memory_space<vmem>> -> memref<64x128xf32, #tpu.memory_space<vmem>>
      %dma_wait3A_671 = arith.constant 0 : i32
      %dma_wait3A_672 = tpu.memref_slice %arg9[%dma_wait3A_665, %dma_wait3A_671] : memref<4x64xi32, #tpu.memory_space<vmem>> -> memref<1x64xi32, #tpu.memory_space<vmem>>
      %dma_wait3A_673 = tpu.memref_squeeze %dma_wait3A_672 : memref<1x64xi32, #tpu.memory_space<vmem>> -> memref<64xi32, #tpu.memory_space<vmem>>
      %dma_wait3A_674 = arith.constant 0 : i32
      %dma_wait3A_675 = arith.constant 0 : i32
      %dma_wait3A_676 = tpu.memref_slice %arg2[%dma_wait3A_674, %dma_wait3A_675] : memref<262144x128xf32, #tpu.memory_space<hbm>> -> memref<262144x128xf32, #tpu.memory_space<hbm>>
      tpu.wait_indirect_dma semaphore(%arg7 : memref<!tpu.dma_semaphore, #tpu.memory_space<semaphore_mem>>) src(%dma_wait3A_676 : memref<262144x128xf32, #tpu.memory_space<hbm>>) dst(%dma_wait3A_670 : memref<64x128xf32, #tpu.memory_space<vmem>>)
      %dma_wait3A_677 = arith.constant 2 : i32
      %dma_wait3A_678 = arith.constant 2 : i32
      %dma_wait3A_679 = arith.constant 0 : i32
      %dma_wait3A_680 = arith.constant 0 : i32
      %dma_wait3A_681 = tpu.memref_slice %arg15[%dma_wait3A_678, %dma_wait3A_679, %dma_wait3A_680] : memref<4x64x128xf32, #tpu.memory_space<vmem>> -> memref<1x64x128xf32, #tpu.memory_space<vmem>>
      %dma_wait3A_682 = tpu.memref_squeeze %dma_wait3A_681 : memref<1x64x128xf32, #tpu.memory_space<vmem>> -> memref<64x128xf32, #tpu.memory_space<vmem>>
      %dma_wait3A_683 = arith.constant 0 : i32
      %dma_wait3A_684 = tpu.memref_slice %arg9[%dma_wait3A_677, %dma_wait3A_683] : memref<4x64xi32, #tpu.memory_space<vmem>> -> memref<1x64xi32, #tpu.memory_space<vmem>>
      %dma_wait3A_685 = tpu.memref_squeeze %dma_wait3A_684 : memref<1x64xi32, #tpu.memory_space<vmem>> -> memref<64xi32, #tpu.memory_space<vmem>>
      %dma_wait3A_686 = arith.constant 0 : i32
      %dma_wait3A_687 = arith.constant 0 : i32
      %dma_wait3A_688 = tpu.memref_slice %arg2[%dma_wait3A_686, %dma_wait3A_687] : memref<262144x128xf32, #tpu.memory_space<hbm>> -> memref<262144x128xf32, #tpu.memory_space<hbm>>
      tpu.wait_indirect_dma semaphore(%arg7 : memref<!tpu.dma_semaphore, #tpu.memory_space<semaphore_mem>>) src(%dma_wait3A_688 : memref<262144x128xf32, #tpu.memory_space<hbm>>) dst(%dma_wait3A_682 : memref<64x128xf32, #tpu.memory_space<vmem>>)
      %dma_wait3A_689 = arith.constant 3 : i32
      %dma_wait3A_690 = arith.constant 3 : i32
      %dma_wait3A_691 = arith.constant 0 : i32
      %dma_wait3A_692 = arith.constant 0 : i32
      %dma_wait3A_693 = tpu.memref_slice %arg15[%dma_wait3A_690, %dma_wait3A_691, %dma_wait3A_692] : memref<4x64x128xf32, #tpu.memory_space<vmem>> -> memref<1x64x128xf32, #tpu.memory_space<vmem>>
      %dma_wait3A_694 = tpu.memref_squeeze %dma_wait3A_693 : memref<1x64x128xf32, #tpu.memory_space<vmem>> -> memref<64x128xf32, #tpu.memory_space<vmem>>
      %dma_wait3A_695 = arith.constant 0 : i32
      %dma_wait3A_696 = tpu.memref_slice %arg9[%dma_wait3A_689, %dma_wait3A_695] : memref<4x64xi32, #tpu.memory_space<vmem>> -> memref<1x64xi32, #tpu.memory_space<vmem>>
      %dma_wait3A_697 = tpu.memref_squeeze %dma_wait3A_696 : memref<1x64xi32, #tpu.memory_space<vmem>> -> memref<64xi32, #tpu.memory_space<vmem>>
      %dma_wait3A_698 = arith.constant 0 : i32
      %dma_wait3A_699 = arith.constant 0 : i32
      %dma_wait3A_700 = tpu.memref_slice %arg2[%dma_wait3A_698, %dma_wait3A_699] : memref<262144x128xf32, #tpu.memory_space<hbm>> -> memref<262144x128xf32, #tpu.memory_space<hbm>>
      tpu.wait_indirect_dma semaphore(%arg7 : memref<!tpu.dma_semaphore, #tpu.memory_space<semaphore_mem>>) src(%dma_wait3A_700 : memref<262144x128xf32, #tpu.memory_space<hbm>>) dst(%dma_wait3A_694 : memref<64x128xf32, #tpu.memory_space<vmem>>)
      %ge3A_701 = arith.constant 2 : i32
      %ge3A_702 = arith.cmpi sge, %add3A_645, %ge3A_701 : i32
      %convert_element_type3A_703 = arith.extui %ge3A_702 : i1 to i32
      %cond3A_704 = arith.constant 0 : i32
      %cond3A_705 = arith.cmpi ne, %convert_element_type3A_703, %cond3A_704 : i32
      scf.if %cond3A_705 {
        %dma_wait3A_719 = arith.constant 0 : i32
        %dma_wait3A_720 = tpu.memref_slice %arg5[%mul3A_2, %dma_wait3A_719] : memref<524288x128xf32, #tpu.memory_space<hbm>> -> memref<64x128xf32, #tpu.memory_space<hbm>>
        %dma_wait3A_721 = arith.constant 0 : i32
        %dma_wait3A_722 = tpu.memref_slice %arg5[%mul3A_2, %dma_wait3A_721] : memref<524288x128xf32, #tpu.memory_space<hbm>> -> memref<64x128xf32, #tpu.memory_space<hbm>>
        tpu.wait_dma2 semaphore(%arg11 : memref<!tpu.dma_semaphore, #tpu.memory_space<semaphore_mem>>) src(%arg13 : memref<64x128xf32, #tpu.memory_space<vmem>>) dst(%dma_wait3A_722 : memref<64x128xf32, #tpu.memory_space<hbm>>)
      } else {
      }
      %scan3A_706 = arith.constant 0 : i32
      %scan3A_707 = arith.constant 0 : i32
      %scan3A_708 = arith.constant 64 : i32
      %scan3A_709 = arith.addi %scan3A_707, %scan3A_708 : i32
      %scan3A_710 = arith.constant 1 : i32
      scf.for %scan3A_719 = %scan3A_707 to %scan3A_709 step %scan3A_710  : i32 {
        %get3A_720 = arith.constant 0 : i32
        %get3A_721 = arith.index_cast %get3A_720 : i32 to index
        %get3A_722 = arith.index_cast %scan3A_719 : i32 to index
        %get3A_723 = tpu.vector_load %arg17[%get3A_721, %get3A_722] {strides = array<i32>} : memref<4x80xf32, #tpu.memory_space<vmem>>, vector<1x16xf32>,
        %get3A_724 = vector.shape_cast %get3A_723 : vector<1x16xf32> to vector<16xf32>
        %slice3A = vector.extract_strided_slice %get3A_724 {offsets = [0], sizes = [1], strides = [1]} : vector<16xf32> to vector<1xf32>
        %squeeze3A = vector.extract %slice3A[0] : f32 from vector<1xf32>
        %get3A_725 = arith.constant 1 : i32
        %get3A_726 = arith.index_cast %get3A_725 : i32 to index
        %get3A_727 = arith.index_cast %scan3A_719 : i32 to index
        %get3A_728 = tpu.vector_load %arg17[%get3A_726, %get3A_727] {strides = array<i32>} : memref<4x80xf32, #tpu.memory_space<vmem>>, vector<1x16xf32>,
        %get3A_729 = vector.shape_cast %get3A_728 : vector<1x16xf32> to vector<16xf32>
        %slice3A_730 = vector.extract_strided_slice %get3A_729 {offsets = [0], sizes = [1], strides = [1]} : vector<16xf32> to vector<1xf32>
        %squeeze3A_731 = vector.extract %slice3A_730[0] : f32 from vector<1xf32>
        %get3A_732 = arith.constant 2 : i32
        %get3A_733 = arith.index_cast %get3A_732 : i32 to index
        %get3A_734 = arith.index_cast %scan3A_719 : i32 to index
        %get3A_735 = tpu.vector_load %arg17[%get3A_733, %get3A_734] {strides = array<i32>} : memref<4x80xf32, #tpu.memory_space<vmem>>, vector<1x16xf32>,
        %get3A_736 = vector.shape_cast %get3A_735 : vector<1x16xf32> to vector<16xf32>
        %slice3A_737 = vector.extract_strided_slice %get3A_736 {offsets = [0], sizes = [1], strides = [1]} : vector<16xf32> to vector<1xf32>
        %squeeze3A_738 = vector.extract %slice3A_737[0] : f32 from vector<1xf32>
        %get3A_739 = arith.constant 3 : i32
        %get3A_740 = arith.index_cast %get3A_739 : i32 to index
        %get3A_741 = arith.index_cast %scan3A_719 : i32 to index
        %get3A_742 = tpu.vector_load %arg17[%get3A_740, %get3A_741] {strides = array<i32>} : memref<4x80xf32, #tpu.memory_space<vmem>>, vector<1x16xf32>,
        %get3A_743 = vector.shape_cast %get3A_742 : vector<1x16xf32> to vector<16xf32>
        %slice3A_744 = vector.extract_strided_slice %get3A_743 {offsets = [0], sizes = [1], strides = [1]} : vector<16xf32> to vector<1xf32>
        %squeeze3A_745 = vector.extract %slice3A_744[0] : f32 from vector<1xf32>
        %get3A_746 = arith.constant 0 : i32
        %get3A_747 = arith.index_cast %get3A_746 : i32 to index
        %get3A_748 = arith.index_cast %scan3A_719 : i32 to index
        %get3A_749 = arith.constant 0 : index
        %get3A_750 = tpu.vector_load %arg15[%get3A_747, %get3A_748, %get3A_749] {strides = array<i32>} : memref<4x64x128xf32, #tpu.memory_space<vmem>>, vector<1x1x16xf32>,
        %get3A_751 = vector.shape_cast %get3A_750 : vector<1x1x16xf32> to vector<16xf32>
        %mul3A_752 = vector.broadcast %squeeze3A : f32 to vector<16xf32>
        %mul3A_753 = arith.mulf %mul3A_752, %get3A_751 : vector<16xf32>
        %get3A_754 = arith.constant 1 : i32
        %get3A_755 = arith.index_cast %get3A_754 : i32 to index
        %get3A_756 = arith.index_cast %scan3A_719 : i32 to index
        %get3A_757 = arith.constant 0 : index
        %get3A_758 = tpu.vector_load %arg15[%get3A_755, %get3A_756, %get3A_757] {strides = array<i32>} : memref<4x64x128xf32, #tpu.memory_space<vmem>>, vector<1x1x16xf32>,
        %get3A_759 = vector.shape_cast %get3A_758 : vector<1x1x16xf32> to vector<16xf32>
        %mul3A_760 = vector.broadcast %squeeze3A_731 : f32 to vector<16xf32>
        %mul3A_761 = arith.mulf %mul3A_760, %get3A_759 : vector<16xf32>
        %add3A_762 = arith.addf %mul3A_753, %mul3A_761 : vector<16xf32>
        %get3A_763 = arith.constant 2 : i32
        %get3A_764 = arith.index_cast %get3A_763 : i32 to index
        %get3A_765 = arith.index_cast %scan3A_719 : i32 to index
        %get3A_766 = arith.constant 0 : index
        %get3A_767 = tpu.vector_load %arg15[%get3A_764, %get3A_765, %get3A_766] {strides = array<i32>} : memref<4x64x128xf32, #tpu.memory_space<vmem>>, vector<1x1x16xf32>,
        %get3A_768 = vector.shape_cast %get3A_767 : vector<1x1x16xf32> to vector<16xf32>
        %mul3A_769 = vector.broadcast %squeeze3A_738 : f32 to vector<16xf32>
        %mul3A_770 = arith.mulf %mul3A_769, %get3A_768 : vector<16xf32>
        %add3A_771 = arith.addf %add3A_762, %mul3A_770 : vector<16xf32>
        %get3A_772 = arith.constant 3 : i32
        %get3A_773 = arith.index_cast %get3A_772 : i32 to index
        %get3A_774 = arith.index_cast %scan3A_719 : i32 to index
        %get3A_775 = arith.constant 0 : index
        %get3A_776 = tpu.vector_load %arg15[%get3A_773, %get3A_774, %get3A_775] {strides = array<i32>} : memref<4x64x128xf32, #tpu.memory_space<vmem>>, vector<1x1x16xf32>,
        %get3A_777 = vector.shape_cast %get3A_776 : vector<1x1x16xf32> to vector<16xf32>
        %mul3A_778 = vector.broadcast %squeeze3A_745 : f32 to vector<16xf32>
        %mul3A_779 = arith.mulf %mul3A_778, %get3A_777 : vector<16xf32>
        %add3A_780 = arith.addf %add3A_771, %mul3A_779 : vector<16xf32>
        %swap3A_781 = arith.index_cast %scan3A_719 : i32 to index
        %swap3A_782 = arith.constant 0 : index
        %swap3A_783 = tpu.vector_load %arg13[%swap3A_781, %swap3A_782] {strides = array<i32>} : memref<64x128xf32, #tpu.memory_space<vmem>>, vector<1x16xf32>,
        %swap3A_784 = vector.shape_cast %swap3A_783 : vector<1x16xf32> to vector<16xf32>
        %swap3A_785 = vector.shape_cast %add3A_780 : vector<16xf32> to vector<1x16xf32>
        tpu.vector_store %arg13[%swap3A_781, %swap3A_782], %swap3A_785 {strides = array<i32>} : memref<64x128xf32, #tpu.memory_space<vmem>>, vector<1x16xf32>,
        %get3A_786 = arith.constant 0 : i32
        %get3A_787 = arith.index_cast %get3A_786 : i32 to index
        %get3A_788 = arith.index_cast %scan3A_719 : i32 to index
        %get3A_789 = arith.constant 16 : index
        %get3A_790 = tpu.vector_load %arg15[%get3A_787, %get3A_788, %get3A_789] {strides = array<i32>} : memref<4x64x128xf32, #tpu.memory_space<vmem>>, vector<1x1x16xf32>,
        %get3A_791 = vector.shape_cast %get3A_790 : vector<1x1x16xf32> to vector<16xf32>
        %mul3A_792 = vector.broadcast %squeeze3A : f32 to vector<16xf32>
        %mul3A_793 = arith.mulf %mul3A_792, %get3A_791 : vector<16xf32>
        %get3A_794 = arith.constant 1 : i32
        %get3A_795 = arith.index_cast %get3A_794 : i32 to index
        %get3A_796 = arith.index_cast %scan3A_719 : i32 to index
        %get3A_797 = arith.constant 16 : index
        %get3A_798 = tpu.vector_load %arg15[%get3A_795, %get3A_796, %get3A_797] {strides = array<i32>} : memref<4x64x128xf32, #tpu.memory_space<vmem>>, vector<1x1x16xf32>,
        %get3A_799 = vector.shape_cast %get3A_798 : vector<1x1x16xf32> to vector<16xf32>
        %mul3A_800 = vector.broadcast %squeeze3A_731 : f32 to vector<16xf32>
        %mul3A_801 = arith.mulf %mul3A_800, %get3A_799 : vector<16xf32>
        %add3A_802 = arith.addf %mul3A_793, %mul3A_801 : vector<16xf32>
        %get3A_803 = arith.constant 2 : i32
        %get3A_804 = arith.index_cast %get3A_803 : i32 to index
        %get3A_805 = arith.index_cast %scan3A_719 : i32 to index
        %get3A_806 = arith.constant 16 : index
        %get3A_807 = tpu.vector_load %arg15[%get3A_804, %get3A_805, %get3A_806] {strides = array<i32>} : memref<4x64x128xf32, #tpu.memory_space<vmem>>, vector<1x1x16xf32>,
        %get3A_808 = vector.shape_cast %get3A_807 : vector<1x1x16xf32> to vector<16xf32>
        %mul3A_809 = vector.broadcast %squeeze3A_738 : f32 to vector<16xf32>
        %mul3A_810 = arith.mulf %mul3A_809, %get3A_808 : vector<16xf32>
        %add3A_811 = arith.addf %add3A_802, %mul3A_810 : vector<16xf32>
        %get3A_812 = arith.constant 3 : i32
        %get3A_813 = arith.index_cast %get3A_812 : i32 to index
        %get3A_814 = arith.index_cast %scan3A_719 : i32 to index
        %get3A_815 = arith.constant 16 : index
        %get3A_816 = tpu.vector_load %arg15[%get3A_813, %get3A_814, %get3A_815] {strides = array<i32>} : memref<4x64x128xf32, #tpu.memory_space<vmem>>, vector<1x1x16xf32>,
        %get3A_817 = vector.shape_cast %get3A_816 : vector<1x1x16xf32> to vector<16xf32>
        %mul3A_818 = vector.broadcast %squeeze3A_745 : f32 to vector<16xf32>
        %mul3A_819 = arith.mulf %mul3A_818, %get3A_817 : vector<16xf32>
        %add3A_820 = arith.addf %add3A_811, %mul3A_819 : vector<16xf32>
        %swap3A_821 = arith.index_cast %scan3A_719 : i32 to index
        %swap3A_822 = arith.constant 16 : index
        %swap3A_823 = tpu.vector_load %arg13[%swap3A_821, %swap3A_822] {strides = array<i32>} : memref<64x128xf32, #tpu.memory_space<vmem>>, vector<1x16xf32>,
        %swap3A_824 = vector.shape_cast %swap3A_823 : vector<1x16xf32> to vector<16xf32>
        %swap3A_825 = vector.shape_cast %add3A_820 : vector<16xf32> to vector<1x16xf32>
        tpu.vector_store %arg13[%swap3A_821, %swap3A_822], %swap3A_825 {strides = array<i32>} : memref<64x128xf32, #tpu.memory_space<vmem>>, vector<1x16xf32>,
        %get3A_826 = arith.constant 0 : i32
        %get3A_827 = arith.index_cast %get3A_826 : i32 to index
        %get3A_828 = arith.index_cast %scan3A_719 : i32 to index
        %get3A_829 = arith.constant 32 : index
        %get3A_830 = tpu.vector_load %arg15[%get3A_827, %get3A_828, %get3A_829] {strides = array<i32>} : memref<4x64x128xf32, #tpu.memory_space<vmem>>, vector<1x1x16xf32>,
        %get3A_831 = vector.shape_cast %get3A_830 : vector<1x1x16xf32> to vector<16xf32>
        %mul3A_832 = vector.broadcast %squeeze3A : f32 to vector<16xf32>
        %mul3A_833 = arith.mulf %mul3A_832, %get3A_831 : vector<16xf32>
        %get3A_834 = arith.constant 1 : i32
        %get3A_835 = arith.index_cast %get3A_834 : i32 to index
        %get3A_836 = arith.index_cast %scan3A_719 : i32 to index
        %get3A_837 = arith.constant 32 : index
        %get3A_838 = tpu.vector_load %arg15[%get3A_835, %get3A_836, %get3A_837] {strides = array<i32>} : memref<4x64x128xf32, #tpu.memory_space<vmem>>, vector<1x1x16xf32>,
        %get3A_839 = vector.shape_cast %get3A_838 : vector<1x1x16xf32> to vector<16xf32>
        %mul3A_840 = vector.broadcast %squeeze3A_731 : f32 to vector<16xf32>
        %mul3A_841 = arith.mulf %mul3A_840, %get3A_839 : vector<16xf32>
        %add3A_842 = arith.addf %mul3A_833, %mul3A_841 : vector<16xf32>
        %get3A_843 = arith.constant 2 : i32
        %get3A_844 = arith.index_cast %get3A_843 : i32 to index
        %get3A_845 = arith.index_cast %scan3A_719 : i32 to index
        %get3A_846 = arith.constant 32 : index
        %get3A_847 = tpu.vector_load %arg15[%get3A_844, %get3A_845, %get3A_846] {strides = array<i32>} : memref<4x64x128xf32, #tpu.memory_space<vmem>>, vector<1x1x16xf32>,
        %get3A_848 = vector.shape_cast %get3A_847 : vector<1x1x16xf32> to vector<16xf32>
        %mul3A_849 = vector.broadcast %squeeze3A_738 : f32 to vector<16xf32>
        %mul3A_850 = arith.mulf %mul3A_849, %get3A_848 : vector<16xf32>
        %add3A_851 = arith.addf %add3A_842, %mul3A_850 : vector<16xf32>
        %get3A_852 = arith.constant 3 : i32
        %get3A_853 = arith.index_cast %get3A_852 : i32 to index
        %get3A_854 = arith.index_cast %scan3A_719 : i32 to index
        %get3A_855 = arith.constant 32 : index
        %get3A_856 = tpu.vector_load %arg15[%get3A_853, %get3A_854, %get3A_855] {strides = array<i32>} : memref<4x64x128xf32, #tpu.memory_space<vmem>>, vector<1x1x16xf32>,
        %get3A_857 = vector.shape_cast %get3A_856 : vector<1x1x16xf32> to vector<16xf32>
        %mul3A_858 = vector.broadcast %squeeze3A_745 : f32 to vector<16xf32>
        %mul3A_859 = arith.mulf %mul3A_858, %get3A_857 : vector<16xf32>
        %add3A_860 = arith.addf %add3A_851, %mul3A_859 : vector<16xf32>
        %swap3A_861 = arith.index_cast %scan3A_719 : i32 to index
        %swap3A_862 = arith.constant 32 : index
        %swap3A_863 = tpu.vector_load %arg13[%swap3A_861, %swap3A_862] {strides = array<i32>} : memref<64x128xf32, #tpu.memory_space<vmem>>, vector<1x16xf32>,
        %swap3A_864 = vector.shape_cast %swap3A_863 : vector<1x16xf32> to vector<16xf32>
        %swap3A_865 = vector.shape_cast %add3A_860 : vector<16xf32> to vector<1x16xf32>
        tpu.vector_store %arg13[%swap3A_861, %swap3A_862], %swap3A_865 {strides = array<i32>} : memref<64x128xf32, #tpu.memory_space<vmem>>, vector<1x16xf32>,
        %get3A_866 = arith.constant 0 : i32
        %get3A_867 = arith.index_cast %get3A_866 : i32 to index
        %get3A_868 = arith.index_cast %scan3A_719 : i32 to index
        %get3A_869 = arith.constant 48 : index
        %get3A_870 = tpu.vector_load %arg15[%get3A_867, %get3A_868, %get3A_869] {strides = array<i32>} : memref<4x64x128xf32, #tpu.memory_space<vmem>>, vector<1x1x16xf32>,
        %get3A_871 = vector.shape_cast %get3A_870 : vector<1x1x16xf32> to vector<16xf32>
        %mul3A_872 = vector.broadcast %squeeze3A : f32 to vector<16xf32>
        %mul3A_873 = arith.mulf %mul3A_872, %get3A_871 : vector<16xf32>
        %get3A_874 = arith.constant 1 : i32
        %get3A_875 = arith.index_cast %get3A_874 : i32 to index
        %get3A_876 = arith.index_cast %scan3A_719 : i32 to index
        %get3A_877 = arith.constant 48 : index
        %get3A_878 = tpu.vector_load %arg15[%get3A_875, %get3A_876, %get3A_877] {strides = array<i32>} : memref<4x64x128xf32, #tpu.memory_space<vmem>>, vector<1x1x16xf32>,
        %get3A_879 = vector.shape_cast %get3A_878 : vector<1x1x16xf32> to vector<16xf32>
        %mul3A_880 = vector.broadcast %squeeze3A_731 : f32 to vector<16xf32>
        %mul3A_881 = arith.mulf %mul3A_880, %get3A_879 : vector<16xf32>
        %add3A_882 = arith.addf %mul3A_873, %mul3A_881 : vector<16xf32>
        %get3A_883 = arith.constant 2 : i32
        %get3A_884 = arith.index_cast %get3A_883 : i32 to index
        %get3A_885 = arith.index_cast %scan3A_719 : i32 to index
        %get3A_886 = arith.constant 48 : index
        %get3A_887 = tpu.vector_load %arg15[%get3A_884, %get3A_885, %get3A_886] {strides = array<i32>} : memref<4x64x128xf32, #tpu.memory_space<vmem>>, vector<1x1x16xf32>,
        %get3A_888 = vector.shape_cast %get3A_887 : vector<1x1x16xf32> to vector<16xf32>
        %mul3A_889 = vector.broadcast %squeeze3A_738 : f32 to vector<16xf32>
        %mul3A_890 = arith.mulf %mul3A_889, %get3A_888 : vector<16xf32>
        %add3A_891 = arith.addf %add3A_882, %mul3A_890 : vector<16xf32>
        %get3A_892 = arith.constant 3 : i32
        %get3A_893 = arith.index_cast %get3A_892 : i32 to index
        %get3A_894 = arith.index_cast %scan3A_719 : i32 to index
        %get3A_895 = arith.constant 48 : index
        %get3A_896 = tpu.vector_load %arg15[%get3A_893, %get3A_894, %get3A_895] {strides = array<i32>} : memref<4x64x128xf32, #tpu.memory_space<vmem>>, vector<1x1x16xf32>,
        %get3A_897 = vector.shape_cast %get3A_896 : vector<1x1x16xf32> to vector<16xf32>
        %mul3A_898 = vector.broadcast %squeeze3A_745 : f32 to vector<16xf32>
        %mul3A_899 = arith.mulf %mul3A_898, %get3A_897 : vector<16xf32>
        %add3A_900 = arith.addf %add3A_891, %mul3A_899 : vector<16xf32>
        %swap3A_901 = arith.index_cast %scan3A_719 : i32 to index
        %swap3A_902 = arith.constant 48 : index
        %swap3A_903 = tpu.vector_load %arg13[%swap3A_901, %swap3A_902] {strides = array<i32>} : memref<64x128xf32, #tpu.memory_space<vmem>>, vector<1x16xf32>,
        %swap3A_904 = vector.shape_cast %swap3A_903 : vector<1x16xf32> to vector<16xf32>
        %swap3A_905 = vector.shape_cast %add3A_900 : vector<16xf32> to vector<1x16xf32>
        tpu.vector_store %arg13[%swap3A_901, %swap3A_902], %swap3A_905 {strides = array<i32>} : memref<64x128xf32, #tpu.memory_space<vmem>>, vector<1x16xf32>,
        %get3A_906 = arith.constant 0 : i32
        %get3A_907 = arith.index_cast %get3A_906 : i32 to index
        %get3A_908 = arith.index_cast %scan3A_719 : i32 to index
        %get3A_909 = arith.constant 64 : index
        %get3A_910 = tpu.vector_load %arg15[%get3A_907, %get3A_908, %get3A_909] {strides = array<i32>} : memref<4x64x128xf32, #tpu.memory_space<vmem>>, vector<1x1x16xf32>,
        %get3A_911 = vector.shape_cast %get3A_910 : vector<1x1x16xf32> to vector<16xf32>
        %mul3A_912 = vector.broadcast %squeeze3A : f32 to vector<16xf32>
        %mul3A_913 = arith.mulf %mul3A_912, %get3A_911 : vector<16xf32>
        %get3A_914 = arith.constant 1 : i32
        %get3A_915 = arith.index_cast %get3A_914 : i32 to index
        %get3A_916 = arith.index_cast %scan3A_719 : i32 to index
        %get3A_917 = arith.constant 64 : index
        %get3A_918 = tpu.vector_load %arg15[%get3A_915, %get3A_916, %get3A_917] {strides = array<i32>} : memref<4x64x128xf32, #tpu.memory_space<vmem>>, vector<1x1x16xf32>,
        %get3A_919 = vector.shape_cast %get3A_918 : vector<1x1x16xf32> to vector<16xf32>
        %mul3A_920 = vector.broadcast %squeeze3A_731 : f32 to vector<16xf32>
        %mul3A_921 = arith.mulf %mul3A_920, %get3A_919 : vector<16xf32>
        %add3A_922 = arith.addf %mul3A_913, %mul3A_921 : vector<16xf32>
        %get3A_923 = arith.constant 2 : i32
        %get3A_924 = arith.index_cast %get3A_923 : i32 to index
        %get3A_925 = arith.index_cast %scan3A_719 : i32 to index
        %get3A_926 = arith.constant 64 : index
        %get3A_927 = tpu.vector_load %arg15[%get3A_924, %get3A_925, %get3A_926] {strides = array<i32>} : memref<4x64x128xf32, #tpu.memory_space<vmem>>, vector<1x1x16xf32>,
        %get3A_928 = vector.shape_cast %get3A_927 : vector<1x1x16xf32> to vector<16xf32>
        %mul3A_929 = vector.broadcast %squeeze3A_738 : f32 to vector<16xf32>
        %mul3A_930 = arith.mulf %mul3A_929, %get3A_928 : vector<16xf32>
        %add3A_931 = arith.addf %add3A_922, %mul3A_930 : vector<16xf32>
        %get3A_932 = arith.constant 3 : i32
        %get3A_933 = arith.index_cast %get3A_932 : i32 to index
        %get3A_934 = arith.index_cast %scan3A_719 : i32 to index
        %get3A_935 = arith.constant 64 : index
        %get3A_936 = tpu.vector_load %arg15[%get3A_933, %get3A_934, %get3A_935] {strides = array<i32>} : memref<4x64x128xf32, #tpu.memory_space<vmem>>, vector<1x1x16xf32>,
        %get3A_937 = vector.shape_cast %get3A_936 : vector<1x1x16xf32> to vector<16xf32>
        %mul3A_938 = vector.broadcast %squeeze3A_745 : f32 to vector<16xf32>
        %mul3A_939 = arith.mulf %mul3A_938, %get3A_937 : vector<16xf32>
        %add3A_940 = arith.addf %add3A_931, %mul3A_939 : vector<16xf32>
        %swap3A_941 = arith.index_cast %scan3A_719 : i32 to index
        %swap3A_942 = arith.constant 64 : index
        %swap3A_943 = tpu.vector_load %arg13[%swap3A_941, %swap3A_942] {strides = array<i32>} : memref<64x128xf32, #tpu.memory_space<vmem>>, vector<1x16xf32>,
        %swap3A_944 = vector.shape_cast %swap3A_943 : vector<1x16xf32> to vector<16xf32>
        %swap3A_945 = vector.shape_cast %add3A_940 : vector<16xf32> to vector<1x16xf32>
        tpu.vector_store %arg13[%swap3A_941, %swap3A_942], %swap3A_945 {strides = array<i32>} : memref<64x128xf32, #tpu.memory_space<vmem>>, vector<1x16xf32>,
        %get3A_946 = arith.constant 0 : i32
        %get3A_947 = arith.index_cast %get3A_946 : i32 to index
        %get3A_948 = arith.index_cast %scan3A_719 : i32 to index
        %get3A_949 = arith.constant 80 : index
        %get3A_950 = tpu.vector_load %arg15[%get3A_947, %get3A_948, %get3A_949] {strides = array<i32>} : memref<4x64x128xf32, #tpu.memory_space<vmem>>, vector<1x1x16xf32>,
        %get3A_951 = vector.shape_cast %get3A_950 : vector<1x1x16xf32> to vector<16xf32>
        %mul3A_952 = vector.broadcast %squeeze3A : f32 to vector<16xf32>
        %mul3A_953 = arith.mulf %mul3A_952, %get3A_951 : vector<16xf32>
        %get3A_954 = arith.constant 1 : i32
        %get3A_955 = arith.index_cast %get3A_954 : i32 to index
        %get3A_956 = arith.index_cast %scan3A_719 : i32 to index
        %get3A_957 = arith.constant 80 : index
        %get3A_958 = tpu.vector_load %arg15[%get3A_955, %get3A_956, %get3A_957] {strides = array<i32>} : memref<4x64x128xf32, #tpu.memory_space<vmem>>, vector<1x1x16xf32>,
        %get3A_959 = vector.shape_cast %get3A_958 : vector<1x1x16xf32> to vector<16xf32>
        %mul3A_960 = vector.broadcast %squeeze3A_731 : f32 to vector<16xf32>
        %mul3A_961 = arith.mulf %mul3A_960, %get3A_959 : vector<16xf32>
        %add3A_962 = arith.addf %mul3A_953, %mul3A_961 : vector<16xf32>
        %get3A_963 = arith.constant 2 : i32
        %get3A_964 = arith.index_cast %get3A_963 : i32 to index
        %get3A_965 = arith.index_cast %scan3A_719 : i32 to index
        %get3A_966 = arith.constant 80 : index
        %get3A_967 = tpu.vector_load %arg15[%get3A_964, %get3A_965, %get3A_966] {strides = array<i32>} : memref<4x64x128xf32, #tpu.memory_space<vmem>>, vector<1x1x16xf32>,
        %get3A_968 = vector.shape_cast %get3A_967 : vector<1x1x16xf32> to vector<16xf32>
        %mul3A_969 = vector.broadcast %squeeze3A_738 : f32 to vector<16xf32>
        %mul3A_970 = arith.mulf %mul3A_969, %get3A_968 : vector<16xf32>
        %add3A_971 = arith.addf %add3A_962, %mul3A_970 : vector<16xf32>
        %get3A_972 = arith.constant 3 : i32
        %get3A_973 = arith.index_cast %get3A_972 : i32 to index
        %get3A_974 = arith.index_cast %scan3A_719 : i32 to index
        %get3A_975 = arith.constant 80 : index
        %get3A_976 = tpu.vector_load %arg15[%get3A_973, %get3A_974, %get3A_975] {strides = array<i32>} : memref<4x64x128xf32, #tpu.memory_space<vmem>>, vector<1x1x16xf32>,
        %get3A_977 = vector.shape_cast %get3A_976 : vector<1x1x16xf32> to vector<16xf32>
        %mul3A_978 = vector.broadcast %squeeze3A_745 : f32 to vector<16xf32>
        %mul3A_979 = arith.mulf %mul3A_978, %get3A_977 : vector<16xf32>
        %add3A_980 = arith.addf %add3A_971, %mul3A_979 : vector<16xf32>
        %swap3A_981 = arith.index_cast %scan3A_719 : i32 to index
        %swap3A_982 = arith.constant 80 : index
        %swap3A_983 = tpu.vector_load %arg13[%swap3A_981, %swap3A_982] {strides = array<i32>} : memref<64x128xf32, #tpu.memory_space<vmem>>, vector<1x16xf32>,
        %swap3A_984 = vector.shape_cast %swap3A_983 : vector<1x16xf32> to vector<16xf32>
        %swap3A_985 = vector.shape_cast %add3A_980 : vector<16xf32> to vector<1x16xf32>
        tpu.vector_store %arg13[%swap3A_981, %swap3A_982], %swap3A_985 {strides = array<i32>} : memref<64x128xf32, #tpu.memory_space<vmem>>, vector<1x16xf32>,
        %get3A_986 = arith.constant 0 : i32
        %get3A_987 = arith.index_cast %get3A_986 : i32 to index
        %get3A_988 = arith.index_cast %scan3A_719 : i32 to index
        %get3A_989 = arith.constant 96 : index
        %get3A_990 = tpu.vector_load %arg15[%get3A_987, %get3A_988, %get3A_989] {strides = array<i32>} : memref<4x64x128xf32, #tpu.memory_space<vmem>>, vector<1x1x16xf32>,
        %get3A_991 = vector.shape_cast %get3A_990 : vector<1x1x16xf32> to vector<16xf32>
        %mul3A_992 = vector.broadcast %squeeze3A : f32 to vector<16xf32>
        %mul3A_993 = arith.mulf %mul3A_992, %get3A_991 : vector<16xf32>
        %get3A_994 = arith.constant 1 : i32
        %get3A_995 = arith.index_cast %get3A_994 : i32 to index
        %get3A_996 = arith.index_cast %scan3A_719 : i32 to index
        %get3A_997 = arith.constant 96 : index
        %get3A_998 = tpu.vector_load %arg15[%get3A_995, %get3A_996, %get3A_997] {strides = array<i32>} : memref<4x64x128xf32, #tpu.memory_space<vmem>>, vector<1x1x16xf32>,
        %get3A_999 = vector.shape_cast %get3A_998 : vector<1x1x16xf32> to vector<16xf32>
        %mul3A_1000 = vector.broadcast %squeeze3A_731 : f32 to vector<16xf32>
        %mul3A_1001 = arith.mulf %mul3A_1000, %get3A_999 : vector<16xf32>
        %add3A_1002 = arith.addf %mul3A_993, %mul3A_1001 : vector<16xf32>
        %get3A_1003 = arith.constant 2 : i32
        %get3A_1004 = arith.index_cast %get3A_1003 : i32 to index
        %get3A_1005 = arith.index_cast %scan3A_719 : i32 to index
        %get3A_1006 = arith.constant 96 : index
        %get3A_1007 = tpu.vector_load %arg15[%get3A_1004, %get3A_1005, %get3A_1006] {strides = array<i32>} : memref<4x64x128xf32, #tpu.memory_space<vmem>>, vector<1x1x16xf32>,
        %get3A_1008 = vector.shape_cast %get3A_1007 : vector<1x1x16xf32> to vector<16xf32>
        %mul3A_1009 = vector.broadcast %squeeze3A_738 : f32 to vector<16xf32>
        %mul3A_1010 = arith.mulf %mul3A_1009, %get3A_1008 : vector<16xf32>
        %add3A_1011 = arith.addf %add3A_1002, %mul3A_1010 : vector<16xf32>
        %get3A_1012 = arith.constant 3 : i32
        %get3A_1013 = arith.index_cast %get3A_1012 : i32 to index
        %get3A_1014 = arith.index_cast %scan3A_719 : i32 to index
        %get3A_1015 = arith.constant 96 : index
        %get3A_1016 = tpu.vector_load %arg15[%get3A_1013, %get3A_1014, %get3A_1015] {strides = array<i32>} : memref<4x64x128xf32, #tpu.memory_space<vmem>>, vector<1x1x16xf32>,
        %get3A_1017 = vector.shape_cast %get3A_1016 : vector<1x1x16xf32> to vector<16xf32>
        %mul3A_1018 = vector.broadcast %squeeze3A_745 : f32 to vector<16xf32>
        %mul3A_1019 = arith.mulf %mul3A_1018, %get3A_1017 : vector<16xf32>
        %add3A_1020 = arith.addf %add3A_1011, %mul3A_1019 : vector<16xf32>
        %swap3A_1021 = arith.index_cast %scan3A_719 : i32 to index
        %swap3A_1022 = arith.constant 96 : index
        %swap3A_1023 = tpu.vector_load %arg13[%swap3A_1021, %swap3A_1022] {strides = array<i32>} : memref<64x128xf32, #tpu.memory_space<vmem>>, vector<1x16xf32>,
        %swap3A_1024 = vector.shape_cast %swap3A_1023 : vector<1x16xf32> to vector<16xf32>
        %swap3A_1025 = vector.shape_cast %add3A_1020 : vector<16xf32> to vector<1x16xf32>
        tpu.vector_store %arg13[%swap3A_1021, %swap3A_1022], %swap3A_1025 {strides = array<i32>} : memref<64x128xf32, #tpu.memory_space<vmem>>, vector<1x16xf32>,
        %get3A_1026 = arith.constant 0 : i32
        %get3A_1027 = arith.index_cast %get3A_1026 : i32 to index
        %get3A_1028 = arith.index_cast %scan3A_719 : i32 to index
        %get3A_1029 = arith.constant 112 : index
        %get3A_1030 = tpu.vector_load %arg15[%get3A_1027, %get3A_1028, %get3A_1029] {strides = array<i32>} : memref<4x64x128xf32, #tpu.memory_space<vmem>>, vector<1x1x16xf32>,
        %get3A_1031 = vector.shape_cast %get3A_1030 : vector<1x1x16xf32> to vector<16xf32>
        %mul3A_1032 = vector.broadcast %squeeze3A : f32 to vector<16xf32>
        %mul3A_1033 = arith.mulf %mul3A_1032, %get3A_1031 : vector<16xf32>
        %get3A_1034 = arith.constant 1 : i32
        %get3A_1035 = arith.index_cast %get3A_1034 : i32 to index
        %get3A_1036 = arith.index_cast %scan3A_719 : i32 to index
        %get3A_1037 = arith.constant 112 : index
        %get3A_1038 = tpu.vector_load %arg15[%get3A_1035, %get3A_1036, %get3A_1037] {strides = array<i32>} : memref<4x64x128xf32, #tpu.memory_space<vmem>>, vector<1x1x16xf32>,
        %get3A_1039 = vector.shape_cast %get3A_1038 : vector<1x1x16xf32> to vector<16xf32>
        %mul3A_1040 = vector.broadcast %squeeze3A_731 : f32 to vector<16xf32>
        %mul3A_1041 = arith.mulf %mul3A_1040, %get3A_1039 : vector<16xf32>
        %add3A_1042 = arith.addf %mul3A_1033, %mul3A_1041 : vector<16xf32>
        %get3A_1043 = arith.constant 2 : i32
        %get3A_1044 = arith.index_cast %get3A_1043 : i32 to index
        %get3A_1045 = arith.index_cast %scan3A_719 : i32 to index
        %get3A_1046 = arith.constant 112 : index
        %get3A_1047 = tpu.vector_load %arg15[%get3A_1044, %get3A_1045, %get3A_1046] {strides = array<i32>} : memref<4x64x128xf32, #tpu.memory_space<vmem>>, vector<1x1x16xf32>,
        %get3A_1048 = vector.shape_cast %get3A_1047 : vector<1x1x16xf32> to vector<16xf32>
        %mul3A_1049 = vector.broadcast %squeeze3A_738 : f32 to vector<16xf32>
        %mul3A_1050 = arith.mulf %mul3A_1049, %get3A_1048 : vector<16xf32>
        %add3A_1051 = arith.addf %add3A_1042, %mul3A_1050 : vector<16xf32>
        %get3A_1052 = arith.constant 3 : i32
        %get3A_1053 = arith.index_cast %get3A_1052 : i32 to index
        %get3A_1054 = arith.index_cast %scan3A_719 : i32 to index
        %get3A_1055 = arith.constant 112 : index
        %get3A_1056 = tpu.vector_load %arg15[%get3A_1053, %get3A_1054, %get3A_1055] {strides = array<i32>} : memref<4x64x128xf32, #tpu.memory_space<vmem>>, vector<1x1x16xf32>,
        %get3A_1057 = vector.shape_cast %get3A_1056 : vector<1x1x16xf32> to vector<16xf32>
        %mul3A_1058 = vector.broadcast %squeeze3A_745 : f32 to vector<16xf32>
        %mul3A_1059 = arith.mulf %mul3A_1058, %get3A_1057 : vector<16xf32>
        %add3A_1060 = arith.addf %add3A_1051, %mul3A_1059 : vector<16xf32>
        %swap3A_1061 = arith.index_cast %scan3A_719 : i32 to index
        %swap3A_1062 = arith.constant 112 : index
        %swap3A_1063 = tpu.vector_load %arg13[%swap3A_1061, %swap3A_1062] {strides = array<i32>} : memref<64x128xf32, #tpu.memory_space<vmem>>, vector<1x16xf32>,
        %swap3A_1064 = vector.shape_cast %swap3A_1063 : vector<1x16xf32> to vector<16xf32>
        %swap3A_1065 = vector.shape_cast %add3A_1060 : vector<16xf32> to vector<1x16xf32>
        tpu.vector_store %arg13[%swap3A_1061, %swap3A_1062], %swap3A_1065 {strides = array<i32>} : memref<64x128xf32, #tpu.memory_space<vmem>>, vector<1x16xf32>,
      }
      %scan3A_711 = arith.constant 64 : i32
      %mul3A_712 = arith.constant 64 : i32
      %mul3A_713 = arith.muli %add3A_645, %mul3A_712 : i32
      %add3A_714 = arith.addi %mul3A_2, %mul3A_713 : i32
      %dma_start3A_715 = arith.constant 0 : i32
      %dma_start3A_716 = tpu.memref_slice %arg5[%add3A_714, %dma_start3A_715] : memref<524288x128xf32, #tpu.memory_space<hbm>> -> memref<64x128xf32, #tpu.memory_space<hbm>>
      %dma_start3A_717 = arith.constant 0 : i32
      %dma_start3A_718 = tpu.memref_slice %arg5[%add3A_714, %dma_start3A_717] : memref<524288x128xf32, #tpu.memory_space<hbm>> -> memref<64x128xf32, #tpu.memory_space<hbm>>
      tpu.enqueue_dma source(%arg13 : memref<64x128xf32, #tpu.memory_space<vmem>>) target(%dma_start3A_718 : memref<64x128xf32, #tpu.memory_space<hbm>>) target_semaphore(%arg11 : memref<!tpu.dma_semaphore, #tpu.memory_space<semaphore_mem>>)
    }
    %scan3A_558 = arith.constant 128 : i32
    %dma_wait3A = arith.constant 0 : i32
    %dma_wait3A_559 = tpu.memref_slice %arg5[%mul3A_2, %dma_wait3A] : memref<524288x128xf32, #tpu.memory_space<hbm>> -> memref<64x128xf32, #tpu.memory_space<hbm>>
    %dma_wait3A_560 = arith.constant 0 : i32
    %dma_wait3A_561 = tpu.memref_slice %arg5[%mul3A_2, %dma_wait3A_560] : memref<524288x128xf32, #tpu.memory_space<hbm>> -> memref<64x128xf32, #tpu.memory_space<hbm>>
    tpu.wait_dma2 semaphore(%arg10 : memref<!tpu.dma_semaphore, #tpu.memory_space<semaphore_mem>>) src(%arg12 : memref<64x128xf32, #tpu.memory_space<vmem>>) dst(%dma_wait3A_561 : memref<64x128xf32, #tpu.memory_space<hbm>>)
    %dma_wait3A_562 = arith.constant 0 : i32
    %dma_wait3A_563 = tpu.memref_slice %arg5[%mul3A_2, %dma_wait3A_562] : memref<524288x128xf32, #tpu.memory_space<hbm>> -> memref<64x128xf32, #tpu.memory_space<hbm>>
    %dma_wait3A_564 = arith.constant 0 : i32
    %dma_wait3A_565 = tpu.memref_slice %arg5[%mul3A_2, %dma_wait3A_564] : memref<524288x128xf32, #tpu.memory_space<hbm>> -> memref<64x128xf32, #tpu.memory_space<hbm>>
    tpu.wait_dma2 semaphore(%arg11 : memref<!tpu.dma_semaphore, #tpu.memory_space<semaphore_mem>>) src(%arg13 : memref<64x128xf32, #tpu.memory_space<vmem>>) dst(%dma_wait3A_565 : memref<64x128xf32, #tpu.memory_space<hbm>>)
    return
  }
}

</mosaic_0001>

<sc_bundles>
// kernel: kernel.3.cloned.1.call-start
scs
__scs_entry_jumppad:
0x0: {  	(pc) =	sbr.rel $0x88, $3  }
0x1: {  	(tag) =	ssettag $0x0;
	lr =	simm.s32 $0x1  }
0x2: {  	[smem:$0x3F9F] =	sst lr;
	_ =	strace $0xD0000000  }
0x3: {  	_ = 	snop  }
0x4: {  	_ = 	snop  }
0x5: {  	_ = 	snop  }
0x6: {  	_ = 	snop  }
0x7: {  	_ = 	snop  }
__scs_overlays_trampoline_lowered:
0x8: {  	[smem:$0x3FAE] =	sst s0  }
0x9: {  	[smem:$0x3FAF] =	sst s1  }
0xa: {  	[smem:$0x3FB0] =	sst s2  }
0xb: {  	[smem:$0x3FB1] =	sst s3  }
0xc: {  	[smem:$0x3FB2] =	sst s4  }
0xd: {  	[smem:$0x3FB3] =	sst s5  }
0xe: {  	[smem:$0x3FB4] =	sst s6  }
0xf: {  	[smem:$0x3FB5] =	sst s7  }
0x10: {  	[smem:$0x3FB6] =	sst s8  }
0x11: {  	[smem:$0x3FB7] =	sst s9;
	s0 =	simm.s32 @!p0 $0x0  }
0x12: {  	s1 =	sld [smem:$0x3F9D];
	s0 =	simm.s32 @p0 $0x1  }
0x13: {  	[smem:$0x3FB8] =	sst s0;
	s0 =	simm.s32 @!p1 $0x0  }
0x14: {  	s2 =	sld [smem:$0x3F9C];
	s0 =	simm.s32 @p1 $0x1  }
0x15: {  	[smem:$0x3FB9] =	sst s0;
	s0 =	simm.s32 @!p2 $0x0  }
0x16: {  	s3 =	sld [smem:$0x3FDB];
	s0 =	simm.s32 @p2 $0x1  }
0x17: {  	s4 =	simm.s32 $0x1BF5;
	[smem:$0x3FBB] =	sst s0  }
0x18: {  	s0 =	sld [smem:$0x3F9E];
	_ =	swait.ge [sflag:s4], $0x0  }
0x19: {  	s7 =	sld [smem:$0x3F9F]  }
0x1a: {  	s8 =	sadd.s32 $0xFFFFE003, lr  }
0x1b: {  	s9 =	sadd.s32 $0xFFFFFEF7, lr;
	s5 =	simm.s32 $0xFFFFFFFF;
	p2 =	slt.u32 s8, $0xFFFFF086  }
0x1c: {  	p1 =	slt.u32 s9, $0xF7A;
	s5 =	simm.s32 @!p2 $0x0  }
0x1d: {  	s5 =	simm.s32 @p1 $0x1;
	p0 =	seq.s32 s7, s2  }
0x1e: {  	s7 =	smul.u32 @!p0 $0xF7A, s2;
	p2 =	seq.s32 @!p0 s5, $0x0  }
0x1f: {  	s9 =	smul.u32 $0xF7A, s1;
	s8 =	simm.s32 @!p0 $0x1BF5;
	p2 =	por !p2, p0  }
0x20: {  	[sflag:s8] =	ssyncset.s32 @!p0 $0xFFFFF086;
	s6 =	sadd.s32 @!p0 s3, s7;
	s7 =	simm.s32 @!p0 $0x108  }
0x21: {  	s3 =	sadd.s32 s3, s9;
	s6 =	sadd.s32 @!p0 $0x88, s6;
	s7 =	simm.s32 @p2 $0x1082  }
0x22: {  	[simem:s7], [sflag:s8] =	dma.local @!p0 [hbm:s6], $0xF7A  }
0x23: {  	s9 =	sor.u32 $0xD0000000, s2;
	s6 =	simm.s32 $0x108;
	_ =	swait.ge @!p0 [sflag:s8], $0x0  }
0x24: {  	s3 =	sadd.s32 $0x88, s3;
	s6 =	simm.s32 @!p1 $0x1082;
	[sflag:s4] =	ssyncset.s32 $0xFFFFF086  }
0x25: {  	[simem:s6], [sflag:s4] =	dma.local [hbm:s3], $0xF7A  }
0x26: {  	[smem:$0x3F9F] =	sst s1;
	(tag) =	ssettag s2;
	_ =	strace s9  }
0x27: {  	s1 =	sld [smem:$0x3FAF]  }
0x28: {  	s2 =	sld [smem:$0x3FB0]  }
0x29: {  	s4 =	sld [smem:$0x3FB2]  }
0x2a: {  	p0 =	seq.s32 s5, $0x0;
	s5 =	sld [smem:$0x3FB3]  }
0x2b: {  	s6 =	sld [smem:$0x3FB4]  }
0x2c: {  	s7 =	sld [smem:$0x3FB5]  }
0x2d: {  	s3 =	simm.s32 $0x108;
	s8 =	sld [smem:$0x3FB6]  }
0x2e: {  	s3 =	simm.s32 @!p0 $0x1082;
	s9 =	sld [smem:$0x3FB7]  }
0x2f: {  	lr =	sadd.s32 s0, s3;
	s0 =	sld [smem:$0x3FAE]  }
0x30: {  	s3 =	sld [smem:$0x3FB1]  }
0x31: {  	[smem:$0x3FBA] =	sst s10  }
0x32: {  	s10 =	sld [smem:$0x3FB8];
	_ =	sdelay $0x3  }
0x33: {  	p0 =	seq.s32 s10, $0x1;
	s10 =	sld [smem:$0x3FBA];
	_ =	sdelay $0x3  }
0x34: {  	[smem:$0x3FBA] =	sst s10  }
0x35: {  	s10 =	sld [smem:$0x3FB9];
	_ =	sdelay $0x3  }
0x36: {  	p1 =	seq.s32 s10, $0x1;
	s10 =	sld [smem:$0x3FBA];
	_ =	sdelay $0x3  }
0x37: {  	[smem:$0x3FBA] =	sst s10  }
0x38: {  	s10 =	sld [smem:$0x3FBB]  }
0x39: {  	_ = 	snop;
	(pc) =	sbr.ind lr, $3  }
0x3a: {  	_ = 	snop  }
0x3b: {  	_ = 	snop  }
0x3c: {  	p2 =	seq.s32 s10, $0x1;
	s10 =	sld [smem:$0x3FBA]  }
0x3d: {  	_ =	shalt  }
0x3e: {  	_ =	shalt  }
0x3f: {  	_ =	shalt  }
0x40: {  	_ =	shalt  }
0x41: {  	_ =	shalt  }
0x42: {  	_ =	shalt  }
0x43: {  	_ =	shalt  }
0x44: {  	_ =	shalt  }
0x45: {  	_ =	shalt  }
0x46: {  	_ =	shalt  }
0x47: {  	_ =	shalt  }
0x48: {  	_ =	shalt  }
0x49: {  	_ =	shalt  }
0x4a: {  	_ =	shalt  }
0x4b: {  	_ =	shalt  }
0x4c: {  	_ =	shalt  }
0x4d: {  	_ =	shalt  }
0x4e: {  	_ =	shalt  }
0x4f: {  	_ =	shalt  }
0x50: {  	_ =	shalt  }
0x51: {  	_ =	shalt  }
0x52: {  	_ =	shalt  }
0x53: {  	_ =	shalt  }
0x54: {  	_ =	shalt  }
0x55: {  	_ =	shalt  }
0x56: {  	_ =	shalt  }
0x57: {  	_ =	shalt  }
0x58: {  	_ =	shalt  }
0x59: {  	_ =	shalt  }
0x5a: {  	_ =	shalt  }
0x5b: {  	_ =	shalt  }
0x5c: {  	_ =	shalt  }
0x5d: {  	_ =	shalt  }
0x5e: {  	_ =	shalt  }
0x5f: {  	_ =	shalt  }
0x60: {  	_ =	shalt  }
0x61: {  	_ =	shalt  }
0x62: {  	_ =	shalt  }
0x63: {  	_ =	shalt  }
0x64: {  	_ =	shalt  }
0x65: {  	_ =	shalt  }
0x66: {  	_ =	shalt  }
0x67: {  	_ =	shalt  }
0x68: {  	_ =	shalt  }
0x69: {  	_ =	shalt  }
0x6a: {  	_ =	shalt  }
0x6b: {  	_ =	shalt  }
0x6c: {  	_ =	shalt  }
0x6d: {  	_ =	shalt  }
0x6e: {  	_ =	shalt  }
0x6f: {  	_ =	shalt  }
0x70: {  	_ =	shalt  }
0x71: {  	_ =	shalt  }
0x72: {  	_ =	shalt  }
0x73: {  	_ =	shalt  }
0x74: {  	_ =	shalt  }
0x75: {  	_ =	shalt  }
0x76: {  	_ =	shalt  }
0x77: {  	_ =	shalt  }
0x78: {  	_ =	shalt  }
0x79: {  	_ =	shalt  }
0x7a: {  	_ =	shalt  }
0x7b: {  	_ =	shalt  }
0x7c: {  	_ =	shalt  }
0x7d: {  	_ =	shalt  }
0x7e: {  	_ =	shalt  }
0x7f: {  	_ =	shalt  }
0x80: {  	_ =	shalt  }
0x81: {  	_ =	shalt  }
0x82: {  	_ =	shalt  }
0x83: {  	_ =	shalt  }
0x84: {  	_ =	shalt  }
0x85: {  	_ =	shalt  }
0x86: {  	_ =	shalt  }
0x87: {  	_ =	shalt  }
.Lfunc_end0:
.L_simem_size_0:
called_computation.1_lowered:
.L_overlay_start_0:
0x88: {  	s2 =	sld [smem:$0x3FD9]  }
0x89: {  	s3 =	sld [smem:$0x3FFE];
	_ =	sdelay $0x1  }
0x8a: {  	s1 =	srdreg.scid  }
0x8b: {  	s0 =	sand.u32 $0x1, s1  }
0x8c: {  	s17 =	sshll.u32 s0, $0xA;
	s2 =	sadd.s32 s3, s2  }
0x8d: {  	s2 =	sadd.s32 s2, s17  }
0x8e: {  	[smem:$0x3FC6] =	sst s2  }
0x8f: {  	_ = 	snop  }
0x90: {  	s2 =	sld [smem:$0x3FD0];
	(tm) =	ssettm $0x1  }
0x91: {  	s18 =	sld [smem:$0x3FFB];
	_ =	sdelay $0x3  }
0x92: {  	_ =	strace s18  }
0x93: {  	s3 =	sld [smem:$0x3FFC];
	_ =	sdelay $0x3  }
0x94: {  	_ =	strace s3  }
0x95: {  	s3 =	sld [smem:$0x3FFD];
	_ =	sdelay $0x3  }
0x96: {  	_ =	strace s3  }
0x97: {  	_ =	strace $0x8FFFFFFF  }
0x98: {  	s19 =	sld [smem:$0x3FDB];
	_ =	sdelay $0x1  }
0x99: {  	s4 =	simm.s32 $_scs_section_size  }
0x9a: {  	s5 =	simm.s32 $_size__tile_overlayer_lowered;
	s6 =	simm.s32 $_tile_overlayer_lowered  }
0x9b: {  	s22 =	simm.s32 $0x1BFF;
	s21 =	sshll.u32 s6, $0x1;
	s3 =	sadd.s32 s4, s19  }
0x9c: {  	s7 =	simm.s32 $0x0;
	s20 =	sshll.u32 s5, $0x1;
	s5 =	sadd.s32 s21, s3  }
0x9d: {  	[timem:s7], [sflag:s22] =	dma.local [hbm:s5], s20  }
0x9e: {  	_ =	swait.ge [sflag:s22], s20  }
0x9f: {  	s4 =	ssub.s32 $0x0, s20;
	[sflag:s22] =	ssyncset.done $0x0  }
0xa0: {  	[sflag:s22] =	ssyncadd.s32 s4;
	_ =	sdelay $0x1  }
0xa1: {  	s23 =	simm.s32 $0x1B8B  }
0xa2: {  	_ =	swait.ge [sflag:s23], $0x1  }
0xa3: {  	[sflag:s23] =	ssyncset.done $0x0  }
0xa4: {  	s25 =	simm.s32 $0x1B8E;
	s24 =	sld [smem:$0x3FFE];
	[sflag:s23] =	ssyncadd.s32 $0xFFFFFFFF  }
0xa5: {  	s26 =	simm.s32 $execute0_lowered;
	[smem:$0x3FD2] =	sst s25  }
0xa6: {  	s5 =	sshll.u32 s26, $0x1;
	_ =	strace $0x80000049;
	[dreg:$0x1] =	wrdreg $0xFFFFFFFF  }
0xa7: {  	s28 =	simm.s32 $_size_execute0_lowered;
	s3 =	sadd.s32 s3, s5;
	[dreg:$0x0] =	wrdreg $0x0  }
0xa8: {  	s5 =	sshll.u32 s28, $0x1;
	[dreg:$0x2] =	wrdreg s3  }
0xa9: {  	[dreg:$0x3] =	wrdreg s5  }
0xaa: {  	[dreg:$0x4] =	wrdreg $0xC0  }
0xab: {  	_ =	task [dreg:s7], $0x5FFFF  }
0xac: {  	[dreg:$0x1] =	wrdreg $0xFFFFFFFF  }
0xad: {  	[dreg:$0x0] =	wrdreg $0x60  }
0xae: {  	[dreg:$0x2] =	wrdreg s24  }
0xaf: {  	[dreg:$0x3] =	wrdreg s2  }
0xb0: {  	[dreg:$0x4] =	wrdreg $0x9  }
0xb1: {  	_ =	task.clear_ibuf [dreg:s7], $0x5FFFF;
	_ =	strace $0x90000049  }
0xb2: {  	s29 =	simm.s32 $0x9;
	_ =	strace $0x8000004B  }
0xb3: {  	_ =	swait.ge [sflag:s29], $0x1  }
0xb4: {  	[sflag:s29] =	ssyncadd.s32 $0xFFFFFFFF  }
0xb5: {  	_ =	strace $0x9000004B  }
0xb6: {  	_ =	sfence  }
0xb7: {  	s30 =	sld [smem:$0x0];
	_ =	sdelay $0x2  }
0xb8: {  	s31 =	sshll.u32 s1, $0xD;
	s1 =	sshrl.u32 s1, $0x2  }
0xb9: {  	s3 =	sand.u32 $0x4000, s31;
	s1 =	sadd.s32 s1, s30  }
0xba: {  	s0 =	sor.u32 s3, s0;
	s1 =	sshll.u32 s1, $0x11  }
0xbb: {  	s0 =	sor.u32 s1, s0  }
0xbc: {  	s0 =	sadd.s32 $0x8F2B, s0  }
0xbd: {  	[sflag:s0] =	ssyncadd.remote.s32 $0x1  }
0xbe: {  	_ =	sfence.sel $0xFFFF  }
0xbf: {  	[dreg:$0x0] =	wrdreg $0xFFFFFFFF;
	(pc) =	sbr.abs _section_cstart, $3  }
0xc0: {  	[dreg:$0x1] =	wrdreg $0xFFFFFFFF  }
0xc1: {  	_ =	task.clear_ibuf [dreg:s7], $0x2FFFF;
	_ =	strace $0x9FFFFFFF  }
0xc2: {  	(tm) =	ssettm $0x7FFFFFFF  }
0xc3: {  	_ =	shalt  }
tec
execute0_lowered:
.L_overlay_start_1:
0x0: {  	(tag) =	ssettag $0x1  }
0x1: {  	s0 =	rddreg [dreg:$0x0]  }
0x2: {  	s1 =	rddreg [dreg:$0x1]  }
0x3: {  	s3 =	srdreg.scid;
	s2 =	simm.s32 $0x0;
	s4 =	stileid.u32  }
0x4: {  	s9 =	simm.s32 $0x5;
	s11 =	simm.s32 $0x40;
	s12 =	simm.s32 $0x4400  }
0x5: {  	s13 =	simm.s32 $0x80;
	s14 =	simm.s32 $0x6400;
	s15 =	simm.s32 $0x100  }
0x6: {  	s16 =	simm.s32 $0x8400;
	s17 =	simm.s32 $0x180;
	s18 =	simm.s32 $0xA400  }
0x7: {  	s19 =	simm.s32 $0x200;
	s20 =	simm.s32 $0xC400;
	s21 =	simm.s32 $0x280  }
0x8: {  	s22 =	simm.s32 $0xE400;
	s23 =	simm.s32 $0x300;
	s24 =	simm.s32 $0x10400  }
0x9: {  	s28 =	simm.s32 $0x1;
	s29 =	simm.s32 $0x400;
	s30 =	simm.s32 $0x2  }
0xa: {  	s31 =	simm.s32 $0x2400;
	s8 =	simm.s32 $0x0;
	s3 =	sand.u32 $0x1, s3  }
0xb: {  	s4 =	sshll.u32 s4, $0xF;
	s5 =	sshll.u32 s3, $0xE;
	s25 =	ssub.s32 $0x2, s3  }
0xc: {  	[smem:$0x7FF] =	sst s2;
	s4 =	sor.u32 s5, s4;
	s7 =	sshrl.u32 s25, $0x1  }
0xd: {  	_ =	strace $0x8000004A;
	s6 =	sshrl.u32 s4, $0x3;
	s5 =	ssub.s32 s25, s7  }
0xe: {  	s3 =	sadd.s32 $0xC00, s0;
	s0 =	sadd.s32 s6, s0;
	s26 =	smax.u32 s5, $0x1  }
0xf: {  	s4 =	sshll.u32 s4, $0x4;
	s6 =	sadd.s32 $0x410C00, s0;
	[dreg:$0x5] =	wrdreg s26  }
0x10: {  	s25 =	simm.s32 $0x380;
	s0 =	sadd.s32 $0x400C00, s0;
	[dreg:$0x3] =	wrdreg s6  }
0x11: {  	s26 =	simm.s32 $0x12400;
	[dreg:$0x4] =	wrdreg s0;
	s6 =	sadd.s32 s1, s4  }
.LBB2_1:
0x12: {  	s0 =	rddreg [dreg:$0x3];
	s1 =	simm.s32 $0x14800  }
0x13: {  	[tilespmem:s1], [sflag:$0x5] =	stream.linear.gather [hbm4b:s0+s2], $0x4000, $0x38;
	[tilespmem:$0x1C800] =	vst v63  }
0x14: {  	_ =	swait.ge [sflag:s9], $0x4000  }
0x15: {  	[sflag:s9] =	ssyncset.done $0x0  }
0x16: {  	s10 =	simm.s32 $0x18800;
	s7 =	rddreg [dreg:$0x4];
	[sflag:s9] =	ssyncadd.s32 $0xFFFFC000  }
0x17: {  	[tilespmem:s10], [sflag:$0x5] =	stream.linear.gather [hbm4b:s7+s2], $0x4000, $0x38;
	[tilespmem:$0x1C800] =	vst v63  }
0x18: {  	_ =	swait.ge [sflag:s9], $0x4000  }
0x19: {  	[sflag:s9] =	ssyncset.done $0x0  }
0x1a: {  	[sflag:s9] =	ssyncadd.s32 $0xFFFFC000  }
0x1b: {  	v0 =	vld [tilespmem:$0x14800]  }
0x1c: {  	v1 =	vld [tilespmem:$0x18800]  }
0x1d: {  	v5 =	vld [tilespmem:$0x14810]  }
0x1e: {  	v6 =	vld [tilespmem:$0x18810]  }
0x1f: {  	v11 =	vld [tilespmem:$0x14820]  }
0x20: {  	v22 =	vld [tilespmem:$0x18830]  }
0x21: {  	v0 =	vmul.f32 $5.120000000e+02, v0  }
0x22: {  	v1 =	vmul.f32 $5.120000000e+02, v1;
	v5 =	vmul.f32 $5.120000000e+02, v5  }
0x23: {  	v49 =	vld [tilespmem:$0x18820];
	v46 =	vmul.f32 $5.120000000e+02, v6;
	v0 =	vadd.f32 $-5.000000000e-01, v0  }
0x24: {  	v11 =	vmul.f32 $5.120000000e+02, v11;
	v1 =	vadd.f32 $-5.000000000e-01, v1;
	v5 =	vadd.f32 $-5.000000000e-01, v5  }
0x25: {  	v22 =	vmul.f32 $5.120000000e+02, v22;
	v2 =	vtrunc.f32 v0  }
0x26: {  	v3 =	vtrunc.f32 v1;
	v8 =	vtrunc.f32 v5  }
0x27: {  	v2 =	vcvt.f32.s32 v2;
	v3 =	vcvt.f32.s32 v3  }
0x28: {  	v55 =	vmul.f32 $5.120000000e+02, v49;
	v11 =	vadd.f32 $-5.000000000e-01, v11;
	v8 =	vcvt.f32.s32 v8  }
0x29: {  	v23 =	vadd.f32 $-5.000000000e-01, v22;
	v2 =	vcvt.s32.f32 v2;
	v3 =	vcvt.s32.f32 v3  }
0x2a: {  	v53 =	vtrunc.f32 v11;
	v8 =	vcvt.s32.f32 v8  }
0x2b: {  	v26 =	vtrunc.f32 v23;
	v4 =	vadd.f32 $-1.000000000e+00, v2;
	v42 =	vadd.f32 $-1.000000000e+00, v3  }
0x2c: {  	vm0 =	vlt.f32 v0, v2;
	vm13 =	vlt.f32 v1, v3;
	v14 =	vadd.f32 $-1.000000000e+00, v8  }
0x2d: {  	vm4 =	vlt.f32 v5, v8;
	v2 =	vsel vm0, v4, v2;
	v3 =	vsel vm13, v42, v3  }
0x2e: {  	v4 =	vadd.f32 $-5.000000000e-01, v46;
	v8 =	vsel vm4, v14, v8;
	v7 =	vtrunc.f32 v2  }
0x2f: {  	v0 =	vsub.f32 v0, v2;
	v44 =	vtrunc.f32 v3;
	v14 =	vtrunc.f32 v8  }
0x30: {  	v52 =	vsub.f32 v5, v8;
	v5 =	vcvt.f32.s32 v53;
	v43 =	vcvt.f32.s32 v7  }
0x31: {  	v1 =	vsub.f32 v1, v3;
	v2 =	vcvt.f32.s32 v44;
	v9 =	vtrunc.f32 v4  }
0x32: {  	v50 =	vcvt.f32.s32 v14;
	v9 =	vcvt.f32.s32 v9;
	v12 =	vsub.f32 $1.000000000e+00, v0  }
0x33: {  	v13 =	vsub.f32 $1.000000000e+00, v1;
	v5 =	vcvt.s32.f32 v5;
	v19 =	vsub.f32 $1.000000000e+00, v52  }
0x34: {  	vm14 =	vgt.s32 v43, $0x0;
	vm15 =	vgt.s32 v2, $0x0;
	vm6 =	vgt.s32 v50, $0x0  }
0x35: {  	v45 =	vnsel vm14, $0x0, v43;
	v9 =	vcvt.s32.f32 v9;
	v15 =	vmul.f32 v13, v12  }
0x36: {  	v2 =	vnsel vm15, $0x0, v2;
	v13 =	vmul.f32 v13, v0;
	v12 =	vmul.f32 v12, v1  }
0x37: {  	v0 =	vmul.f32 v1, v0;
	v17 =	vadd.f32 $-1.000000000e+00, v5;
	vm8 =	vlt.f32 v11, v5  }
0x38: {  	v47 =	vmin.u32 v45, $0x1FF;
	v3 =	vmin.u32 v45, $0x1FE;
	v48 =	vmin.u32 v2, $0x1FF  }
0x39: {  	v2 =	vmin.u32 v2, $0x1FE;
	v3 =	vadd.s32 $0x1, v3;
	v7 =	vshll.u32 v48, $0x9  }
0x3a: {  	v2 =	vshll.u32 v2, $0x9;
	v16 =	vadd.f32 $-1.000000000e+00, v9;
	vm5 =	vlt.f32 v4, v9  }
0x3b: {  	v5 =	vsel vm8, v17, v5;
	v2 =	vadd.s32 $0x200, v2;
	v10 =	vor.u32 v47, v7  }
0x3c: {  	v7 =	vadd.s32 v3, v7;
	v63 =	vtrunc.f32 v5;
	v9 =	vsel vm5, v16, v9  }
0x3d: {  	v58 =	vld [tilespmem:$0x14830];
	v6 =	vor.u32 v47, v2;
	v2 =	vadd.s32 v3, v2;
	v51 =	vtrunc.f32 v9  }
0x3e: {  	v3 =	vnsel vm6, $0x0, v50;
	v4 =	vsub.f32 v4, v9;
	v14 =	vcvt.f32.s32 v51  }
0x3f: {  	v5 =	vsub.f32 v11, v5;
	v56 =	vmin.u32 v3, $0x1FF;
	v3 =	vmin.u32 v3, $0x1FE  }
0x40: {  	v20 =	vsub.f32 $1.000000000e+00, v4;
	v61 =	vmul.f32 v19, v4;
	vm7 =	vgt.s32 v14, $0x0  }
0x41: {  	[tilespmem:$0x14400] =	vst v15;
	v1 =	vmul.f32 v4, v52;
	v4 =	vcvt.f32.s32 v63;
	v54 =	vnsel vm7, $0x0, v14  }
0x42: {  	[tilespmem:$0x14480] =	vst v13;
	v14 =	vadd.f32 $-5.000000000e-01, v55;
	v59 =	vmul.f32 v20, v19;
	v19 =	vmul.f32 $5.120000000e+02, v58  }
0x43: {  	[tilespmem:$0x14500] =	vst v12;
	v37 =	vsub.f32 $1.000000000e+00, v5;
	v3 =	vadd.s32 $0x1, v3;
	v60 =	vmul.f32 v20, v52  }
0x44: {  	[tilespmem:$0x100] =	vst v6;
	vm10 =	vgt.s32 v4, $0x0;
	v18 =	vtrunc.f32 v14;
	v6 =	vadd.f32 $-5.000000000e-01, v19  }
0x45: {  	[tilespmem:$0x14580] =	vst v0;
	v57 =	vmin.u32 v54, $0x1FF;
	v8 =	vmin.u32 v54, $0x1FE;
	v18 =	vcvt.f32.s32 v18  }
0x46: {  	[tilespmem:$0x0] =	vst v10;
	v4 =	vnsel vm10, $0x0, v4;
	v16 =	vshll.u32 v57, $0x9;
	v25 =	vtrunc.f32 v6  }
0x47: {  	[tilespmem:$0x80] =	vst v7;
	v8 =	vshll.u32 v8, $0x9;
	v18 =	vcvt.s32.f32 v18;
	v13 =	vcvt.f32.s32 v25  }
0x48: {  	[tilespmem:$0x180] =	vst v2;
	v24 =	vmin.u32 v4, $0x1FF;
	v4 =	vmin.u32 v4, $0x1FE;
	v8 =	vadd.s32 $0x200, v8  }
0x49: {  	[tilespmem:$0x14510] =	vst v61;
	v21 =	vor.u32 v56, v16;
	v62 =	vadd.f32 $-1.000000000e+00, v18;
	v29 =	vcvt.s32.f32 v13  }
0x4a: {  	[tilespmem:$0x14590] =	vst v1;
	v16 =	vadd.s32 v3, v16;
	v4 =	vadd.s32 $0x1, v4;
	vm9 =	vlt.f32 v14, v18  }
0x4b: {  	[tilespmem:$0x14410] =	vst v59;
	v9 =	vor.u32 v56, v8;
	v18 =	vsel vm9, v62, v18;
	v34 =	vadd.f32 $-1.000000000e+00, v29  }
0x4c: {  	[tilespmem:$0x14490] =	vst v60;
	v20 =	vtrunc.f32 v18;
	v2 =	vsub.f32 v14, v18;
	v14 =	vcvt.f32.s32 v26  }
0x4d: {  	v3 =	vadd.s32 v3, v8;
	[tilespmem:$0x10] =	vst v21;
	vm12 =	vlt.f32 v6, v29;
	v11 =	vcvt.f32.s32 v20  }
0x4e: {  	[tilespmem:$0x90] =	vst v16;
	v36 =	vsel vm12, v34, v29;
	v31 =	vcvt.s32.f32 v14;
	v39 =	vsub.f32 $1.000000000e+00, v2  }
0x4f: {  	[tilespmem:$0x110] =	vst v9;
	v40 =	vtrunc.f32 v36;
	v47 =	vmul.f32 v37, v2;
	vm11 =	vgt.s32 v11, $0x0  }
0x50: {  	[tilespmem:$0x190] =	vst v3;
	v2 =	vmul.f32 v2, v5;
	v49 =	vsub.f32 v6, v36;
	v11 =	vnsel vm11, $0x0, v11  }
0x51: {  	v35 =	vadd.f32 $-1.000000000e+00, v31;
	vm13 =	vlt.f32 v23, v31;
	v44 =	vmul.f32 v39, v37;
	[tilespmem:$0x14520] =	vst v47  }
0x52: {  	v46 =	vmul.f32 v39, v5;
	[tilespmem:$0x145A0] =	vst v2;
	v27 =	vmin.u32 v11, $0x1FF;
	v28 =	vmin.u32 v11, $0x1FE  }
0x53: {  	v57 =	vsub.f32 $1.000000000e+00, v49;
	v30 =	vshll.u32 v27, $0x9;
	v9 =	vshll.u32 v28, $0x9;
	[tilespmem:$0x14420] =	vst v44  }
0x54: {  	v38 =	vsel vm13, v35, v31;
	[tilespmem:$0x144A0] =	vst v46;
	v32 =	vadd.s32 $0x200, v9;
	v33 =	vor.u32 v24, v30  }
0x55: {  	v3 =	vadd.s32 v4, v30;
	v42 =	vtrunc.f32 v38;
	v1 =	vsub.f32 v23, v38;
	[tilespmem:$0x20] =	vst v33  }
0x56: {  	v41 =	vcvt.f32.s32 v40;
	v0 =	vor.u32 v24, v32;
	[tilespmem:$0xA0] =	vst v3;
	v45 =	vcvt.f32.s32 v42  }
0x57: {  	v43 =	vadd.s32 v4, v32;
	[tilespmem:$0x120] =	vst v0;
	v58 =	vsub.f32 $1.000000000e+00, v1;
	v62 =	vmul.f32 v57, v1  }
0x58: {  	vm14 =	vgt.s32 v41, $0x0;
	[tilespmem:$0x1A0] =	vst v43;
	v63 =	vmul.f32 v1, v49;
	vm15 =	vgt.s32 v45, $0x0  }
0x59: {  	v48 =	vnsel vm14, $0x0, v41;
	v50 =	vnsel vm15, $0x0, v45;
	v60 =	vmul.f32 v58, v57;
	[tilespmem:$0x14530] =	vst v62  }
0x5a: {  	v51 =	vmin.u32 v48, $0x1FF;
	v61 =	vmul.f32 v58, v49;
	[tilespmem:$0x145B0] =	vst v63;
	v52 =	vmin.u32 v50, $0x1FF  }
0x5b: {  	v3 =	vmin.u32 v48, $0x1FE;
	v5 =	vmin.u32 v50, $0x1FE;
	v6 =	vshll.u32 v52, $0x9;
	[tilespmem:$0x14430] =	vst v60  }
0x5c: {  	v53 =	vadd.s32 $0x1, v3;
	v5 =	vshll.u32 v5, $0x9;
	[tilespmem:$0x144B0] =	vst v61;
	v55 =	vor.u32 v51, v6  }
0x5d: {  	v54 =	vadd.s32 $0x200, v5;
	v56 =	vadd.s32 v53, v6;
	[tilespmem:$0x30] =	vst v55  }
0x5e: {  	[tilespmem:$0xB0] =	vst v56;
	v0 =	vor.u32 v51, v54  }
0x5f: {  	v59 =	vadd.s32 v53, v54;
	[tilespmem:$0x130] =	vst v0  }
0x60: {  	[tilespmem:$0x1B0] =	vst v59  }
0x61: {  	[tilespmem:s12], [sflag:$0x1] =	stream.indirect.gather [hbm4b:s3+s11], $0x80, s2, s11, $0xb8;
	[tilespmem:$0x1C800] =	vst v63  }
0x62: {  	_ = 	snop  }
0x63: {  	[tilespmem:s14], [sflag:$0x1] =	stream.indirect.gather [hbm4b:s3+s11], $0x80, s13, s11, $0xb8;
	[tilespmem:$0x1C800] =	vst v63  }
0x64: {  	_ = 	snop  }
0x65: {  	[tilespmem:s16], [sflag:$0x1] =	stream.indirect.gather [hbm4b:s3+s11], $0x80, s15, s11, $0xb8;
	[tilespmem:$0x1C800] =	vst v63  }
0x66: {  	s10 =	simm.s32 $0x0  }
0x67: {  	[tilespmem:s18], [sflag:$0x1] =	stream.indirect.gather [hbm4b:s3+s11], $0x80, s17, s11, $0xb8;
	[tilespmem:$0x1C800] =	vst v63  }
.LBB2_2:
0x68: {  	s4 =	sshllo.u32 s10, $0x1  }
0x69: {  	s5 =	sshll.u32 s4, $0x6  }
0x6a: {  	v0 =	vld [tilespmem:s5+$0x14800]  }
0x6b: {  	v1 =	vld [tilespmem:s5+$0x18800];
	_ =	sdelay $0x4  }
0x6c: {  	v0 =	vmul.f32 $5.120000000e+02, v0;
	v1 =	vmul.f32 $5.120000000e+02, v1;
	_ =	sdelay $0x1  }
0x6d: {  	v0 =	vadd.f32 $-5.000000000e-01, v0;
	v1 =	vadd.f32 $-5.000000000e-01, v1;
	_ =	sdelay $0x1  }
0x6e: {  	v2 =	vtrunc.f32 v0;
	v3 =	vtrunc.f32 v1  }
0x6f: {  	v2 =	vcvt.f32.s32 v2;
	v3 =	vcvt.f32.s32 v3;
	_ =	sdelay $0x1  }
0x70: {  	v2 =	vcvt.s32.f32 v2;
	v3 =	vcvt.s32.f32 v3;
	_ =	sdelay $0x1  }
0x71: {  	v4 =	vadd.f32 $-1.000000000e+00, v2;
	v5 =	vadd.f32 $-1.000000000e+00, v3  }
0x72: {  	vm0 =	vlt.f32 v0, v2;
	vm13 =	vlt.f32 v1, v3  }
0x73: {  	v2 =	vsel vm0, v4, v2;
	v3 =	vsel vm13, v5, v3  }
0x74: {  	v4 =	vtrunc.f32 v2;
	v5 =	vtrunc.f32 v3  }
0x75: {  	v4 =	vcvt.f32.s32 v4;
	v5 =	vcvt.f32.s32 v5;
	_ =	sdelay $0x1  }
0x76: {  	vm14 =	vgt.s32 v4, $0x0;
	vm15 =	vgt.s32 v5, $0x0  }
0x77: {  	v0 =	vsub.f32 v0, v2;
	v4 =	vnsel vm14, $0x0, v4;
	v2 =	vnsel vm15, $0x0, v5  }
0x78: {  	v1 =	vsub.f32 v1, v3;
	v3 =	vmin.u32 v4, $0x1FF;
	v5 =	vmin.u32 v2, $0x1FF  }
0x79: {  	v2 =	vmin.u32 v2, $0x1FE;
	v4 =	vmin.u32 v4, $0x1FE;
	v5 =	vshll.u32 v5, $0x9  }
0x7a: {  	v2 =	vshll.u32 v2, $0x9;
	v4 =	vadd.s32 $0x1, v4;
	v6 =	vor.u32 v3, v5  }
0x7b: {  	v7 =	vsub.f32 $1.000000000e+00, v1;
	v2 =	vadd.s32 $0x200, v2;
	v5 =	vadd.s32 v4, v5;
	[tilespmem:$0x200] =	vst v6  }
0x7c: {  	v6 =	vsub.f32 $1.000000000e+00, v0;
	[tilespmem:$0x280] =	vst v5;
	v3 =	vor.u32 v3, v2;
	v2 =	vadd.s32 v4, v2  }
0x7d: {  	[tilespmem:$0x380] =	vst v2;
	v2 =	vmul.f32 v7, v0  }
0x7e: {  	[tilespmem:$0x300] =	vst v3;
	v3 =	vmul.f32 v7, v6  }
0x7f: {  	v0 =	vmul.f32 v1, v0;
	[tilespmem:$0x14680] =	vst v2  }
0x80: {  	[tilespmem:$0x14600] =	vst v3;
	v3 =	vmul.f32 v6, v1  }
0x81: {  	[tilespmem:$0x14780] =	vst v0  }
0x82: {  	s0 =	sor.u32 $0x50, s5;
	[tilespmem:$0x14700] =	vst v3  }
0x83: {  	v0 =	vld [tilespmem:s0+$0x14800]  }
0x84: {  	v1 =	vld [tilespmem:s0+$0x18800];
	_ =	sdelay $0x4  }
0x85: {  	v0 =	vmul.f32 $5.120000000e+02, v0;
	v1 =	vmul.f32 $5.120000000e+02, v1;
	_ =	sdelay $0x1  }
0x86: {  	v0 =	vadd.f32 $-5.000000000e-01, v0;
	v1 =	vadd.f32 $-5.000000000e-01, v1;
	_ =	sdelay $0x1  }
0x87: {  	v2 =	vtrunc.f32 v0;
	v3 =	vtrunc.f32 v1  }
0x88: {  	v2 =	vcvt.f32.s32 v2;
	v3 =	vcvt.f32.s32 v3;
	_ =	sdelay $0x1  }
0x89: {  	v2 =	vcvt.s32.f32 v2;
	v3 =	vcvt.s32.f32 v3;
	_ =	sdelay $0x1  }
0x8a: {  	v4 =	vadd.f32 $-1.000000000e+00, v2;
	v5 =	vadd.f32 $-1.000000000e+00, v3  }
0x8b: {  	vm4 =	vlt.f32 v0, v2;
	vm5 =	vlt.f32 v1, v3  }
0x8c: {  	v2 =	vsel vm4, v4, v2;
	v3 =	vsel vm5, v5, v3  }
0x8d: {  	v4 =	vtrunc.f32 v2;
	v5 =	vtrunc.f32 v3  }
0x8e: {  	v4 =	vcvt.f32.s32 v4;
	v5 =	vcvt.f32.s32 v5;
	_ =	sdelay $0x1  }
0x8f: {  	vm6 =	vgt.s32 v4, $0x0;
	vm7 =	vgt.s32 v5, $0x0  }
0x90: {  	v0 =	vsub.f32 v0, v2;
	v4 =	vnsel vm6, $0x0, v4;
	v2 =	vnsel vm7, $0x0, v5  }
0x91: {  	v1 =	vsub.f32 v1, v3;
	v3 =	vmin.u32 v4, $0x1FF;
	v5 =	vmin.u32 v2, $0x1FF  }
0x92: {  	v2 =	vmin.u32 v2, $0x1FE;
	v4 =	vmin.u32 v4, $0x1FE;
	v5 =	vshll.u32 v5, $0x9  }
0x93: {  	v2 =	vshll.u32 v2, $0x9;
	v4 =	vadd.s32 $0x1, v4;
	v6 =	vor.u32 v3, v5  }
0x94: {  	v7 =	vsub.f32 $1.000000000e+00, v1;
	v2 =	vadd.s32 $0x200, v2;
	v5 =	vadd.s32 v4, v5;
	[tilespmem:$0x210] =	vst v6  }
0x95: {  	v6 =	vsub.f32 $1.000000000e+00, v0;
	[tilespmem:$0x290] =	vst v5;
	v3 =	vor.u32 v3, v2;
	v2 =	vadd.s32 v4, v2  }
0x96: {  	[tilespmem:$0x390] =	vst v2;
	v2 =	vmul.f32 v7, v0  }
0x97: {  	[tilespmem:$0x310] =	vst v3;
	v3 =	vmul.f32 v7, v6  }
0x98: {  	v0 =	vmul.f32 v1, v0;
	[tilespmem:$0x14690] =	vst v2  }
0x99: {  	[tilespmem:$0x14610] =	vst v3;
	v3 =	vmul.f32 v6, v1  }
0x9a: {  	[tilespmem:$0x14790] =	vst v0  }
0x9b: {  	s1 =	sor.u32 $0x60, s5;
	[tilespmem:$0x14710] =	vst v3  }
0x9c: {  	v0 =	vld [tilespmem:s1+$0x14800]  }
0x9d: {  	v1 =	vld [tilespmem:s1+$0x18800];
	_ =	sdelay $0x4  }
0x9e: {  	v0 =	vmul.f32 $5.120000000e+02, v0;
	v1 =	vmul.f32 $5.120000000e+02, v1;
	_ =	sdelay $0x1  }
0x9f: {  	v0 =	vadd.f32 $-5.000000000e-01, v0;
	v1 =	vadd.f32 $-5.000000000e-01, v1;
	_ =	sdelay $0x1  }
0xa0: {  	v2 =	vtrunc.f32 v0;
	v3 =	vtrunc.f32 v1  }
0xa1: {  	v2 =	vcvt.f32.s32 v2;
	v3 =	vcvt.f32.s32 v3;
	_ =	sdelay $0x1  }
0xa2: {  	v2 =	vcvt.s32.f32 v2;
	v3 =	vcvt.s32.f32 v3;
	_ =	sdelay $0x1  }
0xa3: {  	v4 =	vadd.f32 $-1.000000000e+00, v2;
	v5 =	vadd.f32 $-1.000000000e+00, v3  }
0xa4: {  	vm8 =	vlt.f32 v0, v2;
	vm9 =	vlt.f32 v1, v3  }
0xa5: {  	v2 =	vsel vm8, v4, v2;
	v3 =	vsel vm9, v5, v3  }
0xa6: {  	v4 =	vtrunc.f32 v2;
	v5 =	vtrunc.f32 v3  }
0xa7: {  	v4 =	vcvt.f32.s32 v4;
	v5 =	vcvt.f32.s32 v5;
	_ =	sdelay $0x1  }
0xa8: {  	vm10 =	vgt.s32 v4, $0x0;
	vm11 =	vgt.s32 v5, $0x0  }
0xa9: {  	v0 =	vsub.f32 v0, v2;
	v4 =	vnsel vm10, $0x0, v4;
	v2 =	vnsel vm11, $0x0, v5  }
0xaa: {  	v1 =	vsub.f32 v1, v3;
	v3 =	vmin.u32 v4, $0x1FF;
	v5 =	vmin.u32 v2, $0x1FF  }
0xab: {  	v2 =	vmin.u32 v2, $0x1FE;
	v4 =	vmin.u32 v4, $0x1FE;
	v5 =	vshll.u32 v5, $0x9  }
0xac: {  	v2 =	vshll.u32 v2, $0x9;
	v4 =	vadd.s32 $0x1, v4;
	v6 =	vor.u32 v3, v5  }
0xad: {  	v7 =	vsub.f32 $1.000000000e+00, v1;
	v2 =	vadd.s32 $0x200, v2;
	v5 =	vadd.s32 v4, v5;
	[tilespmem:$0x220] =	vst v6  }
0xae: {  	v6 =	vsub.f32 $1.000000000e+00, v0;
	[tilespmem:$0x2A0] =	vst v5;
	v3 =	vor.u32 v3, v2;
	v2 =	vadd.s32 v4, v2  }
0xaf: {  	[tilespmem:$0x3A0] =	vst v2;
	v2 =	vmul.f32 v7, v0  }
0xb0: {  	[tilespmem:$0x320] =	vst v3;
	v3 =	vmul.f32 v7, v6  }
0xb1: {  	v0 =	vmul.f32 v1, v0;
	[tilespmem:$0x146A0] =	vst v2  }
0xb2: {  	[tilespmem:$0x14620] =	vst v3;
	v3 =	vmul.f32 v6, v1  }
0xb3: {  	[tilespmem:$0x147A0] =	vst v0  }
0xb4: {  	s7 =	sor.u32 $0x70, s5;
	[tilespmem:$0x14720] =	vst v3  }
0xb5: {  	v0 =	vld [tilespmem:s7+$0x14800]  }
0xb6: {  	v1 =	vld [tilespmem:s7+$0x18800];
	_ =	sdelay $0x4  }
0xb7: {  	v0 =	vmul.f32 $5.120000000e+02, v0;
	v1 =	vmul.f32 $5.120000000e+02, v1;
	_ =	sdelay $0x1  }
0xb8: {  	v0 =	vadd.f32 $-5.000000000e-01, v0;
	v1 =	vadd.f32 $-5.000000000e-01, v1;
	_ =	sdelay $0x1  }
0xb9: {  	v2 =	vtrunc.f32 v0;
	v3 =	vtrunc.f32 v1  }
0xba: {  	v2 =	vcvt.f32.s32 v2;
	v3 =	vcvt.f32.s32 v3;
	_ =	sdelay $0x1  }
0xbb: {  	v2 =	vcvt.s32.f32 v2;
	v3 =	vcvt.s32.f32 v3;
	_ =	sdelay $0x1  }
0xbc: {  	v4 =	vadd.f32 $-1.000000000e+00, v2;
	v5 =	vadd.f32 $-1.000000000e+00, v3  }
0xbd: {  	vm12 =	vlt.f32 v0, v2;
	vm13 =	vlt.f32 v1, v3  }
0xbe: {  	v2 =	vsel vm12, v4, v2;
	v3 =	vsel vm13, v5, v3  }
0xbf: {  	v4 =	vtrunc.f32 v2;
	v5 =	vtrunc.f32 v3  }
0xc0: {  	v4 =	vcvt.f32.s32 v4;
	v5 =	vcvt.f32.s32 v5;
	_ =	sdelay $0x1  }
0xc1: {  	vm14 =	vgt.s32 v4, $0x0;
	vm15 =	vgt.s32 v5, $0x0  }
0xc2: {  	v0 =	vsub.f32 v0, v2;
	v4 =	vnsel vm14, $0x0, v4;
	v2 =	vnsel vm15, $0x0, v5  }
0xc3: {  	v1 =	vsub.f32 v1, v3;
	v3 =	vmin.u32 v4, $0x1FF;
	v5 =	vmin.u32 v2, $0x1FF  }
0xc4: {  	v2 =	vmin.u32 v2, $0x1FE;
	v4 =	vmin.u32 v4, $0x1FE;
	v5 =	vshll.u32 v5, $0x9  }
0xc5: {  	v2 =	vshll.u32 v2, $0x9;
	v4 =	vadd.s32 $0x1, v4;
	v6 =	vor.u32 v3, v5  }
0xc6: {  	v7 =	vsub.f32 $1.000000000e+00, v1;
	v2 =	vadd.s32 $0x200, v2;
	v5 =	vadd.s32 v4, v5;
	[tilespmem:$0x230] =	vst v6  }
0xc7: {  	v6 =	vsub.f32 $1.000000000e+00, v0;
	[tilespmem:$0x2B0] =	vst v5;
	v3 =	vor.u32 v3, v2;
	v2 =	vadd.s32 v4, v2  }
0xc8: {  	[tilespmem:$0x3B0] =	vst v2;
	v2 =	vmul.f32 v7, v0  }
0xc9: {  	[tilespmem:$0x330] =	vst v3;
	v3 =	vmul.f32 v7, v6  }
0xca: {  	v0 =	vmul.f32 v1, v0;
	[tilespmem:$0x146B0] =	vst v2  }
0xcb: {  	[tilespmem:$0x14630] =	vst v3;
	v3 =	vmul.f32 v6, v1  }
0xcc: {  	[tilespmem:$0x147B0] =	vst v0  }
0xcd: {  	[tilespmem:$0x14730] =	vst v3  }
0xce: {  	[tilespmem:s20], [sflag:$0x2] =	stream.indirect.gather [hbm4b:s3+s11], $0x80, s19, s11, $0xb8;
	[tilespmem:$0x1C800] =	vst v63  }
0xcf: {  	_ = 	snop  }
0xd0: {  	[tilespmem:s22], [sflag:$0x2] =	stream.indirect.gather [hbm4b:s3+s11], $0x80, s21, s11, $0xb8;
	[tilespmem:$0x1C800] =	vst v63  }
0xd1: {  	_ = 	snop  }
0xd2: {  	[tilespmem:s24], [sflag:$0x2] =	stream.indirect.gather [hbm4b:s3+s11], $0x80, s23, s11, $0xb8;
	[tilespmem:$0x1C800] =	vst v63  }
0xd3: {  	_ = 	snop  }
0xd4: {  	[tilespmem:s26], [sflag:$0x2] =	stream.indirect.gather [hbm4b:s3+s11], $0x80, s25, s11, $0xb8;
	[tilespmem:$0x1C800] =	vst v63  }
0xd5: {  	_ =	swait.ge [sflag:s28], $0x2000  }
0xd6: {  	[sflag:s28] =	ssyncset.done $0x0  }
0xd7: {  	[sflag:s28] =	ssyncadd.s32 $0xFFFFE000  }
0xd8: {  	_ =	swait.ge [sflag:s28], $0x2000  }
0xd9: {  	[sflag:s28] =	ssyncset.done $0x0  }
0xda: {  	[sflag:s28] =	ssyncadd.s32 $0xFFFFE000  }
0xdb: {  	_ =	swait.ge [sflag:s28], $0x2000  }
0xdc: {  	[sflag:s28] =	ssyncset.done $0x0  }
0xdd: {  	[sflag:s28] =	ssyncadd.s32 $0xFFFFE000  }
0xde: {  	_ =	swait.ge [sflag:s28], $0x2000  }
0xdf: {  	p0 =	seq.s32 s10, $0x0;
	[sflag:s28] =	ssyncset.done $0x0  }
0xe0: {  	s0 =	simm.s32 @!p0 $0x3;
	[sflag:s28] =	ssyncadd.s32 $0xFFFFE000  }
0xe1: {  	_ =	swait.ge @!p0 [sflag:s0], $0x2000  }
0xe2: {  	[sflag:s0] =	ssyncset.done @!p0 $0x0  }
0xe3: {  	s5 =	simm.s32 $0x0;
	[sflag:s0] =	ssyncadd.s32 @!p0 $0xFFFFE000  }
0xe4: {  	v15 =	vld [tilespmem:s5+$0x4400]  }
0xe5: {  	v14 =	vld [tilespmem:s5+$0x6400]  }
0xe6: {  	v7 =	vld [tilespmem:s5+$0x4410]  }
0xe7: {  	v8 =	vld [tilespmem:s5+$0x6410]  }
0xe8: {  	v16 =	vld [tilespmem:s5+$0x4420]  }
0xe9: {  	v1 =	vld [tilespmem:s5+$0x6420]  }
0xea: {  	v5 =	vld [tilespmem:s5+$0x4430]  }
0xeb: {  	v17 =	vld [tilespmem:s5+$0x6430]  }
0xec: {  	v2 =	vld [tilespmem:s5+$0x4440]  }
0xed: {  	v13 =	vld [tilespmem:s5+$0x6440]  }
0xee: {  	v23 =	vld [tilespmem:s5+$0x4450]  }
0xef: {  	v3 =	vld [tilespmem:s5+$0xA410]  }
0xf0: {  	v0 =	vld [tilespmem:s5+$0xA430]  }
0xf1: {  	v9 =	vld [tilespmem:s5+$0x6470]  }
0xf2: {  	v12 =	vld [tilespmem:s5+$0xA470]  }
0xf3: {  	v18 =	vld [tilespmem:s5+$0x8430]  }
0xf4: {  	v20 =	vld [tilespmem:s5+$0x8470]  }
0xf5: {  	v21 =	vld [tilespmem:s5+$0x8420]  }
0xf6: {  	s7 =	simm.s32 $0x14500;
	v22 =	vld [tilespmem:s5+$0x4470]  }
0xf7: {  	v11 =	vld.msk [tilespmem:s7+$0xFFFFFF80 ss:$0x0], $0xffff  }
0xf8: {  	v10 =	vld.msk [tilespmem:s7+$0xFFFFFF00 ss:$0x0], $0xffff  }
0xf9: {  	v19 =	vld [tilespmem:s5+$0x6460]  }
0xfa: {  	v6 =	vld.msk [tilespmem:s7+$0x0 ss:$0x0], $0xffff  }
0xfb: {  	v24 =	vld [tilespmem:s5+$0x8410]  }
0xfc: {  	v4 =	vld.msk [tilespmem:s7+$0x80 ss:$0x0], $0xffff  }
0xfd: {  	v29 =	vld [tilespmem:s5+$0x8450];
	v28 =	vmul.f32 v8, v11;
	v8 =	vmul.f32 v13, v11  }
0xfe: {  	v31 =	vld [tilespmem:s5+$0x8460];
	v19 =	vmul.f32 v19, v11;
	v13 =	vmul.f32 v22, v10  }
0xff: {  	v34 =	vld [tilespmem:s5+$0x4460];
	v32 =	vmul.f32 v7, v10;
	v17 =	vmul.f32 v17, v11  }
0x100: {  	v22 =	vld [tilespmem:s5+$0x8400];
	v33 =	vmul.f32 v24, v6;
	v7 =	vmul.f32 v21, v6  }
0x101: {  	v27 =	vld [tilespmem:s5+$0x6450];
	v26 =	vmul.f32 v14, v11;
	v14 =	vmul.f32 v20, v6  }
0x102: {  	v25 =	vld [tilespmem:s5+$0xA450];
	v30 =	vmul.f32 v15, v10;
	v18 =	vmul.f32 v18, v6  }
0x103: {  	v24 =	vld [tilespmem:s5+$0xA400];
	v15 =	vmul.f32 v16, v10;
	v21 =	vmul.f32 v29, v6;
	v20 =	vadd.f32 v28, v32  }
0x104: {  	v16 =	vmul.f32 v31, v6;
	v28 =	vmul.f32 v23, v10;
	v23 =	vld [tilespmem:s5+$0xA460]  }
0x105: {  	s0 =	simm.s32 $0x200;
	v31 =	vmul.f32 v34, v10;
	v20 =	vadd.f32 v33, v20;
	v29 =	vmul.f32 v22, v6;
	v22 =	vld [tilespmem:s5+$0xA420]  }
.LBB2_3:
0x106: {  	p1 =	sne.s32 s0, $0x7E00  }
0x107: {  	v26 =	vadd.f32 v26, v30;
	v30 =	vld [tilespmem:s5+$0xA440];
	v27 =	vmul.f32 v27, v11;
	v12 =	vmul.f32 v12, v4;
	s7 =	sadd.s32 $0x1, s7;
	s1 =	smov.u32 s0;
	s0 =	sadd.s32 $0x200, s0  }
0x108: {  	v5 =	vmul.f32 v5, v10;
	s1 =	sshra.s32 s1, $0x2;
	v32 =	vld [tilespmem:s5+$0x8440];
	v25 =	vmul.f32 v25, v4;
	v19 =	vadd.f32 v19, v31  }
0x109: {  	v9 =	vmul.f32 v9, v11;
	v31 =	vld [tilespmem:s1+$0x4400];
	v26 =	vadd.f32 v29, v26;
	v24 =	vmul.f32 v24, v4  }
0x10a: {  	v11 =	vmul.f32 v1, v11;
	v1 =	vadd.f32 v27, v28;
	v29 =	vld [tilespmem:s1+$0x6400];
	v22 =	vmul.f32 v22, v4  }
0x10b: {  	v5 =	vadd.f32 v17, v5;
	v27 =	vld [tilespmem:s1+$0x4410];
	v24 =	vadd.f32 v24, v26;
	v17 =	vmul.f32 v23, v4  }
0x10c: {  	v3 =	vmul.f32 v3, v4;
	v2 =	vmul.f32 v2, v10;
	v9 =	vadd.f32 v9, v13;
	v23 =	vld [tilespmem:s1+$0x6410]  }
0x10d: {  	v10 =	vadd.f32 v18, v5;
	v13 =	vadd.f32 v21, v1;
	v28 =	vld [tilespmem:s1+$0x4420];
	[tilespmem:s5+$0x400] =	vst v24;
	v6 =	vmul.f32 v32, v6  }
0x10e: {  	v3 =	vadd.f32 v3, v20;
	v9 =	vadd.f32 v14, v9;
	v18 =	vmul.f32 v30, v4;
	v1 =	vld [tilespmem:s1+$0x6420]  }
0x10f: {  	v8 =	vadd.f32 v8, v2;
	v13 =	vadd.f32 v25, v13;
	v5 =	vld [tilespmem:s1+$0x4430]  }
0x110: {  	v0 =	vmul.f32 v0, v4;
	v4 =	vadd.f32 v16, v19;
	v14 =	vld [tilespmem:s1+$0x6430];
	[tilespmem:s5+$0x410] =	vst v3;
	v3 =	vadd.f32 v11, v15  }
0x111: {  	v9 =	vadd.f32 v12, v9;
	v2 =	vld [tilespmem:s1+$0x4440];
	[tilespmem:s5+$0x450] =	vst v13  }
0x112: {  	v0 =	vadd.f32 v0, v10;
	v13 =	vld [tilespmem:s1+$0x6440];
	v7 =	vadd.f32 v7, v3  }
0x113: {  	v4 =	vadd.f32 v17, v4;
	v6 =	vadd.f32 v6, v8;
	v32 =	vld [tilespmem:s1+$0x4450];
	[tilespmem:s5+$0x470] =	vst v9  }
0x114: {  	v3 =	vld [tilespmem:s1+$0xA410];
	v7 =	vadd.f32 v22, v7;
	[tilespmem:s5+$0x430] =	vst v0  }
0x115: {  	v6 =	vadd.f32 v18, v6;
	v0 =	vld [tilespmem:s1+$0xA430];
	[tilespmem:s5+$0x460] =	vst v4  }
0x116: {  	v9 =	vld [tilespmem:s1+$0x6470];
	[tilespmem:s5+$0x420] =	vst v7  }
0x117: {  	v12 =	vld [tilespmem:s1+$0xA470];
	[tilespmem:s5+$0x440] =	vst v6;
	s5 =	smov.u32 s1  }
0x118: {  	v15 =	vld [tilespmem:s5+$0x8430]  }
0x119: {  	v16 =	vld [tilespmem:s5+$0x8470]  }
0x11a: {  	v7 =	vld [tilespmem:s5+$0x8420]  }
0x11b: {  	v17 =	vld [tilespmem:s5+$0x4470]  }
0x11c: {  	v11 =	vld.msk [tilespmem:s7+$0xFFFFFF80 ss:$0x0], $0xffff  }
0x11d: {  	v10 =	vld.msk [tilespmem:s7+$0xFFFFFF00 ss:$0x0], $0xffff  }
0x11e: {  	v18 =	vld [tilespmem:s5+$0x6460]  }
0x11f: {  	v6 =	vld.msk [tilespmem:s7+$0x0 ss:$0x0], $0xffff  }
0x120: {  	v20 =	vld [tilespmem:s5+$0x8410]  }
0x121: {  	v4 =	vld.msk [tilespmem:s7+$0x80 ss:$0x0], $0xffff  }
0x122: {  	v21 =	vmul.f32 v23, v11;
	v8 =	vmul.f32 v13, v11;
	v22 =	vld [tilespmem:s5+$0x8450]  }
0x123: {  	v13 =	vmul.f32 v17, v10;
	v19 =	vmul.f32 v18, v11;
	v23 =	vld [tilespmem:s5+$0x8460]  }
0x124: {  	v17 =	vmul.f32 v14, v11;
	v18 =	vmul.f32 v27, v10;
	v33 =	vld [tilespmem:s5+$0x8400]  }
0x125: {  	v7 =	vmul.f32 v7, v6;
	v20 =	vmul.f32 v20, v6;
	v34 =	vld [tilespmem:s5+$0x4460]  }
.Ltmp0:
0x126: {  	v26 =	vmul.f32 v29, v11;
	v14 =	vmul.f32 v16, v6;
	v21 =	vadd.f32 v21, v18;
	v27 =	vld [tilespmem:s5+$0x6450];
	(pc) =	sbr.rel @p1 .LBB2_3-.Ltmp0, $4  }
0x127: {  	v30 =	vmul.f32 v31, v10;
	v18 =	vmul.f32 v15, v6;
	v25 =	vld [tilespmem:s5+$0xA450]  }
0x128: {  	v15 =	vmul.f32 v28, v10;
	v20 =	vadd.f32 v20, v21;
	v21 =	vmul.f32 v22, v6;
	v24 =	vld [tilespmem:s5+$0xA400]  }
0x129: {  	v16 =	vmul.f32 v23, v6;
	v29 =	vmul.f32 v33, v6;
	v22 =	vld [tilespmem:s5+$0xA420]  }
0x12a: {  	v28 =	vmul.f32 v32, v10;
	v31 =	vmul.f32 v34, v10;
	v23 =	vld [tilespmem:s5+$0xA460]  }
0x12b: {  	v26 =	vadd.f32 v26, v30;
	v27 =	vmul.f32 v27, v11;
	v5 =	vmul.f32 v5, v10  }
0x12c: {  	v9 =	vmul.f32 v9, v11;
	v3 =	vmul.f32 v3, v4  }
0x12d: {  	v2 =	vmul.f32 v2, v10;
	v19 =	vadd.f32 v19, v31;
	v26 =	vadd.f32 v29, v26  }
0x12e: {  	v1 =	vmul.f32 v1, v11;
	v5 =	vadd.f32 v17, v5;
	v27 =	vadd.f32 v27, v28  }
0x12f: {  	v55 =	vld [tilespmem:s5+$0x8440];
	v9 =	vadd.f32 v9, v13;
	v3 =	vadd.f32 v3, v20  }
0x130: {  	v24 =	vmul.f32 v24, v4;
	v2 =	vadd.f32 v8, v2;
	v1 =	vadd.f32 v1, v15  }
0x131: {  	v56 =	vld [tilespmem:s5+$0xA440];
	v25 =	vmul.f32 v25, v4;
	v60 =	vadd.f32 v16, v19;
	v57 =	vadd.f32 v21, v27  }
0x132: {  	v12 =	vmul.f32 v12, v4;
	v24 =	vadd.f32 v24, v26;
	v9 =	vadd.f32 v14, v9  }
0x133: {  	v0 =	vmul.f32 v0, v4;
	v5 =	vadd.f32 v18, v5;
	[tilespmem:s5+$0x410] =	vst v3;
	v59 =	vadd.f32 v25, v57  }
0x134: {  	v58 =	vmul.f32 v23, v4;
	v6 =	vmul.f32 v55, v6;
	[tilespmem:s5+$0x400] =	vst v24;
	v9 =	vadd.f32 v12, v9  }
0x135: {  	v61 =	vmul.f32 v22, v4;
	v1 =	vadd.f32 v7, v1;
	v0 =	vadd.f32 v0, v5;
	[tilespmem:s5+$0x450] =	vst v59  }
0x136: {  	p1 =	seq.s32 s10, $0x7F;
	v62 =	vmul.f32 v56, v4;
	v3 =	vadd.f32 v58, v60;
	v2 =	vadd.f32 v6, v2;
	[tilespmem:s5+$0x470] =	vst v9  }
.Ltmp1:
0x137: {  	v1 =	vadd.f32 v61, v1;
	[tilespmem:s5+$0x430] =	vst v0;
	(pc) =	sbr.rel @p1 .LBB2_6-.Ltmp1, $4  }
0x138: {  	[tilespmem:s5+$0x460] =	vst v3;
	v63 =	vadd.f32 v62, v2  }
0x139: {  	s0 =	sshll.u32 s10, $0xB;
	[tilespmem:s5+$0x420] =	vst v1  }
0x13a: {  	s0 =	sadd.s32 s0, s6;
	[tilespmem:s5+$0x440] =	vst v63  }
0x13b: {  	[hbm4b:s0+s2] =	stream.linear.scatter [tilespmem:s29], [sflag:$0x3], $0x2000, $0x38;
	[tilespmem:$0x1C800] =	vst v63  }
0x13c: {  	s5 =	sshll.u32 s10, $0x7  }
0x13d: {  	v0 =	vld [tilespmem:s5+$0x14880]  }
0x13e: {  	v1 =	vld [tilespmem:s5+$0x18880];
	_ =	sdelay $0x4  }
0x13f: {  	v0 =	vmul.f32 $5.120000000e+02, v0;
	v1 =	vmul.f32 $5.120000000e+02, v1;
	_ =	sdelay $0x1  }
0x140: {  	v0 =	vadd.f32 $-5.000000000e-01, v0;
	v1 =	vadd.f32 $-5.000000000e-01, v1;
	_ =	sdelay $0x1  }
0x141: {  	v2 =	vtrunc.f32 v0;
	v3 =	vtrunc.f32 v1  }
0x142: {  	v2 =	vcvt.f32.s32 v2;
	v3 =	vcvt.f32.s32 v3;
	_ =	sdelay $0x1  }
0x143: {  	v2 =	vcvt.s32.f32 v2;
	v3 =	vcvt.s32.f32 v3;
	_ =	sdelay $0x1  }
0x144: {  	v4 =	vadd.f32 $-1.000000000e+00, v2;
	v5 =	vadd.f32 $-1.000000000e+00, v3  }
0x145: {  	vm0 =	vlt.f32 v0, v2;
	vm13 =	vlt.f32 v1, v3  }
0x146: {  	v2 =	vsel vm0, v4, v2;
	v3 =	vsel vm13, v5, v3  }
0x147: {  	v0 =	vsub.f32 v0, v2;
	v1 =	vsub.f32 v1, v3  }
0x148: {  	v4 =	vtrunc.f32 v2  }
0x149: {  	v5 =	vtrunc.f32 v3;
	v21 =	vsub.f32 $1.000000000e+00, v0;
	v7 =	vsub.f32 $1.000000000e+00, v1  }
0x14a: {  	v4 =	vcvt.f32.s32 v4;
	v5 =	vcvt.f32.s32 v5  }
0x14b: {  	v22 =	vmul.f32 v7, v21  }
0x14c: {  	vm14 =	vgt.s32 v4, $0x0;
	vm15 =	vgt.s32 v5, $0x0;
	v23 =	vmul.f32 v7, v0  }
0x14d: {  	v4 =	vnsel vm14, $0x0, v4;
	v19 =	vnsel vm15, $0x0, v5;
	v24 =	vmul.f32 v21, v1;
	[tilespmem:$0x14400] =	vst v22  }
0x14e: {  	v0 =	vmul.f32 v1, v0;
	v20 =	vmin.u32 v4, $0x1FF;
	v5 =	vmin.u32 v19, $0x1FF;
	[tilespmem:$0x14480] =	vst v23  }
0x14f: {  	v2 =	vmin.u32 v19, $0x1FE;
	v4 =	vmin.u32 v4, $0x1FE;
	v5 =	vshll.u32 v5, $0x9;
	[tilespmem:$0x14500] =	vst v24  }
0x150: {  	v2 =	vshll.u32 v2, $0x9;
	v4 =	vadd.s32 $0x1, v4;
	[tilespmem:$0x14580] =	vst v0;
	v6 =	vor.u32 v20, v5  }
0x151: {  	v2 =	vadd.s32 $0x200, v2;
	v5 =	vadd.s32 v4, v5;
	[tilespmem:$0x0] =	vst v6  }
0x152: {  	[tilespmem:$0x80] =	vst v5;
	v3 =	vor.u32 v20, v2  }
0x153: {  	v2 =	vadd.s32 v4, v2;
	[tilespmem:$0x100] =	vst v3  }
0x154: {  	[tilespmem:$0x180] =	vst v2  }
0x155: {  	v0 =	vld [tilespmem:s5+$0x14890]  }
0x156: {  	v25 =	vld [tilespmem:s5+$0x18890];
	_ =	sdelay $0x4  }
0x157: {  	v0 =	vmul.f32 $5.120000000e+02, v0;
	v1 =	vmul.f32 $5.120000000e+02, v25;
	_ =	sdelay $0x1  }
0x158: {  	v0 =	vadd.f32 $-5.000000000e-01, v0;
	v1 =	vadd.f32 $-5.000000000e-01, v1;
	_ =	sdelay $0x1  }
0x159: {  	v26 =	vtrunc.f32 v0;
	v27 =	vtrunc.f32 v1  }
0x15a: {  	v2 =	vcvt.f32.s32 v26;
	v3 =	vcvt.f32.s32 v27;
	_ =	sdelay $0x1  }
0x15b: {  	v2 =	vcvt.s32.f32 v2;
	v3 =	vcvt.s32.f32 v3;
	_ =	sdelay $0x1  }
0x15c: {  	v28 =	vadd.f32 $-1.000000000e+00, v2;
	v29 =	vadd.f32 $-1.000000000e+00, v3  }
0x15d: {  	vm4 =	vlt.f32 v0, v2;
	vm5 =	vlt.f32 v1, v3  }
0x15e: {  	v2 =	vsel vm4, v28, v2;
	v3 =	vsel vm5, v29, v3  }
0x15f: {  	v0 =	vsub.f32 v0, v2;
	v1 =	vsub.f32 v1, v3  }
0x160: {  	v4 =	vtrunc.f32 v2  }
0x161: {  	v5 =	vtrunc.f32 v3;
	v33 =	vsub.f32 $1.000000000e+00, v0;
	v34 =	vsub.f32 $1.000000000e+00, v1  }
0x162: {  	v4 =	vcvt.f32.s32 v4;
	v5 =	vcvt.f32.s32 v5  }
0x163: {  	v35 =	vmul.f32 v34, v33  }
0x164: {  	vm6 =	vgt.s32 v4, $0x0;
	vm7 =	vgt.s32 v5, $0x0;
	v36 =	vmul.f32 v34, v0  }
0x165: {  	v4 =	vnsel vm6, $0x0, v4;
	v30 =	vnsel vm7, $0x0, v5;
	v37 =	vmul.f32 v33, v1;
	[tilespmem:$0x14410] =	vst v35  }
0x166: {  	v0 =	vmul.f32 v1, v0;
	v31 =	vmin.u32 v4, $0x1FF;
	v5 =	vmin.u32 v30, $0x1FF;
	[tilespmem:$0x14490] =	vst v36  }
0x167: {  	v2 =	vmin.u32 v30, $0x1FE;
	v4 =	vmin.u32 v4, $0x1FE;
	v5 =	vshll.u32 v5, $0x9;
	[tilespmem:$0x14510] =	vst v37  }
0x168: {  	v2 =	vshll.u32 v2, $0x9;
	v4 =	vadd.s32 $0x1, v4;
	[tilespmem:$0x14590] =	vst v0;
	v32 =	vor.u32 v31, v5  }
0x169: {  	v2 =	vadd.s32 $0x200, v2;
	v5 =	vadd.s32 v4, v5;
	[tilespmem:$0x10] =	vst v32  }
0x16a: {  	[tilespmem:$0x90] =	vst v5;
	v3 =	vor.u32 v31, v2  }
0x16b: {  	v2 =	vadd.s32 v4, v2;
	[tilespmem:$0x110] =	vst v3  }
0x16c: {  	[tilespmem:$0x190] =	vst v2  }
0x16d: {  	v0 =	vld [tilespmem:s5+$0x148A0]  }
0x16e: {  	v38 =	vld [tilespmem:s5+$0x188A0];
	_ =	sdelay $0x4  }
0x16f: {  	v0 =	vmul.f32 $5.120000000e+02, v0;
	v1 =	vmul.f32 $5.120000000e+02, v38;
	_ =	sdelay $0x1  }
0x170: {  	v0 =	vadd.f32 $-5.000000000e-01, v0;
	v1 =	vadd.f32 $-5.000000000e-01, v1;
	_ =	sdelay $0x1  }
0x171: {  	v39 =	vtrunc.f32 v0;
	v40 =	vtrunc.f32 v1  }
0x172: {  	v2 =	vcvt.f32.s32 v39;
	v3 =	vcvt.f32.s32 v40;
	_ =	sdelay $0x1  }
0x173: {  	v2 =	vcvt.s32.f32 v2;
	v3 =	vcvt.s32.f32 v3;
	_ =	sdelay $0x1  }
0x174: {  	v41 =	vadd.f32 $-1.000000000e+00, v2;
	v42 =	vadd.f32 $-1.000000000e+00, v3  }
0x175: {  	vm8 =	vlt.f32 v0, v2;
	vm9 =	vlt.f32 v1, v3  }
0x176: {  	v2 =	vsel vm8, v41, v2;
	v3 =	vsel vm9, v42, v3  }
0x177: {  	v0 =	vsub.f32 v0, v2;
	v1 =	vsub.f32 v1, v3  }
0x178: {  	v4 =	vtrunc.f32 v2  }
0x179: {  	v5 =	vtrunc.f32 v3;
	v46 =	vsub.f32 $1.000000000e+00, v0;
	v47 =	vsub.f32 $1.000000000e+00, v1  }
0x17a: {  	v4 =	vcvt.f32.s32 v4;
	v5 =	vcvt.f32.s32 v5  }
0x17b: {  	v48 =	vmul.f32 v47, v46  }
0x17c: {  	vm10 =	vgt.s32 v4, $0x0;
	vm11 =	vgt.s32 v5, $0x0;
	v49 =	vmul.f32 v47, v0  }
0x17d: {  	v4 =	vnsel vm10, $0x0, v4;
	v43 =	vnsel vm11, $0x0, v5;
	v50 =	vmul.f32 v46, v1;
	[tilespmem:$0x14420] =	vst v48  }
0x17e: {  	v0 =	vmul.f32 v1, v0;
	v44 =	vmin.u32 v4, $0x1FF;
	v5 =	vmin.u32 v43, $0x1FF;
	[tilespmem:$0x144A0] =	vst v49  }
0x17f: {  	v2 =	vmin.u32 v43, $0x1FE;
	v4 =	vmin.u32 v4, $0x1FE;
	v5 =	vshll.u32 v5, $0x9;
	[tilespmem:$0x14520] =	vst v50  }
0x180: {  	v2 =	vshll.u32 v2, $0x9;
	v4 =	vadd.s32 $0x1, v4;
	[tilespmem:$0x145A0] =	vst v0;
	v45 =	vor.u32 v44, v5  }
0x181: {  	v2 =	vadd.s32 $0x200, v2;
	v5 =	vadd.s32 v4, v5;
	[tilespmem:$0x20] =	vst v45  }
0x182: {  	[tilespmem:$0xA0] =	vst v5;
	v3 =	vor.u32 v44, v2  }
0x183: {  	v2 =	vadd.s32 v4, v2;
	[tilespmem:$0x120] =	vst v3  }
0x184: {  	[tilespmem:$0x1A0] =	vst v2  }
0x185: {  	v0 =	vld [tilespmem:s5+$0x148B0]  }
0x186: {  	v51 =	vld [tilespmem:s5+$0x188B0];
	_ =	sdelay $0x4  }
0x187: {  	v0 =	vmul.f32 $5.120000000e+02, v0;
	v1 =	vmul.f32 $5.120000000e+02, v51;
	_ =	sdelay $0x1  }
0x188: {  	v0 =	vadd.f32 $-5.000000000e-01, v0;
	v1 =	vadd.f32 $-5.000000000e-01, v1;
	_ =	sdelay $0x1  }
0x189: {  	v52 =	vtrunc.f32 v0;
	v53 =	vtrunc.f32 v1  }
0x18a: {  	v2 =	vcvt.f32.s32 v52;
	v3 =	vcvt.f32.s32 v53;
	_ =	sdelay $0x1  }
0x18b: {  	v2 =	vcvt.s32.f32 v2;
	v3 =	vcvt.s32.f32 v3;
	_ =	sdelay $0x1  }
0x18c: {  	v54 =	vadd.f32 $-1.000000000e+00, v2;
	v55 =	vadd.f32 $-1.000000000e+00, v3  }
0x18d: {  	vm12 =	vlt.f32 v0, v2;
	vm13 =	vlt.f32 v1, v3  }
0x18e: {  	v2 =	vsel vm12, v54, v2;
	v3 =	vsel vm13, v55, v3  }
0x18f: {  	v0 =	vsub.f32 v0, v2;
	v1 =	vsub.f32 v1, v3  }
0x190: {  	v4 =	vtrunc.f32 v2  }
0x191: {  	v5 =	vtrunc.f32 v3;
	v59 =	vsub.f32 $1.000000000e+00, v0;
	v60 =	vsub.f32 $1.000000000e+00, v1  }
0x192: {  	v4 =	vcvt.f32.s32 v4;
	v5 =	vcvt.f32.s32 v5  }
0x193: {  	v61 =	vmul.f32 v60, v59  }
0x194: {  	vm14 =	vgt.s32 v4, $0x0;
	vm15 =	vgt.s32 v5, $0x0;
	v62 =	vmul.f32 v60, v0  }
0x195: {  	v4 =	vnsel vm14, $0x0, v4;
	v56 =	vnsel vm15, $0x0, v5;
	v63 =	vmul.f32 v59, v1;
	[tilespmem:$0x14430] =	vst v61  }
0x196: {  	v0 =	vmul.f32 v1, v0;
	v57 =	vmin.u32 v4, $0x1FF;
	v5 =	vmin.u32 v56, $0x1FF;
	[tilespmem:$0x144B0] =	vst v62  }
0x197: {  	v2 =	vmin.u32 v56, $0x1FE;
	v4 =	vmin.u32 v4, $0x1FE;
	v5 =	vshll.u32 v5, $0x9;
	[tilespmem:$0x14530] =	vst v63  }
0x198: {  	v2 =	vshll.u32 v2, $0x9;
	v4 =	vadd.s32 $0x1, v4;
	[tilespmem:$0x145B0] =	vst v0;
	v58 =	vor.u32 v57, v5  }
0x199: {  	v2 =	vadd.s32 $0x200, v2;
	v5 =	vadd.s32 v4, v5;
	[tilespmem:$0x30] =	vst v58  }
0x19a: {  	[tilespmem:$0xB0] =	vst v5;
	v3 =	vor.u32 v57, v2  }
0x19b: {  	v2 =	vadd.s32 v4, v2;
	[tilespmem:$0x130] =	vst v3  }
0x19c: {  	[tilespmem:$0x1B0] =	vst v2  }
0x19d: {  	[tilespmem:s12], [sflag:$0x1] =	stream.indirect.gather [hbm4b:s3+s11], $0x80, s2, s11, $0xb8;
	[tilespmem:$0x1C800] =	vst v63  }
0x19e: {  	_ = 	snop  }
0x19f: {  	[tilespmem:s14], [sflag:$0x1] =	stream.indirect.gather [hbm4b:s3+s11], $0x80, s13, s11, $0xb8;
	[tilespmem:$0x1C800] =	vst v63  }
0x1a0: {  	_ = 	snop  }
0x1a1: {  	[tilespmem:s16], [sflag:$0x1] =	stream.indirect.gather [hbm4b:s3+s11], $0x80, s15, s11, $0xb8;
	[tilespmem:$0x1C800] =	vst v63  }
0x1a2: {  	_ = 	snop  }
0x1a3: {  	[tilespmem:s18], [sflag:$0x1] =	stream.indirect.gather [hbm4b:s3+s11], $0x80, s17, s11, $0xb8;
	[tilespmem:$0x1C800] =	vst v63  }
.LBB2_6:
0x1a4: {  	_ =	swait.ge [sflag:s30], $0x2000  }
0x1a5: {  	[sflag:s30] =	ssyncset.done $0x0  }
0x1a6: {  	[sflag:s30] =	ssyncadd.s32 $0xFFFFE000  }
0x1a7: {  	_ =	swait.ge [sflag:s30], $0x2000  }
0x1a8: {  	[sflag:s30] =	ssyncset.done $0x0  }
0x1a9: {  	[sflag:s30] =	ssyncadd.s32 $0xFFFFE000  }
0x1aa: {  	_ =	swait.ge [sflag:s30], $0x2000  }
0x1ab: {  	[sflag:s30] =	ssyncset.done $0x0  }
0x1ac: {  	[sflag:s30] =	ssyncadd.s32 $0xFFFFE000  }
0x1ad: {  	_ =	swait.ge [sflag:s30], $0x2000  }
0x1ae: {  	[sflag:s30] =	ssyncset.done $0x0  }
0x1af: {  	s0 =	simm.s32 @!p0 $0x4;
	[sflag:s30] =	ssyncadd.s32 $0xFFFFE000  }
0x1b0: {  	_ =	swait.ge @!p0 [sflag:s0], $0x2000  }
0x1b1: {  	[sflag:s0] =	ssyncset.done @!p0 $0x0  }
0x1b2: {  	s5 =	simm.s32 $0x0;
	[sflag:s0] =	ssyncadd.s32 @!p0 $0xFFFFE000  }
0x1b3: {  	v15 =	vld [tilespmem:s5+$0xC400]  }
0x1b4: {  	v14 =	vld [tilespmem:s5+$0xE400]  }
0x1b5: {  	v7 =	vld [tilespmem:s5+$0xC410]  }
0x1b6: {  	v8 =	vld [tilespmem:s5+$0xE410]  }
0x1b7: {  	v16 =	vld [tilespmem:s5+$0xC420]  }
0x1b8: {  	v1 =	vld [tilespmem:s5+$0xE420]  }
0x1b9: {  	v5 =	vld [tilespmem:s5+$0xC430]  }
0x1ba: {  	v17 =	vld [tilespmem:s5+$0xE430]  }
0x1bb: {  	v2 =	vld [tilespmem:s5+$0xC440]  }
0x1bc: {  	v13 =	vld [tilespmem:s5+$0xE440]  }
0x1bd: {  	v23 =	vld [tilespmem:s5+$0xC450]  }
0x1be: {  	v3 =	vld [tilespmem:s5+$0x12410]  }
0x1bf: {  	v0 =	vld [tilespmem:s5+$0x12430]  }
0x1c0: {  	v9 =	vld [tilespmem:s5+$0xE470]  }
0x1c1: {  	v12 =	vld [tilespmem:s5+$0x12470]  }
0x1c2: {  	v18 =	vld [tilespmem:s5+$0x10430]  }
0x1c3: {  	v20 =	vld [tilespmem:s5+$0x10470]  }
0x1c4: {  	v21 =	vld [tilespmem:s5+$0x10420]  }
0x1c5: {  	s7 =	simm.s32 $0x14700;
	v22 =	vld [tilespmem:s5+$0xC470]  }
0x1c6: {  	v11 =	vld.msk [tilespmem:s7+$0xFFFFFF80 ss:$0x0], $0xffff  }
0x1c7: {  	v10 =	vld.msk [tilespmem:s7+$0xFFFFFF00 ss:$0x0], $0xffff  }
0x1c8: {  	v19 =	vld [tilespmem:s5+$0xE460]  }
0x1c9: {  	v6 =	vld.msk [tilespmem:s7+$0x0 ss:$0x0], $0xffff  }
0x1ca: {  	v24 =	vld [tilespmem:s5+$0x10410]  }
0x1cb: {  	v4 =	vld.msk [tilespmem:s7+$0x80 ss:$0x0], $0xffff  }
0x1cc: {  	v29 =	vld [tilespmem:s5+$0x10450];
	v28 =	vmul.f32 v8, v11;
	v8 =	vmul.f32 v13, v11  }
0x1cd: {  	v31 =	vld [tilespmem:s5+$0x10460];
	v19 =	vmul.f32 v19, v11;
	v13 =	vmul.f32 v22, v10  }
0x1ce: {  	v34 =	vld [tilespmem:s5+$0xC460];
	v32 =	vmul.f32 v7, v10;
	v17 =	vmul.f32 v17, v11  }
0x1cf: {  	v22 =	vld [tilespmem:s5+$0x10400];
	v33 =	vmul.f32 v24, v6;
	v7 =	vmul.f32 v21, v6  }
0x1d0: {  	v27 =	vld [tilespmem:s5+$0xE450];
	v26 =	vmul.f32 v14, v11;
	v14 =	vmul.f32 v20, v6  }
0x1d1: {  	v25 =	vld [tilespmem:s5+$0x12450];
	v30 =	vmul.f32 v15, v10;
	v18 =	vmul.f32 v18, v6  }
0x1d2: {  	v24 =	vld [tilespmem:s5+$0x12400];
	v15 =	vmul.f32 v16, v10;
	v21 =	vmul.f32 v29, v6;
	v20 =	vadd.f32 v28, v32  }
0x1d3: {  	v16 =	vmul.f32 v31, v6;
	v28 =	vmul.f32 v23, v10;
	v23 =	vld [tilespmem:s5+$0x12460]  }
0x1d4: {  	s0 =	simm.s32 $0x200;
	v31 =	vmul.f32 v34, v10;
	v20 =	vadd.f32 v33, v20;
	v29 =	vmul.f32 v22, v6;
	v22 =	vld [tilespmem:s5+$0x12420]  }
.LBB2_7:
0x1d5: {  	p0 =	sne.s32 s0, $0x7E00  }
0x1d6: {  	v26 =	vadd.f32 v26, v30;
	v30 =	vld [tilespmem:s5+$0x12440];
	v27 =	vmul.f32 v27, v11;
	v12 =	vmul.f32 v12, v4;
	s7 =	sadd.s32 $0x1, s7;
	s1 =	smov.u32 s0;
	s0 =	sadd.s32 $0x200, s0  }
0x1d7: {  	v5 =	vmul.f32 v5, v10;
	s1 =	sshra.s32 s1, $0x2;
	v32 =	vld [tilespmem:s5+$0x10440];
	v25 =	vmul.f32 v25, v4;
	v19 =	vadd.f32 v19, v31  }
0x1d8: {  	v9 =	vmul.f32 v9, v11;
	v31 =	vld [tilespmem:s1+$0xC400];
	v26 =	vadd.f32 v29, v26;
	v24 =	vmul.f32 v24, v4  }
0x1d9: {  	v11 =	vmul.f32 v1, v11;
	v1 =	vadd.f32 v27, v28;
	v29 =	vld [tilespmem:s1+$0xE400];
	v22 =	vmul.f32 v22, v4  }
0x1da: {  	v5 =	vadd.f32 v17, v5;
	v27 =	vld [tilespmem:s1+$0xC410];
	v24 =	vadd.f32 v24, v26;
	v17 =	vmul.f32 v23, v4  }
0x1db: {  	v3 =	vmul.f32 v3, v4;
	v2 =	vmul.f32 v2, v10;
	v9 =	vadd.f32 v9, v13;
	v23 =	vld [tilespmem:s1+$0xE410]  }
0x1dc: {  	v10 =	vadd.f32 v18, v5;
	v13 =	vadd.f32 v21, v1;
	v28 =	vld [tilespmem:s1+$0xC420];
	[tilespmem:s5+$0x2400] =	vst v24;
	v6 =	vmul.f32 v32, v6  }
0x1dd: {  	v3 =	vadd.f32 v3, v20;
	v9 =	vadd.f32 v14, v9;
	v18 =	vmul.f32 v30, v4;
	v1 =	vld [tilespmem:s1+$0xE420]  }
0x1de: {  	v8 =	vadd.f32 v8, v2;
	v13 =	vadd.f32 v25, v13;
	v5 =	vld [tilespmem:s1+$0xC430]  }
0x1df: {  	v0 =	vmul.f32 v0, v4;
	v4 =	vadd.f32 v16, v19;
	v14 =	vld [tilespmem:s1+$0xE430];
	[tilespmem:s5+$0x2410] =	vst v3;
	v3 =	vadd.f32 v11, v15  }
0x1e0: {  	v9 =	vadd.f32 v12, v9;
	v2 =	vld [tilespmem:s1+$0xC440];
	[tilespmem:s5+$0x2450] =	vst v13  }
0x1e1: {  	v0 =	vadd.f32 v0, v10;
	v13 =	vld [tilespmem:s1+$0xE440];
	v7 =	vadd.f32 v7, v3  }
0x1e2: {  	v4 =	vadd.f32 v17, v4;
	v6 =	vadd.f32 v6, v8;
	v32 =	vld [tilespmem:s1+$0xC450];
	[tilespmem:s5+$0x2470] =	vst v9  }
0x1e3: {  	v3 =	vld [tilespmem:s1+$0x12410];
	v7 =	vadd.f32 v22, v7;
	[tilespmem:s5+$0x2430] =	vst v0  }
0x1e4: {  	v6 =	vadd.f32 v18, v6;
	v0 =	vld [tilespmem:s1+$0x12430];
	[tilespmem:s5+$0x2460] =	vst v4  }
0x1e5: {  	v9 =	vld [tilespmem:s1+$0xE470];
	[tilespmem:s5+$0x2420] =	vst v7  }
0x1e6: {  	v12 =	vld [tilespmem:s1+$0x12470];
	[tilespmem:s5+$0x2440] =	vst v6;
	s5 =	smov.u32 s1  }
0x1e7: {  	v15 =	vld [tilespmem:s5+$0x10430]  }
0x1e8: {  	v16 =	vld [tilespmem:s5+$0x10470]  }
0x1e9: {  	v7 =	vld [tilespmem:s5+$0x10420]  }
0x1ea: {  	v17 =	vld [tilespmem:s5+$0xC470]  }
0x1eb: {  	v11 =	vld.msk [tilespmem:s7+$0xFFFFFF80 ss:$0x0], $0xffff  }
0x1ec: {  	v10 =	vld.msk [tilespmem:s7+$0xFFFFFF00 ss:$0x0], $0xffff  }
0x1ed: {  	v18 =	vld [tilespmem:s5+$0xE460]  }
0x1ee: {  	v6 =	vld.msk [tilespmem:s7+$0x0 ss:$0x0], $0xffff  }
0x1ef: {  	v20 =	vld [tilespmem:s5+$0x10410]  }
0x1f0: {  	v4 =	vld.msk [tilespmem:s7+$0x80 ss:$0x0], $0xffff  }
0x1f1: {  	v21 =	vmul.f32 v23, v11;
	v8 =	vmul.f32 v13, v11;
	v22 =	vld [tilespmem:s5+$0x10450]  }
0x1f2: {  	v13 =	vmul.f32 v17, v10;
	v19 =	vmul.f32 v18, v11;
	v23 =	vld [tilespmem:s5+$0x10460]  }
0x1f3: {  	v17 =	vmul.f32 v14, v11;
	v18 =	vmul.f32 v27, v10;
	v33 =	vld [tilespmem:s5+$0x10400]  }
0x1f4: {  	v7 =	vmul.f32 v7, v6;
	v20 =	vmul.f32 v20, v6;
	v34 =	vld [tilespmem:s5+$0xC460]  }
.Ltmp2:
0x1f5: {  	v26 =	vmul.f32 v29, v11;
	v14 =	vmul.f32 v16, v6;
	v21 =	vadd.f32 v21, v18;
	v27 =	vld [tilespmem:s5+$0xE450];
	(pc) =	sbr.rel @p0 .LBB2_7-.Ltmp2, $4  }
0x1f6: {  	v30 =	vmul.f32 v31, v10;
	v18 =	vmul.f32 v15, v6;
	v25 =	vld [tilespmem:s5+$0x12450]  }
0x1f7: {  	v15 =	vmul.f32 v28, v10;
	v20 =	vadd.f32 v20, v21;
	v21 =	vmul.f32 v22, v6;
	v24 =	vld [tilespmem:s5+$0x12400]  }
0x1f8: {  	v16 =	vmul.f32 v23, v6;
	v29 =	vmul.f32 v33, v6;
	v22 =	vld [tilespmem:s5+$0x12420]  }
0x1f9: {  	v28 =	vmul.f32 v32, v10;
	v31 =	vmul.f32 v34, v10;
	v23 =	vld [tilespmem:s5+$0x12460]  }
0x1fa: {  	v26 =	vadd.f32 v26, v30;
	v27 =	vmul.f32 v27, v11;
	v5 =	vmul.f32 v5, v10  }
0x1fb: {  	v9 =	vmul.f32 v9, v11;
	v3 =	vmul.f32 v3, v4  }
0x1fc: {  	v2 =	vmul.f32 v2, v10;
	v19 =	vadd.f32 v19, v31;
	v26 =	vadd.f32 v29, v26  }
0x1fd: {  	v1 =	vmul.f32 v1, v11;
	v5 =	vadd.f32 v17, v5;
	v27 =	vadd.f32 v27, v28  }
0x1fe: {  	v55 =	vld [tilespmem:s5+$0x10440];
	v9 =	vadd.f32 v9, v13;
	v3 =	vadd.f32 v3, v20  }
0x1ff: {  	v24 =	vmul.f32 v24, v4;
	v2 =	vadd.f32 v8, v2;
	v1 =	vadd.f32 v1, v15  }
0x200: {  	v56 =	vld [tilespmem:s5+$0x12440];
	v25 =	vmul.f32 v25, v4;
	v60 =	vadd.f32 v16, v19;
	v57 =	vadd.f32 v21, v27  }
0x201: {  	v12 =	vmul.f32 v12, v4;
	v24 =	vadd.f32 v24, v26;
	v9 =	vadd.f32 v14, v9  }
0x202: {  	v0 =	vmul.f32 v0, v4;
	v5 =	vadd.f32 v18, v5;
	[tilespmem:s5+$0x2410] =	vst v3;
	v59 =	vadd.f32 v25, v57  }
0x203: {  	v58 =	vmul.f32 v23, v4;
	v6 =	vmul.f32 v55, v6;
	[tilespmem:s5+$0x2400] =	vst v24;
	v9 =	vadd.f32 v12, v9  }
0x204: {  	s10 =	sadd.s32 $0x1, s10;
	v61 =	vmul.f32 v22, v4;
	v1 =	vadd.f32 v7, v1;
	v0 =	vadd.f32 v0, v5;
	[tilespmem:s5+$0x2450] =	vst v59  }
0x205: {  	p0 =	sne.s32 s10, $0x80;
	v62 =	vmul.f32 v56, v4;
	v3 =	vadd.f32 v58, v60;
	v2 =	vadd.f32 v6, v2;
	[tilespmem:s5+$0x2470] =	vst v9  }
.Ltmp3:
0x206: {  	v1 =	vadd.f32 v61, v1;
	[tilespmem:s5+$0x2430] =	vst v0;
	(pc) =	sbr.rel @p0 .LBB2_2-.Ltmp3, $4  }
0x207: {  	[tilespmem:s5+$0x2460] =	vst v3;
	v63 =	vadd.f32 v62, v2  }
0x208: {  	s0 =	sshll.u32 s4, $0xA;
	[tilespmem:s5+$0x2420] =	vst v1  }
0x209: {  	s0 =	sadd.s32 s0, s6;
	[tilespmem:s5+$0x2440] =	vst v63  }
0x20a: {  	[hbm4b:s0+s2] =	stream.linear.scatter [tilespmem:s31], [sflag:$0x4], $0x2000, $0x38;
	[tilespmem:$0x1C800] =	vst v63  }
0x20b: {  	s0 =	simm.s32 $0x3  }
0x20c: {  	_ =	swait.ge [sflag:s0], $0x2000  }
0x20d: {  	[sflag:s0] =	ssyncset.done $0x0  }
0x20e: {  	s1 =	simm.s32 $0x4;
	[sflag:s0] =	ssyncadd.s32 $0xFFFFE000  }
0x20f: {  	_ =	swait.ge [sflag:s1], $0x2000  }
0x210: {  	s8 =	sadd.s32 $0x1, s8;
	s10 =	rddreg [dreg:$0x5]  }
0x211: {  	p0 =	sne.s32 s8, s10  }
.Ltmp4:
0x212: {  	_ = 	snop;
	(pc) =	sbr.rel @p0 .LBB2_1-.Ltmp4, $3  }
0x213: {  	_ =	sdelay $0x1  }
0x214: {  	[sflag:s1] =	ssyncset.done $0x0  }
0x215: {  	[sflag:s1] =	ssyncadd.s32 $0xFFFFE000  }
0x216: {  	_ =	sfence.sel $0x180000  }
0x217: {  	[bflag:$0x0] =	sbarrier.arrive $0xFFFF  }
0x218: {  	_ =	strace $0x9000004A  }
0x219: {  	s0 =	stileid.u32;
	[bflag:$0x2] =	sbarrier.arrive $0xFFFF  }
0x21a: {  	p0 =	sne.s32 s0, $0x0;
	s0 =	rddreg [dreg:$0x2]  }
0x21b: {  	s0 =	sadd.s32 @!p0 $0x100000, s0  }
0x21c: {  	[sflag:s0] =	ssyncadd.tile.s32 @!p0 $0x1;
	_ =	shalt  }
.Lfunc_end2:
_tile_overlayer_lowered:
.L_overlay_start_2:
0x21d: {  	(tag) =	ssettag $0x2  }
0x21e: {  	s0 =	rddreg [dreg:$0x0];
	s2 =	stileid.u32  }
0x21f: {  	s1 =	rddreg [dreg:$0x1];
	p0 =	sne.s32 s2, $0x0  }
0x220: {  	s3 =	rddreg [dreg:$0x2];
	[bflag:$0x3] =	sbarrier.arrive $0xFFFF;
	s2 =	simm.s32 @!p0 $0x1C05  }
0x221: {  	[timem:s3], [sflag:s2] =	dma.local @!p0 [hbm:s0], s1  }
0x222: {  	s0 =	simm.s32 @!p0 $0x5  }
0x223: {  	_ =	swait.ge @!p0 [sflag:s0], s1  }
0x224: {  	s1 =	ssub.s32 @!p0 $0x0, s1;
	[sflag:s0] =	ssyncset.done @!p0 $0x0  }
0x225: {  	[sflag:s0] =	ssyncadd.s32 @!p0 s1  }
0x226: {  	[bflag:$0x3] =	sbarrier.arrive $0xFFFF  }
0x227: {  	_ =	shalt  }

// kernel: sparse-core-data-format-call.cloned.1.call-start
scs
called_computation_lowered:
.L_overlay_start_0:
0x0: {  	s2 =	sld [smem:$0x3FD9]  }
0x1: {  	s3 =	sld [smem:$0x3FFE];
	_ =	sdelay $0x1  }
0x2: {  	s1 =	srdreg.scid  }
0x3: {  	s0 =	sand.u32 $0x1, s1  }
0x4: {  	s18 =	sshll.u32 s0, $0xA;
	s2 =	sadd.s32 s3, s2  }
0x5: {  	s2 =	sadd.s32 s2, s18  }
0x6: {  	[smem:$0x3FC6] =	sst s2  }
0x7: {  	_ = 	snop  }
0x8: {  	s2 =	sld [smem:$0x3FC8];
	(tm) =	ssettm $0x1  }
0x9: {  	s19 =	sld [smem:$0x3FFB];
	_ =	sdelay $0x3  }
0xa: {  	_ =	strace s19  }
0xb: {  	s3 =	sld [smem:$0x3FFC];
	_ =	sdelay $0x3  }
0xc: {  	_ =	strace s3  }
0xd: {  	s3 =	sld [smem:$0x3FFD];
	_ =	sdelay $0x3  }
0xe: {  	_ =	strace s3  }
0xf: {  	_ =	strace $0x8FFFFFFF  }
0x10: {  	s20 =	sld [smem:$0x3FDB];
	_ =	sdelay $0x1  }
0x11: {  	s4 =	simm.s32 $_scs_section_size  }
0x12: {  	s5 =	simm.s32 $_size__tile_overlayer_lowered;
	s6 =	simm.s32 $_tile_overlayer_lowered  }
0x13: {  	s23 =	simm.s32 $0x1BFF;
	s22 =	sshll.u32 s6, $0x1;
	s3 =	sadd.s32 s4, s20  }
0x14: {  	s7 =	simm.s32 $0x0;
	s21 =	sshll.u32 s5, $0x1;
	s5 =	sadd.s32 s22, s3  }
0x15: {  	[timem:s7], [sflag:s23] =	dma.local [hbm:s5], s21  }
0x16: {  	_ =	swait.ge [sflag:s23], s21  }
0x17: {  	s4 =	ssub.s32 $0x0, s21;
	[sflag:s23] =	ssyncset.done $0x0  }
0x18: {  	[sflag:s23] =	ssyncadd.s32 s4;
	_ =	sdelay $0x1  }
0x19: {  	s24 =	simm.s32 $0x1B8B  }
0x1a: {  	_ =	swait.ge [sflag:s24], $0x1  }
0x1b: {  	[sflag:s24] =	ssyncset.done $0x0  }
0x1c: {  	s26 =	simm.s32 $0x1B8E;
	s25 =	sld [smem:$0x3FFE];
	[sflag:s24] =	ssyncadd.s32 $0xFFFFFFFF  }
0x1d: {  	s27 =	simm.s32 $execute0_lowered;
	[smem:$0x3FD2] =	sst s26  }
0x1e: {  	s5 =	sshll.u32 s27, $0x1;
	_ =	strace $0x80000046;
	[dreg:$0x1] =	wrdreg $0xFFFFFFFF  }
0x1f: {  	s28 =	simm.s32 $_size_execute0_lowered;
	s3 =	sadd.s32 s3, s5;
	[dreg:$0x0] =	wrdreg $0x0  }
0x20: {  	s5 =	sshll.u32 s28, $0x1;
	[dreg:$0x2] =	wrdreg s3  }
0x21: {  	[dreg:$0x3] =	wrdreg s5  }
0x22: {  	[dreg:$0x4] =	wrdreg $0xC0  }
0x23: {  	_ =	task [dreg:s7], $0x5FFFF  }
0x24: {  	[dreg:$0x1] =	wrdreg $0xFFFFFFFF  }
0x25: {  	[dreg:$0x0] =	wrdreg $0x60  }
0x26: {  	[dreg:$0x2] =	wrdreg s2  }
0x27: {  	[dreg:$0x3] =	wrdreg s25  }
0x28: {  	[dreg:$0x4] =	wrdreg $0x9  }
0x29: {  	_ =	task.clear_ibuf [dreg:s7], $0x5FFFF;
	_ =	strace $0x90000046  }
0x2a: {  	s29 =	simm.s32 $0x9;
	_ =	strace $0x80000048  }
0x2b: {  	_ =	swait.ge [sflag:s29], $0x1  }
0x2c: {  	[sflag:s29] =	ssyncadd.s32 $0xFFFFFFFF  }
0x2d: {  	_ =	strace $0x90000048  }
0x2e: {  	_ =	sfence  }
0x2f: {  	s30 =	sld [smem:$0x0];
	_ =	sdelay $0x2  }
0x30: {  	s31 =	sshll.u32 s1, $0xD;
	s1 =	sshrl.u32 s1, $0x2  }
0x31: {  	s3 =	sand.u32 $0x4000, s31;
	s1 =	sadd.s32 s1, s30  }
0x32: {  	s0 =	sor.u32 s3, s0;
	s1 =	sshll.u32 s1, $0x11  }
0x33: {  	s0 =	sor.u32 s1, s0  }
0x34: {  	s0 =	sadd.s32 $0x8F2B, s0  }
0x35: {  	[sflag:s0] =	ssyncadd.remote.s32 $0x1  }
0x36: {  	_ =	sfence.sel $0xFFFF  }
0x37: {  	[dreg:$0x0] =	wrdreg $0xFFFFFFFF;
	(pc) =	sbr.abs _section_cstart, $3  }
0x38: {  	[dreg:$0x1] =	wrdreg $0xFFFFFFFF  }
0x39: {  	_ =	task.clear_ibuf [dreg:s7], $0x2FFFF;
	_ =	strace $0x9FFFFFFF  }
0x3a: {  	(tm) =	ssettm $0x7FFFFFFF  }
0x3b: {  	_ =	shalt  }
tec
execute0_lowered:
.L_overlay_start_1:
0x0: {  	(tag) =	ssettag $0x1  }
0x1: {  	s2 =	rddreg [dreg:$0x0]  }
0x2: {  	s1 =	rddreg [dreg:$0x1]  }
0x3: {  	s0 =	rddreg [dreg:$0x2];
	_ =	strace $0x80000047;
	s4 =	srdreg.scid  }
0x4: {  	s6 =	simm.s32 $0x2;
	s12 =	simm.s32 $0x0;
	p0 =	por $0x0, $0x0  }
.Ltmp0:
0x5: {  	s11 =	simm.s32 $0x0;
	s10 =	simm.s32 $0x0;
	(pc) =	sbr.rel .LBB1_1-.Ltmp0, $4  }
0x6: {  	s7 =	simm.s32 $0x0;
	s3 =	sadd.s32 $0xC00, s1;
	s5 =	sshll.u32 s4, $0x4  }
0x7: {  	s1 =	stileid.u32;
	s4 =	simm.s32 $0x1;
	s5 =	sand.u32 $0x10, s5  }
0x8: {  	s9 =	simm.s32 $0x0;
	[sflag:s4] =	ssyncpa.u1 $0x0;
	s5 =	sor.u32 s1, s5  }
0x9: {  	[sflag:s6] =	ssyncpa.u1 $0x0;
	s6 =	simm.s32 $0x0;
	s8 =	smov.u32 s5  }
.LBB1_5:
0xa: {  	s13 =	sadd.s32 $0x80, s7  }
0xb: {  	s10 =	sadd.s32 $0x20, s8;
	s14 =	smov.u32 s8;
	p2 =	sgt.s32 s13, $0x1FF  }
0xc: {  	s14 =	smov.u32 @p2 s10  }
0xd: {  	s16 =	smov.u32 s9;
	s10 =	sadd.s32 $0x80, s9;
	p3 =	sgt.s32 s14, $0x1FF  }
0xe: {  	p1 =	slt.u32 s6, $0x2;
	s16 =	smov.u32 @p3 s10  }
0xf: {  	s6 =	sadd.s32 $0x1, s6;
	s13 =	simm.s32 @p2 $0x0;
	p2 =	sgt.s32 s16, $0x7F  }
0x10: {  	s16 =	simm.s32 @p2 $0x0;
	p2 =	sne.s32 s6, $0x42  }
.Ltmp1:
0x11: {  	s15 =	simm.s32 @!p1 $0x2;
	(pc) =	sbr.rel @!p2 .LBB1_6-.Ltmp1, $4  }
0x12: {  	s12 =	smov.u32 s7;
	_ =	swait.ge @!p1 [sflag:s15], $0x4000  }
0x13: {  	s11 =	smov.u32 s8;
	p0 =	por !p0, !p0;
	[sflag:s15] =	ssyncset.done @!p1 $0x0  }
0x14: {  	s7 =	smov.u32 s13;
	s14 =	smov.u32 @p3 s5;
	s10 =	smov.u32 s9  }
0x15: {  	[sflag:s15] =	ssyncadd.s32 @!p1 $0xFFFFC000;
	s8 =	smov.u32 s14;
	s9 =	smov.u32 s16  }
.LBB1_1:
0x16: {  	p1 =	sgt.u32 s6, $0x3F  }
0x17: {  	s13 =	sxor.u32 @!p1 $0xFFFFFFFF, s6  }
0x18: {  	s14 =	sshll.u32 @!p1 s8, $0x9;
	s15 =	sshll.u32 @!p1 s7, $0x3;
	s16 =	sshll.u32 @!p1 s8, $0x7  }
0x19: {  	s17 =	sand.u32 @!p1 $0x78, s7;
	s14 =	sand.u32 @!p1 $0x3F000, s14;
	s15 =	sand.u32 @!p1 $0x3FC00, s15  }
0x1a: {  	s13 =	sshll.u32 @!p1 s13, $0xE;
	s14 =	sadd.s32 @!p1 s14, s15;
	s15 =	sand.u32 @!p1 $0x200, s16  }
0x1b: {  	s13 =	sand.u32 @!p1 $0x4000, s13;
	s14 =	sor.u32 @!p1 s15, s14;
	s15 =	sand.u32 @!p1 $0x180, s16  }
0x1c: {  	s16 =	sshll.u32 @!p1 s9, $0xF;
	s15 =	sor.u32 @!p1 s17, s15;
	s14 =	sshrl.u32 @!p1 s14, $0x3  }
0x1d: {  	s16 =	sadd.s32 @!p1 s2, s16;
	s17 =	sand.u32 @!p1 $0x7, s7;
	s15 =	sshrl.u32 @!p1 s15, $0x3  }
0x1e: {  	s14 =	sand.u32 @!p1 $0x7FC0, s14;
	s15 =	sadd.s32 @!p1 s15, s16;
	s16 =	sshll.u32 @!p1 s17, $0x12  }
0x1f: {  	s14 =	sadd.s32 @!p1 s14, s15;
	s15 =	sor.u32 @!p1 $0x80, s16;
	s16 =	simm.s32 @!p1 $0x40000  }
0x20: {  	[tilespmem:s13], [sflag:$0x1] =	stream.strided.gather @!p1 [hbm4b:s14+s15], $0x4000, s16, s15, $0x38;
	[tilespmem:$0x10100] =	vst v63  }
0x21: {  	p1 =	seq.s32 s6, $0x0  }
0x22: {  	p2 =	seq.s32 @!p1 s6, $0x41  }
0x23: {  	p1 =	por p1, p2  }
.Ltmp2:
0x24: {  	_ = 	snop;
	(pc) =	sbr.rel @p1 .LBB1_5-.Ltmp2, $1  }
0x25: {  	_ =	sdelay $0x3  }
0x26: {  	s13 =	simm.s32 $0x1  }
0x27: {  	_ =	swait.ge [sflag:s4], $0x4000;
	s13 =	simm.s32 @!p0 $0x0  }
0x28: {  	[sflag:s4] =	ssyncset.done $0x0;
	s14 =	sshll.u32 s13, $0xE  }
0x29: {  	[sflag:s4] =	ssyncadd.s32 $0xFFFFC000;
	s16 =	sor.u32 $0x40, s14  }
0x2a: {  	s13 =	smul.u32 $0x10200, s13;
	v0 =	vld [tilespmem:s16+$0x30]  }
0x2b: {  	v3 =	vld [tilespmem:s16+$0xFFFFFFD0]  }
0x2c: {  	s13 =	sshrl.u32 s13, $0x2;
	v4 =	vld [tilespmem:s16+$0xFFFFFFE0]  }
0x2d: {  	v5 =	vld [tilespmem:s16+$0xFFFFFFF0];
	s14 =	sor.u32 $0x8000, s13  }
0x2e: {  	s31 =	sand.u32 $0x1, s6;
	v1 =	vld [tilespmem:s16+$0x0];
	s15 =	sadd.s32 $0x0, s14  }
0x2f: {  	v2 =	vld [tilespmem:s16+$0x10];
	s13 =	smul.u32 $0x10200, s31;
	[tilespmem:s15+$0x3870 ss:$0x81] =	vst.msk $0xffff, v0  }
0x30: {  	[tilespmem:s15+$0x810 ss:$0x81] =	vst.msk $0xffff, v3;
	v3 =	vld [tilespmem:s16+$0x20]  }
0x31: {  	s13 =	sshrl.u32 s13, $0x2;
	v0 =	vld [tilespmem:s16+$0xFFFFFFC0];
	[tilespmem:s15+$0x1020 ss:$0x81] =	vst.msk $0xffff, v4;
	s16 =	sadd.s32 $0x80, s16  }
0x32: {  	s17 =	simm.s32 $0x4;
	s18 =	simm.s32 $0x8;
	s13 =	sor.u32 $0x8000, s13;
	[tilespmem:s15+$0x1830 ss:$0x81] =	vst.msk $0xffff, v5;
	v4 =	vld [tilespmem:s16+$0x30]  }
.LBB1_3:
0x33: {  	p1 =	sne.s32 s18, $0x1FC;
	v5 =	vld [tilespmem:s16+$0xFFFFFFD0];
	[tilespmem:s15+$0x2040 ss:$0x81] =	vst.msk $0xffff, v1  }
0x34: {  	v6 =	vld [tilespmem:s16+$0xFFFFFFE0];
	[tilespmem:s15+$0x2850 ss:$0x81] =	vst.msk $0xffff, v2  }
0x35: {  	s19 =	sshra.s32 s17, $0x2;
	s17 =	smov.u32 s18;
	v7 =	vld [tilespmem:s16+$0xFFFFFFF0];
	[tilespmem:s15+$0x3060 ss:$0x81] =	vst.msk $0xffff, v3  }
.Ltmp3:
0x36: {  	v1 =	vld [tilespmem:s16+$0x0];
	[tilespmem:s15+$0x0 ss:$0x81] =	vst.msk $0xffff, v0;
	s15 =	sadd.s32 s19, s14;
	(pc) =	sbr.rel @p1 .LBB1_3-.Ltmp3, $4  }
0x37: {  	v2 =	vld [tilespmem:s16+$0x10];
	[tilespmem:s15+$0x3870 ss:$0x81] =	vst.msk $0xffff, v4  }
0x38: {  	[tilespmem:s15+$0x810 ss:$0x81] =	vst.msk $0xffff, v5;
	v3 =	vld [tilespmem:s16+$0x20]  }
0x39: {  	v0 =	vld [tilespmem:s16+$0xFFFFFFC0];
	[tilespmem:s15+$0x1020 ss:$0x81] =	vst.msk $0xffff, v6;
	s16 =	sadd.s32 $0x80, s16  }
0x3a: {  	s18 =	sadd.s32 $0x4, s18;
	v4 =	vld [tilespmem:s16+$0x30];
	[tilespmem:s15+$0x1830 ss:$0x81] =	vst.msk $0xffff, v7  }
0x3b: {  	v5 =	vld [tilespmem:s16+$0xFFFFFFD0];
	[tilespmem:s15+$0x2040 ss:$0x81] =	vst.msk $0xffff, v1  }
0x3c: {  	v58 =	vld [tilespmem:s16+$0xFFFFFFE0];
	[tilespmem:s15+$0x2850 ss:$0x81] =	vst.msk $0xffff, v2  }
0x3d: {  	s17 =	sshra.s32 s17, $0x2;
	v59 =	vld [tilespmem:s16+$0xFFFFFFF0];
	[tilespmem:s15+$0x3060 ss:$0x81] =	vst.msk $0xffff, v3  }
0x3e: {  	v60 =	vld [tilespmem:s16+$0x0];
	s14 =	sadd.s32 s17, s14;
	[tilespmem:s15+$0x0 ss:$0x81] =	vst.msk $0xffff, v0  }
0x3f: {  	v61 =	vld [tilespmem:s16+$0x10];
	[tilespmem:s14+$0x3870 ss:$0x81] =	vst.msk $0xffff, v4  }
0x40: {  	v62 =	vld [tilespmem:s16+$0x20];
	s12 =	sshll.u32 s12, $0x7;
	s28 =	sshll.u32 s10, $0x3;
	[tilespmem:s14+$0x810 ss:$0x81] =	vst.msk $0xffff, v5  }
0x41: {  	v63 =	vld [tilespmem:s16+$0xFFFFFFC0];
	s29 =	sand.u32 $0xFC00, s12;
	s15 =	sand.u32 $0xFC00, s28;
	[tilespmem:s14+$0x1020 ss:$0x81] =	vst.msk $0xffff, v58  }
0x42: {  	s11 =	sshll.u32 s11, $0xD;
	s12 =	sand.u32 $0x380, s12;
	s15 =	sadd.s32 s15, s29;
	[tilespmem:s14+$0x1830 ss:$0x81] =	vst.msk $0xffff, v59  }
.Ltmp4:
0x43: {  	s30 =	sshrl.u32 s10, $0x3;
	[tilespmem:s14+$0x2040 ss:$0x81] =	vst.msk $0xffff, v60;
	s12 =	sor.u32 s12, s15;
	(pc) =	sbr.rel .LBB1_5-.Ltmp4, $4  }
0x44: {  	s11 =	sadd.s32 s3, s11;
	[tilespmem:s14+$0x2850 ss:$0x81] =	vst.msk $0xffff, v61;
	s15 =	sand.u32 $0xF, s30;
	s12 =	sshrl.u32 s12, $0x3  }
0x45: {  	[tilespmem:s14+$0x3060 ss:$0x81] =	vst.msk $0xffff, v62;
	s11 =	sadd.s32 s15, s11;
	s12 =	sand.u32 $0x1FF0, s12  }
0x46: {  	s31 =	sand.u32 $0x7, s10;
	[tilespmem:s14+$0x0 ss:$0x81] =	vst.msk $0xffff, v63;
	s11 =	sadd.s32 s12, s11  }
0x47: {  	[hbm4b:s11+s31] =	stream.linear.scatter [tilespmem:s13], [sflag:$0x2], $0x4000, $0x20;
	[tilespmem:$0x10100] =	vst v63  }
.LBB1_6:
0x48: {  	_ =	sfence.sel $0x180000  }
0x49: {  	s2 =	simm.s32 $0x1;
	[bflag:$0x0] =	sbarrier.arrive $0xFFFF  }
0x4a: {  	s31 =	simm.s32 $0x2;
	[sflag:s2] =	ssyncpa.u1 $0x1  }
0x4b: {  	[sflag:s31] =	ssyncpa.u1 $0x1  }
0x4c: {  	p0 =	sne.s32 s1, $0x0;
	_ =	strace $0x90000047  }
0x4d: {  	s0 =	sadd.s32 @!p0 $0x100000, s0;
	[bflag:$0x2] =	sbarrier.arrive $0xFFFF  }
0x4e: {  	[sflag:s0] =	ssyncadd.tile.s32 @!p0 $0x1;
	_ =	shalt  }
.Lfunc_end1:
_tile_overlayer_lowered:
.L_overlay_start_2:
0x4f: {  	(tag) =	ssettag $0x2  }
0x50: {  	s0 =	rddreg [dreg:$0x0];
	s2 =	stileid.u32  }
0x51: {  	s1 =	rddreg [dreg:$0x1];
	p0 =	sne.s32 s2, $0x0  }
0x52: {  	s3 =	rddreg [dreg:$0x2];
	[bflag:$0x3] =	sbarrier.arrive $0xFFFF;
	s2 =	simm.s32 @!p0 $0x1C01  }
0x53: {  	[timem:s3], [sflag:s2] =	dma.local @!p0 [hbm:s0], s1  }
0x54: {  	s0 =	simm.s32 @!p0 $0x1  }
0x55: {  	_ =	swait.ge @!p0 [sflag:s0], s1  }
0x56: {  	s1 =	ssub.s32 @!p0 $0x0, s1;
	[sflag:s0] =	ssyncset.done @!p0 $0x0  }
0x57: {  	[sflag:s0] =	ssyncadd.s32 @!p0 s1  }
0x58: {  	[bflag:$0x3] =	sbarrier.arrive $0xFFFF  }
0x59: {  	_ =	shalt  }

</sc_bundles>
